<compile_context>
chip_gen: v7x
topology: tpu7x:2x2x1
jax: 0.10.2.dev20260603
libtpu: 0.0.44.dev20260713+nightly
codegen_flags: <defaults>
</compile_context>

<pallas_src>
import functools

import jax
import jax.numpy as jnp
from jax import lax
from jax.experimental import pallas as pl
from jax.experimental.pallas import tpu as pltpu
from jax.experimental.pallas import tpu_sc as plsc

N = 10000
E = 320000
D = 128
CTX = 16
C = 40

NC = 2
NS = 16
NW = NC * NS
CH = 128
NCHUNK = 80
G = 8
NG = NCHUNK // G
EP = NW * NCHUNK * CH
NP = 10240
RPT = NP // NS
SENT = N
DW = 128

BLK = 256



def _sc_agg_body(h_hbm, src_hbm, dst_hbm, acc_out, srcv, dstv, bufa, bufb,
                 acc_sh, sem):
    c = lax.axis_index("c")
    s = lax.axis_index("s")
    wid = s * NC + c

    zeros16 = jnp.zeros((16,), jnp.float32)

    def zrow(i, carry):
        for v in range(D // 16):
            bufa[i, pl.ds(v * 16, 16)] = zeros16
        return carry
    lax.fori_loop(0, CH, zrow, 0)
    for b in range(RPT // CH):
        pltpu.sync_copy(bufa, acc_sh.at[pl.ds(s * RPT + b * CH, CH)])
    plsc.subcore_barrier()

    def group(gi, carry):
        pltpu.sync_copy(src_hbm.at[wid].at[pl.ds(gi * G, G)], srcv)
        pltpu.sync_copy(dst_hbm.at[wid].at[pl.ds(gi * G, G)], dstv)

        cpa0 = pltpu.async_copy(h_hbm.at[srcv.at[0]], bufa, sem)

        def pair(k, carry2):
            pltpu.make_async_copy(h_hbm.at[srcv.at[2 * k]], bufa, sem).wait()
            cpb = pltpu.async_copy(h_hbm.at[srcv.at[2 * k + 1]], bufb, sem)
            pltpu.sync_copy(bufa, acc_sh.at[dstv.at[2 * k]], add=True)

            @pl.when(k < G // 2 - 1)
            def _():
                pltpu.async_copy(h_hbm.at[srcv.at[2 * k + 2]], bufa, sem)
            cpb.wait()
            pltpu.sync_copy(bufb, acc_sh.at[dstv.at[2 * k + 1]], add=True)
            return carry2
        lax.fori_loop(0, G // 2, pair, 0)
        return carry
    lax.fori_loop(0, NG, group, 0)
    plsc.subcore_barrier()

    for b in range(RPT // CH):
        pltpu.sync_copy(acc_sh.at[pl.ds(s * RPT + b * CH, CH)], bufa)
        pltpu.sync_copy(bufa, acc_out.at[c].at[pl.ds(s * RPT + b * CH, CH)])


@functools.lru_cache(maxsize=None)
def _make_sc_agg():
    mesh = plsc.VectorSubcoreMesh(core_axis_name="c", subcore_axis_name="s")
    return pl.kernel(
        _sc_agg_body,
        out_type=jax.ShapeDtypeStruct((NC, NP, D), jnp.float32),
        mesh=mesh,
        scratch_types=[
            pltpu.VMEM((G, CH), jnp.int32),
            pltpu.VMEM((G, CH), jnp.int32),
            pltpu.VMEM((CH, D), jnp.float32),
            pltpu.VMEM((CH, D), jnp.float32),
            pltpu.VMEM_SHARED((NP, D), jnp.float32),
            pltpu.SemaphoreType.DMA,
        ],
    )


def _sc_agg(*args):
    return _make_sc_agg()(*args)


def _sc_deg_body(dst_hbm, deg_out, dstv, ones_buf, deg_sh):
    c = lax.axis_index("c")
    s = lax.axis_index("s")
    wid = s * NC + c

    zeros16 = jnp.zeros((16,), jnp.float32)
    ones16 = jnp.ones((16,), jnp.float32)

    def zrow(i, carry):
        for v in range(DW // 16):
            ones_buf[i, pl.ds(v * 16, 16)] = zeros16
        return carry
    lax.fori_loop(0, CH, zrow, 0)
    for b in range(RPT // CH):
        pltpu.sync_copy(ones_buf, deg_sh.at[pl.ds(s * RPT + b * CH, CH)])

    def orow(i, carry):
        for v in range(DW // 16):
            ones_buf[i, pl.ds(v * 16, 16)] = ones16
        return carry
    lax.fori_loop(0, CH, orow, 0)
    plsc.subcore_barrier()

    def group(gi, carry):
        pltpu.sync_copy(dst_hbm.at[wid].at[pl.ds(gi * G, G)], dstv)

        def chunk(j, carry2):
            pltpu.sync_copy(ones_buf, deg_sh.at[dstv.at[j]], add=True)
            return carry2
        lax.fori_loop(0, G, chunk, 0)
        return carry
    lax.fori_loop(0, NG, group, 0)
    plsc.subcore_barrier()

    for b in range(RPT // CH):
        pltpu.sync_copy(deg_sh.at[pl.ds(s * RPT + b * CH, CH)], ones_buf)
        pltpu.sync_copy(ones_buf, deg_out.at[c].at[pl.ds(s * RPT + b * CH, CH)])


@functools.lru_cache(maxsize=None)
def _make_sc_deg():
    mesh = plsc.VectorSubcoreMesh(core_axis_name="c", subcore_axis_name="s")
    return pl.kernel(
        _sc_deg_body,
        out_type=jax.ShapeDtypeStruct((NC, NP, DW), jnp.float32),
        mesh=mesh,
        scratch_types=[
            pltpu.VMEM((G, CH), jnp.int32),
            pltpu.VMEM((CH, DW), jnp.float32),
            pltpu.VMEM_SHARED((NP, DW), jnp.float32),
        ],
    )


def _sc_deg(*args):
    return _make_sc_deg()(*args)



def _tc_dense_body(p_ref, d_ref, h_ref, wl, bl, wr, g_ref, be_ref, o_ref):
    deg = jnp.maximum(d_ref[0, :, :1] + d_ref[1, :, :1], 1.0)
    agg = (p_ref[0] + p_ref[1]) / deg
    t = (jnp.dot(agg, wl[...], preferred_element_type=jnp.float32)
         + jnp.dot(h_ref[...], wr[...], preferred_element_type=jnp.float32)
         + bl[...])
    mu = jnp.mean(t, axis=1, keepdims=True)
    var = jnp.mean((t - mu) ** 2, axis=1, keepdims=True)
    y = (t - mu) * lax.rsqrt(var + 1e-5) * g_ref[...] + be_ref[...]
    o_ref[...] = jnp.maximum(y, 0.0)


def _tc_dense(p, degp, h, W_l, b_l, W_r, g, be):
    full = lambda shape: pl.BlockSpec(shape, lambda b: tuple(0 for _ in shape))
    return pl.pallas_call(
        _tc_dense_body,
        grid=(NP // BLK,),
        in_specs=[
            pl.BlockSpec((NC, BLK, D), lambda b: (0, b, 0)),
            pl.BlockSpec((NC, BLK, DW), lambda b: (0, b, 0)),
            pl.BlockSpec((BLK, D), lambda b: (b, 0)),
            full((D, D)), full((1, D)), full((D, D)), full((1, D)), full((1, D)),
        ],
        out_specs=pl.BlockSpec((BLK, D), lambda b: (b, 0)),
        out_shape=jax.ShapeDtypeStruct((NP, D), jnp.float32),
    )(p, degp, h, W_l, b_l.reshape(1, D), W_r,
      g.reshape(1, D), be.reshape(1, D))



def _tc_head_body(h_ref, ctx_ref, wc1, bc1, wc2, bc2, w1a, w1b, bh1, w2, bh2,
                  o_ref):
    f32 = jnp.float32
    t = jnp.maximum(
        jnp.dot(ctx_ref[...], wc1[...], preferred_element_type=f32) + bc1[...],
        0.0)
    ctxf = jnp.dot(t, wc2[...], preferred_element_type=f32) + bc2[...]
    z = (jnp.dot(h_ref[...], w1a[...], preferred_element_type=f32)
         + jnp.dot(ctxf, w1b[...], preferred_element_type=f32)
         + bh1[...])
    z = jnp.maximum(z, 0.0)
    o_ref[...] = jnp.dot(z, w2[...], preferred_element_type=f32) + bh2[...]


def _tc_head(h, ctx, Wc1, bc1, Wc2, bc2, Wh1a, Wh1b, bh1, Wh2p, bh2p):
    full = lambda shape: pl.BlockSpec(shape, lambda b: tuple(0 for _ in shape))
    return pl.pallas_call(
        _tc_head_body,
        grid=(NP // BLK,),
        in_specs=[
            pl.BlockSpec((BLK, D), lambda b: (b, 0)),
            pl.BlockSpec((BLK, CTX), lambda b: (b, 0)),
            full((CTX, CTX)), full((1, CTX)), full((CTX, D)), full((1, D)),
            full((D, D)), full((D, D)), full((1, D)),
            full((D, D)), full((1, D)),
        ],
        out_specs=pl.BlockSpec((BLK, D), lambda b: (b, 0)),
        out_shape=jax.ShapeDtypeStruct((NP, D), jnp.float32),
    )(h, ctx, Wc1, bc1.reshape(1, CTX), Wc2, bc2.reshape(1, D),
      Wh1a, Wh1b, bh1.reshape(1, D), Wh2p, bh2p)



def kernel(x, edge_index, ctx_nodes, W_l0, b_l0, W_r0, g0, be0,
           W_l1, b_l1, W_r1, g1, be1, Wc1, bc1, Wc2, bc2,
           Wh1, bh1, Wh2, bh2):
    f32 = jnp.float32
    x_pad = jnp.concatenate([x, jnp.zeros((NP - N, D), f32)])
    ctx_pad = jnp.concatenate([ctx_nodes, jnp.zeros((NP - N, CTX), f32)])
    npad = EP - E
    ppw = npad // NW
    pad_src = ((jnp.arange(npad, dtype=jnp.int32) * 37) % N).reshape(NW, ppw)
    pad_dst = (N + (jnp.arange(npad, dtype=jnp.int32) % (NP - N))).reshape(NW, ppw)
    src = jnp.concatenate([edge_index[0].reshape(NW, E // NW), pad_src],
                          axis=1).reshape(NW, NCHUNK, CH)
    dst = jnp.concatenate([edge_index[1].reshape(NW, E // NW), pad_dst],
                          axis=1).reshape(NW, NCHUNK, CH)

    Wh1a = Wh1[:D]
    Wh1b = Wh1[D:]
    Wh2p = jnp.concatenate([Wh2, jnp.zeros((D, D - C), f32)], axis=1)
    bh2p = jnp.concatenate([bh2, jnp.zeros((D - C,), f32)]).reshape(1, D)

    degp = _sc_deg(dst)
    p0 = _sc_agg(x_pad, src, dst)
    h1 = _tc_dense(p0, degp, x_pad, W_l0, b_l0, W_r0, g0, be0)
    p1 = _sc_agg(h1, src, dst)
    h2 = _tc_dense(p1, degp, h1, W_l1, b_l1, W_r1, g1, be1)
    logits = _tc_head(h2, ctx_pad, Wc1, bc1, Wc2, bc2, Wh1a, Wh1b, bh1,
                      Wh2p, bh2p)
    return logits[:N, :C]

# --- scband reference (transcript-rebuilt; emitter-appended) ---
"""Pipeline reference for scband-sagecontext-node-classifier-26731876451134 (READ-ONLY COPY).

The authoritative reference and input builder live on the scoring server;
editing this copy changes nothing except your own understanding.
"""

import jax, jax.numpy as jnp
import numpy as np

N = 10000
E = 320000
D = 128   # input_dim
H = 128   # hidden_dim
CTX = 16  # context_dim
CB = 16   # ctx_bottleneck_dim
C = 40    # num_classes


def _glorot(key, fan_in, fan_out):
    scale = 1.0 / np.sqrt(fan_in)
    return jax.random.normal(key, (fan_in, fan_out), dtype=jnp.float32) * scale


def setup_inputs(seed: int = 0) -> dict:
    key = jax.random.key(seed)
    ks = jax.random.split(key, 24)
    inp = {}
    inp["x"] = jax.random.normal(ks[0], (N, D), dtype=jnp.float32)
    inp["edge_index"] = jax.random.randint(ks[1], (2, E), 0, N, dtype=jnp.int32)
    inp["ctx_nodes"] = jax.random.normal(ks[2], (N, CTX), dtype=jnp.float32)
    # SAGEConv layer 0: lin_l (aggregated neighbors, bias) + lin_r (root, no bias)
    inp["W_l0"] = _glorot(ks[3], D, H)
    inp["b_l0"] = jnp.zeros((H,), dtype=jnp.float32)
    inp["W_r0"] = _glorot(ks[4], D, H)
    inp["g0"] = jnp.ones((H,), dtype=jnp.float32)
    inp["be0"] = jnp.zeros((H,), dtype=jnp.float32)
    # SAGEConv layer 1
    inp["W_l1"] = _glorot(ks[5], H, H)
    inp["b_l1"] = jnp.zeros((H,), dtype=jnp.float32)
    inp["W_r1"] = _glorot(ks[6], H, H)
    inp["g1"] = jnp.ones((H,), dtype=jnp.float32)
    inp["be1"] = jnp.zeros((H,), dtype=jnp.float32)
    # ctx_proj: Linear(CTX->CB) -> ReLU -> Dropout -> Linear(CB->H)
    inp["Wc1"] = _glorot(ks[7], CTX, CB)
    inp["bc1"] = jnp.zeros((CB,), dtype=jnp.float32)
    inp["Wc2"] = _glorot(ks[8], CB, H)
    inp["bc2"] = jnp.zeros((H,), dtype=jnp.float32)
    # concat_head: Linear(2H->H) -> ReLU -> Dropout -> Linear(H->C)
    inp["Wh1"] = _glorot(ks[9], 2 * H, H)
    inp["bh1"] = jnp.zeros((H,), dtype=jnp.float32)
    inp["Wh2"] = _glorot(ks[10], H, C)
    inp["bh2"] = jnp.zeros((C,), dtype=jnp.float32)
    return inp


def _sage_layer(h, edge_index, W_l, b_l, W_r):
    # PyG SAGEConv with aggr='mean': out = lin_l(mean_{j in N(i)} x_j) + lin_r(x_i)
    src = edge_index[0]
    dst = edge_index[1]
    n = h.shape[0]
    msgs = h[src]  # gather
    agg = jax.ops.segment_sum(msgs, dst, num_segments=n)  # scatter-add
    deg = jax.ops.segment_sum(jnp.ones((src.shape[0],), dtype=h.dtype), dst, num_segments=n)
    agg = agg / jnp.maximum(deg, 1.0)[:, None]
    return agg @ W_l + b_l + h @ W_r


def _layer_norm(h, g, b, eps=1e-5):
    mu = jnp.mean(h, axis=-1, keepdims=True)
    var = jnp.var(h, axis=-1, keepdims=True)
    return (h - mu) / jnp.sqrt(var + eps) * g + b


def reference(x, edge_index, ctx_nodes, W_l0, b_l0, W_r0, g0, be0, W_l1, b_l1, W_r1, g1, be1, Wc1, bc1, Wc2, bc2, Wh1, bh1, Wh2, bh2):
    # eval mode: dropout layers are identity
    h = x
    h = jax.nn.relu(_layer_norm(_sage_layer(h, edge_index, W_l0, b_l0, W_r0), g0, be0))
    h = jax.nn.relu(_layer_norm(_sage_layer(h, edge_index, W_l1, b_l1, W_r1), g1, be1))
    # fuse_concat: ctx_proj then concat head (context_scale only used in film mode)
    ctx = jax.nn.relu(ctx_nodes @ Wc1 + bc1) @ Wc2 + bc2
    fused = jnp.concatenate([h, ctx], axis=1)
    logits = jax.nn.relu(fused @ Wh1 + bh1) @ Wh2 + bh2
    return logits

if __name__ == "__main__":
    import jax
    _d = setup_inputs()
    print(jax.jit(kernel)(*tuple(_d.values())))

</pallas_src>

<mosaic_0001>
#map = affine_map<(d0, d1) -> (0, 0)>
#map1 = affine_map<(d0, d1) -> (0, 0, 0)>
module attributes {stable_mosaic.version = 14 : i64} {
  func.func @_sc_agg_body(%arg0: i32, %arg1: i32, %arg2: memref<10240x128xf32, #tpu.memory_space<hbm>>, %arg3: memref<32x80x128xi32, #tpu.memory_space<hbm>>, %arg4: memref<32x80x128xi32, #tpu.memory_space<hbm>>, %arg5: memref<2x10240x128xf32, #tpu.memory_space<hbm>>, %arg6: memref<8x128xi32, #tpu.memory_space<vmem>>, %arg7: memref<8x128xi32, #tpu.memory_space<vmem>>, %arg8: memref<128x128xf32, #tpu.memory_space<vmem>>, %arg9: memref<128x128xf32, #tpu.memory_space<vmem>>, %arg10: memref<10240x128xf32, #tpu.memory_space<vmem_shared>>, %arg11: memref<!tpu.dma_semaphore, #tpu.memory_space<semaphore_mem>>) attributes {dimension_semantics = [#tpu.dimension_semantics<core_parallel>, #tpu.dimension_semantics<subcore_parallel>], iteration_bounds = array<i64: 2, 16>, scalar_prefetch = 0 : i64, scratch_operands = 6 : i64, tpu.core_type = #tpu.core_type<sc_vector_subcore>, window_params = [{transform_indices = #map}, {transform_indices = #map1}, {transform_indices = #map1}, {transform_indices = #map1}]} {
    %mul3A = arith.constant 2 : i32
    %mul3A_0 = arith.muli %arg1, %mul3A : i32
    %add3A = arith.addi %mul3A_0, %arg0 : i32
    %broadcast_in_dim3A = arith.constant 0.000000e+00 : f32
    %broadcast_in_dim3A_1 = vector.broadcast %broadcast_in_dim3A : f32 to vector<16xf32>
    %scan3A = arith.constant 0 : i32
    %scan3A_2 = arith.constant 0 : i32
    %scan3A_3 = arith.constant 128 : i32
    %scan3A_4 = arith.addi %scan3A_2, %scan3A_3 : i32
    %scan3A_5 = arith.constant 1 : i32
    scf.for %scan3A_74 = %scan3A_2 to %scan3A_4 step %scan3A_5  : i32 {
      %swap3A = arith.index_cast %scan3A_74 : i32 to index
      %swap3A_75 = arith.constant 0 : index
      %swap3A_76 = tpu.vector_load %arg8[%swap3A, %swap3A_75] {strides = array<i32>} : memref<128x128xf32, #tpu.memory_space<vmem>>, vector<1x16xf32>,
      %swap3A_77 = vector.shape_cast %swap3A_76 : vector<1x16xf32> to vector<16xf32>
      %swap3A_78 = vector.shape_cast %broadcast_in_dim3A_1 : vector<16xf32> to vector<1x16xf32>
      tpu.vector_store %arg8[%swap3A, %swap3A_75], %swap3A_78 {strides = array<i32>} : memref<128x128xf32, #tpu.memory_space<vmem>>, vector<1x16xf32>,
      %swap3A_79 = arith.index_cast %scan3A_74 : i32 to index
      %swap3A_80 = arith.constant 16 : index
      %swap3A_81 = tpu.vector_load %arg8[%swap3A_79, %swap3A_80] {strides = array<i32>} : memref<128x128xf32, #tpu.memory_space<vmem>>, vector<1x16xf32>,
      %swap3A_82 = vector.shape_cast %swap3A_81 : vector<1x16xf32> to vector<16xf32>
      %swap3A_83 = vector.shape_cast %broadcast_in_dim3A_1 : vector<16xf32> to vector<1x16xf32>
      tpu.vector_store %arg8[%swap3A_79, %swap3A_80], %swap3A_83 {strides = array<i32>} : memref<128x128xf32, #tpu.memory_space<vmem>>, vector<1x16xf32>,
      %swap3A_84 = arith.index_cast %scan3A_74 : i32 to index
      %swap3A_85 = arith.constant 32 : index
      %swap3A_86 = tpu.vector_load %arg8[%swap3A_84, %swap3A_85] {strides = array<i32>} : memref<128x128xf32, #tpu.memory_space<vmem>>, vector<1x16xf32>,
      %swap3A_87 = vector.shape_cast %swap3A_86 : vector<1x16xf32> to vector<16xf32>
      %swap3A_88 = vector.shape_cast %broadcast_in_dim3A_1 : vector<16xf32> to vector<1x16xf32>
      tpu.vector_store %arg8[%swap3A_84, %swap3A_85], %swap3A_88 {strides = array<i32>} : memref<128x128xf32, #tpu.memory_space<vmem>>, vector<1x16xf32>,
      %swap3A_89 = arith.index_cast %scan3A_74 : i32 to index
      %swap3A_90 = arith.constant 48 : index
      %swap3A_91 = tpu.vector_load %arg8[%swap3A_89, %swap3A_90] {strides = array<i32>} : memref<128x128xf32, #tpu.memory_space<vmem>>, vector<1x16xf32>,
      %swap3A_92 = vector.shape_cast %swap3A_91 : vector<1x16xf32> to vector<16xf32>
      %swap3A_93 = vector.shape_cast %broadcast_in_dim3A_1 : vector<16xf32> to vector<1x16xf32>
      tpu.vector_store %arg8[%swap3A_89, %swap3A_90], %swap3A_93 {strides = array<i32>} : memref<128x128xf32, #tpu.memory_space<vmem>>, vector<1x16xf32>,
      %swap3A_94 = arith.index_cast %scan3A_74 : i32 to index
      %swap3A_95 = arith.constant 64 : index
      %swap3A_96 = tpu.vector_load %arg8[%swap3A_94, %swap3A_95] {strides = array<i32>} : memref<128x128xf32, #tpu.memory_space<vmem>>, vector<1x16xf32>,
      %swap3A_97 = vector.shape_cast %swap3A_96 : vector<1x16xf32> to vector<16xf32>
      %swap3A_98 = vector.shape_cast %broadcast_in_dim3A_1 : vector<16xf32> to vector<1x16xf32>
      tpu.vector_store %arg8[%swap3A_94, %swap3A_95], %swap3A_98 {strides = array<i32>} : memref<128x128xf32, #tpu.memory_space<vmem>>, vector<1x16xf32>,
      %swap3A_99 = arith.index_cast %scan3A_74 : i32 to index
      %swap3A_100 = arith.constant 80 : index
      %swap3A_101 = tpu.vector_load %arg8[%swap3A_99, %swap3A_100] {strides = array<i32>} : memref<128x128xf32, #tpu.memory_space<vmem>>, vector<1x16xf32>,
      %swap3A_102 = vector.shape_cast %swap3A_101 : vector<1x16xf32> to vector<16xf32>
      %swap3A_103 = vector.shape_cast %broadcast_in_dim3A_1 : vector<16xf32> to vector<1x16xf32>
      tpu.vector_store %arg8[%swap3A_99, %swap3A_100], %swap3A_103 {strides = array<i32>} : memref<128x128xf32, #tpu.memory_space<vmem>>, vector<1x16xf32>,
      %swap3A_104 = arith.index_cast %scan3A_74 : i32 to index
      %swap3A_105 = arith.constant 96 : index
      %swap3A_106 = tpu.vector_load %arg8[%swap3A_104, %swap3A_105] {strides = array<i32>} : memref<128x128xf32, #tpu.memory_space<vmem>>, vector<1x16xf32>,
      %swap3A_107 = vector.shape_cast %swap3A_106 : vector<1x16xf32> to vector<16xf32>
      %swap3A_108 = vector.shape_cast %broadcast_in_dim3A_1 : vector<16xf32> to vector<1x16xf32>
      tpu.vector_store %arg8[%swap3A_104, %swap3A_105], %swap3A_108 {strides = array<i32>} : memref<128x128xf32, #tpu.memory_space<vmem>>, vector<1x16xf32>,
      %swap3A_109 = arith.index_cast %scan3A_74 : i32 to index
      %swap3A_110 = arith.constant 112 : index
      %swap3A_111 = tpu.vector_load %arg8[%swap3A_109, %swap3A_110] {strides = array<i32>} : memref<128x128xf32, #tpu.memory_space<vmem>>, vector<1x16xf32>,
      %swap3A_112 = vector.shape_cast %swap3A_111 : vector<1x16xf32> to vector<16xf32>
      %swap3A_113 = vector.shape_cast %broadcast_in_dim3A_1 : vector<16xf32> to vector<1x16xf32>
      tpu.vector_store %arg8[%swap3A_109, %swap3A_110], %swap3A_113 {strides = array<i32>} : memref<128x128xf32, #tpu.memory_space<vmem>>, vector<1x16xf32>,
    }
    %scan3A_6 = arith.constant 128 : i32
    %mul3A_7 = arith.constant 640 : i32
    %mul3A_8 = arith.muli %arg1, %mul3A_7 : i32
    %add3A_9 = arith.constant 0 : i32
    %add3A_10 = arith.addi %mul3A_8, %add3A_9 : i32
    "tpu.region"() ({
      %run_scoped3A = tpu.sem_alloc : memref<!tpu.dma_semaphore, #tpu.memory_space<semaphore_mem>>
      %dma_start3A = arith.constant 0 : i32
      %dma_start3A_74 = tpu.memref_slice %arg10[%add3A_10, %dma_start3A] : memref<10240x128xf32, #tpu.memory_space<vmem_shared>> -> memref<128x128xf32, #tpu.memory_space<vmem_shared>>
      %dma_start3A_75 = arith.constant 0 : i32
      %dma_start3A_76 = tpu.memref_slice %arg10[%add3A_10, %dma_start3A_75] : memref<10240x128xf32, #tpu.memory_space<vmem_shared>> -> memref<128x128xf32, #tpu.memory_space<vmem_shared>>
      tpu.enqueue_dma source(%arg8 : memref<128x128xf32, #tpu.memory_space<vmem>>) target(%dma_start3A_76 : memref<128x128xf32, #tpu.memory_space<vmem_shared>>) target_semaphore(%run_scoped3A : memref<!tpu.dma_semaphore, #tpu.memory_space<semaphore_mem>>)
      %dma_wait3A = arith.constant 0 : i32
      %dma_wait3A_77 = tpu.memref_slice %arg10[%add3A_10, %dma_wait3A] : memref<10240x128xf32, #tpu.memory_space<vmem_shared>> -> memref<128x128xf32, #tpu.memory_space<vmem_shared>>
      %dma_wait3A_78 = arith.constant 0 : i32
      %dma_wait3A_79 = tpu.memref_slice %arg10[%add3A_10, %dma_wait3A_78] : memref<10240x128xf32, #tpu.memory_space<vmem_shared>> -> memref<128x128xf32, #tpu.memory_space<vmem_shared>>
      tpu.wait_dma2 semaphore(%run_scoped3A : memref<!tpu.dma_semaphore, #tpu.memory_space<semaphore_mem>>) src(%arg8 : memref<128x128xf32, #tpu.memory_space<vmem>>) dst(%dma_wait3A_79 : memref<128x128xf32, #tpu.memory_space<vmem_shared>>)
      tpu.yield
    }) : () -> ()
    %mul3A_11 = arith.constant 640 : i32
    %mul3A_12 = arith.muli %arg1, %mul3A_11 : i32
    %add3A_13 = arith.constant 128 : i32
    %add3A_14 = arith.addi %mul3A_12, %add3A_13 : i32
    "tpu.region"() ({
      %run_scoped3A = tpu.sem_alloc : memref<!tpu.dma_semaphore, #tpu.memory_space<semaphore_mem>>
      %dma_start3A = arith.constant 0 : i32
      %dma_start3A_74 = tpu.memref_slice %arg10[%add3A_14, %dma_start3A] : memref<10240x128xf32, #tpu.memory_space<vmem_shared>> -> memref<128x128xf32, #tpu.memory_space<vmem_shared>>
      %dma_start3A_75 = arith.constant 0 : i32
      %dma_start3A_76 = tpu.memref_slice %arg10[%add3A_14, %dma_start3A_75] : memref<10240x128xf32, #tpu.memory_space<vmem_shared>> -> memref<128x128xf32, #tpu.memory_space<vmem_shared>>
      tpu.enqueue_dma source(%arg8 : memref<128x128xf32, #tpu.memory_space<vmem>>) target(%dma_start3A_76 : memref<128x128xf32, #tpu.memory_space<vmem_shared>>) target_semaphore(%run_scoped3A : memref<!tpu.dma_semaphore, #tpu.memory_space<semaphore_mem>>)
      %dma_wait3A = arith.constant 0 : i32
      %dma_wait3A_77 = tpu.memref_slice %arg10[%add3A_14, %dma_wait3A] : memref<10240x128xf32, #tpu.memory_space<vmem_shared>> -> memref<128x128xf32, #tpu.memory_space<vmem_shared>>
      %dma_wait3A_78 = arith.constant 0 : i32
      %dma_wait3A_79 = tpu.memref_slice %arg10[%add3A_14, %dma_wait3A_78] : memref<10240x128xf32, #tpu.memory_space<vmem_shared>> -> memref<128x128xf32, #tpu.memory_space<vmem_shared>>
      tpu.wait_dma2 semaphore(%run_scoped3A : memref<!tpu.dma_semaphore, #tpu.memory_space<semaphore_mem>>) src(%arg8 : memref<128x128xf32, #tpu.memory_space<vmem>>) dst(%dma_wait3A_79 : memref<128x128xf32, #tpu.memory_space<vmem_shared>>)
      tpu.yield
    }) : () -> ()
    %mul3A_15 = arith.constant 640 : i32
    %mul3A_16 = arith.muli %arg1, %mul3A_15 : i32
    %add3A_17 = arith.constant 256 : i32
    %add3A_18 = arith.addi %mul3A_16, %add3A_17 : i32
    "tpu.region"() ({
      %run_scoped3A = tpu.sem_alloc : memref<!tpu.dma_semaphore, #tpu.memory_space<semaphore_mem>>
      %dma_start3A = arith.constant 0 : i32
      %dma_start3A_74 = tpu.memref_slice %arg10[%add3A_18, %dma_start3A] : memref<10240x128xf32, #tpu.memory_space<vmem_shared>> -> memref<128x128xf32, #tpu.memory_space<vmem_shared>>
      %dma_start3A_75 = arith.constant 0 : i32
      %dma_start3A_76 = tpu.memref_slice %arg10[%add3A_18, %dma_start3A_75] : memref<10240x128xf32, #tpu.memory_space<vmem_shared>> -> memref<128x128xf32, #tpu.memory_space<vmem_shared>>
      tpu.enqueue_dma source(%arg8 : memref<128x128xf32, #tpu.memory_space<vmem>>) target(%dma_start3A_76 : memref<128x128xf32, #tpu.memory_space<vmem_shared>>) target_semaphore(%run_scoped3A : memref<!tpu.dma_semaphore, #tpu.memory_space<semaphore_mem>>)
      %dma_wait3A = arith.constant 0 : i32
      %dma_wait3A_77 = tpu.memref_slice %arg10[%add3A_18, %dma_wait3A] : memref<10240x128xf32, #tpu.memory_space<vmem_shared>> -> memref<128x128xf32, #tpu.memory_space<vmem_shared>>
      %dma_wait3A_78 = arith.constant 0 : i32
      %dma_wait3A_79 = tpu.memref_slice %arg10[%add3A_18, %dma_wait3A_78] : memref<10240x128xf32, #tpu.memory_space<vmem_shared>> -> memref<128x128xf32, #tpu.memory_space<vmem_shared>>
      tpu.wait_dma2 semaphore(%run_scoped3A : memref<!tpu.dma_semaphore, #tpu.memory_space<semaphore_mem>>) src(%arg8 : memref<128x128xf32, #tpu.memory_space<vmem>>) dst(%dma_wait3A_79 : memref<128x128xf32, #tpu.memory_space<vmem_shared>>)
      tpu.yield
    }) : () -> ()
    %mul3A_19 = arith.constant 640 : i32
    %mul3A_20 = arith.muli %arg1, %mul3A_19 : i32
    %add3A_21 = arith.constant 384 : i32
    %add3A_22 = arith.addi %mul3A_20, %add3A_21 : i32
    "tpu.region"() ({
      %run_scoped3A = tpu.sem_alloc : memref<!tpu.dma_semaphore, #tpu.memory_space<semaphore_mem>>
      %dma_start3A = arith.constant 0 : i32
      %dma_start3A_74 = tpu.memref_slice %arg10[%add3A_22, %dma_start3A] : memref<10240x128xf32, #tpu.memory_space<vmem_shared>> -> memref<128x128xf32, #tpu.memory_space<vmem_shared>>
      %dma_start3A_75 = arith.constant 0 : i32
      %dma_start3A_76 = tpu.memref_slice %arg10[%add3A_22, %dma_start3A_75] : memref<10240x128xf32, #tpu.memory_space<vmem_shared>> -> memref<128x128xf32, #tpu.memory_space<vmem_shared>>
      tpu.enqueue_dma source(%arg8 : memref<128x128xf32, #tpu.memory_space<vmem>>) target(%dma_start3A_76 : memref<128x128xf32, #tpu.memory_space<vmem_shared>>) target_semaphore(%run_scoped3A : memref<!tpu.dma_semaphore, #tpu.memory_space<semaphore_mem>>)
      %dma_wait3A = arith.constant 0 : i32
      %dma_wait3A_77 = tpu.memref_slice %arg10[%add3A_22, %dma_wait3A] : memref<10240x128xf32, #tpu.memory_space<vmem_shared>> -> memref<128x128xf32, #tpu.memory_space<vmem_shared>>
      %dma_wait3A_78 = arith.constant 0 : i32
      %dma_wait3A_79 = tpu.memref_slice %arg10[%add3A_22, %dma_wait3A_78] : memref<10240x128xf32, #tpu.memory_space<vmem_shared>> -> memref<128x128xf32, #tpu.memory_space<vmem_shared>>
      tpu.wait_dma2 semaphore(%run_scoped3A : memref<!tpu.dma_semaphore, #tpu.memory_space<semaphore_mem>>) src(%arg8 : memref<128x128xf32, #tpu.memory_space<vmem>>) dst(%dma_wait3A_79 : memref<128x128xf32, #tpu.memory_space<vmem_shared>>)
      tpu.yield
    }) : () -> ()
    %mul3A_23 = arith.constant 640 : i32
    %mul3A_24 = arith.muli %arg1, %mul3A_23 : i32
    %add3A_25 = arith.constant 512 : i32
    %add3A_26 = arith.addi %mul3A_24, %add3A_25 : i32
    "tpu.region"() ({
      %run_scoped3A = tpu.sem_alloc : memref<!tpu.dma_semaphore, #tpu.memory_space<semaphore_mem>>
      %dma_start3A = arith.constant 0 : i32
      %dma_start3A_74 = tpu.memref_slice %arg10[%add3A_26, %dma_start3A] : memref<10240x128xf32, #tpu.memory_space<vmem_shared>> -> memref<128x128xf32, #tpu.memory_space<vmem_shared>>
      %dma_start3A_75 = arith.constant 0 : i32
      %dma_start3A_76 = tpu.memref_slice %arg10[%add3A_26, %dma_start3A_75] : memref<10240x128xf32, #tpu.memory_space<vmem_shared>> -> memref<128x128xf32, #tpu.memory_space<vmem_shared>>
      tpu.enqueue_dma source(%arg8 : memref<128x128xf32, #tpu.memory_space<vmem>>) target(%dma_start3A_76 : memref<128x128xf32, #tpu.memory_space<vmem_shared>>) target_semaphore(%run_scoped3A : memref<!tpu.dma_semaphore, #tpu.memory_space<semaphore_mem>>)
      %dma_wait3A = arith.constant 0 : i32
      %dma_wait3A_77 = tpu.memref_slice %arg10[%add3A_26, %dma_wait3A] : memref<10240x128xf32, #tpu.memory_space<vmem_shared>> -> memref<128x128xf32, #tpu.memory_space<vmem_shared>>
      %dma_wait3A_78 = arith.constant 0 : i32
      %dma_wait3A_79 = tpu.memref_slice %arg10[%add3A_26, %dma_wait3A_78] : memref<10240x128xf32, #tpu.memory_space<vmem_shared>> -> memref<128x128xf32, #tpu.memory_space<vmem_shared>>
      tpu.wait_dma2 semaphore(%run_scoped3A : memref<!tpu.dma_semaphore, #tpu.memory_space<semaphore_mem>>) src(%arg8 : memref<128x128xf32, #tpu.memory_space<vmem>>) dst(%dma_wait3A_79 : memref<128x128xf32, #tpu.memory_space<vmem_shared>>)
      tpu.yield
    }) : () -> ()
    %barrier3A = arith.constant 0 : index
    tpu.barrier barrier_id(%barrier3A)
    %scan3A_27 = arith.constant 0 : i32
    %scan3A_28 = arith.constant 0 : i32
    %scan3A_29 = arith.constant 10 : i32
    %scan3A_30 = arith.addi %scan3A_28, %scan3A_29 : i32
    %scan3A_31 = arith.constant 1 : i32
    scf.for %scan3A_74 = %scan3A_28 to %scan3A_30 step %scan3A_31  : i32 {
      %mul3A_75 = arith.constant 8 : i32
      %mul3A_76 = arith.muli %scan3A_74, %mul3A_75 : i32
      "tpu.region"() ({
        %run_scoped3A = tpu.sem_alloc : memref<!tpu.dma_semaphore, #tpu.memory_space<semaphore_mem>>
        %dma_start3A_91 = arith.constant 0 : i32
        %dma_start3A_92 = arith.constant 0 : i32
        %dma_start3A_93 = tpu.memref_slice %arg3[%add3A, %dma_start3A_91, %dma_start3A_92] : memref<32x80x128xi32, #tpu.memory_space<hbm>> -> memref<1x80x128xi32, #tpu.memory_space<hbm>>
        %dma_start3A_94 = tpu.memref_squeeze %dma_start3A_93 : memref<1x80x128xi32, #tpu.memory_space<hbm>> -> memref<80x128xi32, #tpu.memory_space<hbm>>
        %dma_start3A_95 = arith.constant 0 : i32
        %dma_start3A_96 = tpu.memref_slice %dma_start3A_94[%mul3A_76, %dma_start3A_95] : memref<80x128xi32, #tpu.memory_space<hbm>> -> memref<8x128xi32, #tpu.memory_space<hbm>>
        %dma_start3A_97 = arith.constant 0 : i32
        %dma_start3A_98 = arith.constant 0 : i32
        %dma_start3A_99 = tpu.memref_slice %arg3[%add3A, %dma_start3A_97, %dma_start3A_98] : memref<32x80x128xi32, #tpu.memory_space<hbm>> -> memref<1x80x128xi32, #tpu.memory_space<hbm>>
        %dma_start3A_100 = tpu.memref_squeeze %dma_start3A_99 : memref<1x80x128xi32, #tpu.memory_space<hbm>> -> memref<80x128xi32, #tpu.memory_space<hbm>>
        %dma_start3A_101 = arith.constant 0 : i32
        %dma_start3A_102 = tpu.memref_slice %dma_start3A_100[%mul3A_76, %dma_start3A_101] : memref<80x128xi32, #tpu.memory_space<hbm>> -> memref<8x128xi32, #tpu.memory_space<hbm>>
        tpu.enqueue_dma source(%dma_start3A_102 : memref<8x128xi32, #tpu.memory_space<hbm>>) target(%arg6 : memref<8x128xi32, #tpu.memory_space<vmem>>) target_semaphore(%run_scoped3A : memref<!tpu.dma_semaphore, #tpu.memory_space<semaphore_mem>>)
        %dma_wait3A = arith.constant 0 : i32
        %dma_wait3A_103 = arith.constant 0 : i32
        %dma_wait3A_104 = tpu.memref_slice %arg3[%add3A, %dma_wait3A, %dma_wait3A_103] : memref<32x80x128xi32, #tpu.memory_space<hbm>> -> memref<1x80x128xi32, #tpu.memory_space<hbm>>
        %dma_wait3A_105 = tpu.memref_squeeze %dma_wait3A_104 : memref<1x80x128xi32, #tpu.memory_space<hbm>> -> memref<80x128xi32, #tpu.memory_space<hbm>>
        %dma_wait3A_106 = arith.constant 0 : i32
        %dma_wait3A_107 = tpu.memref_slice %dma_wait3A_105[%mul3A_76, %dma_wait3A_106] : memref<80x128xi32, #tpu.memory_space<hbm>> -> memref<8x128xi32, #tpu.memory_space<hbm>>
        %dma_wait3A_108 = arith.constant 0 : i32
        %dma_wait3A_109 = arith.constant 0 : i32
        %dma_wait3A_110 = tpu.memref_slice %arg3[%add3A, %dma_wait3A_108, %dma_wait3A_109] : memref<32x80x128xi32, #tpu.memory_space<hbm>> -> memref<1x80x128xi32, #tpu.memory_space<hbm>>
        %dma_wait3A_111 = tpu.memref_squeeze %dma_wait3A_110 : memref<1x80x128xi32, #tpu.memory_space<hbm>> -> memref<80x128xi32, #tpu.memory_space<hbm>>
        %dma_wait3A_112 = arith.constant 0 : i32
        %dma_wait3A_113 = tpu.memref_slice %dma_wait3A_111[%mul3A_76, %dma_wait3A_112] : memref<80x128xi32, #tpu.memory_space<hbm>> -> memref<8x128xi32, #tpu.memory_space<hbm>>
        tpu.wait_dma2 semaphore(%run_scoped3A : memref<!tpu.dma_semaphore, #tpu.memory_space<semaphore_mem>>) src(%dma_wait3A_113 : memref<8x128xi32, #tpu.memory_space<hbm>>) dst(%arg6 : memref<8x128xi32, #tpu.memory_space<vmem>>)
        tpu.yield
      }) : () -> ()
      %mul3A_77 = arith.constant 8 : i32
      %mul3A_78 = arith.muli %scan3A_74, %mul3A_77 : i32
      "tpu.region"() ({
        %run_scoped3A = tpu.sem_alloc : memref<!tpu.dma_semaphore, #tpu.memory_space<semaphore_mem>>
        %dma_start3A_91 = arith.constant 0 : i32
        %dma_start3A_92 = arith.constant 0 : i32
        %dma_start3A_93 = tpu.memref_slice %arg4[%add3A, %dma_start3A_91, %dma_start3A_92] : memref<32x80x128xi32, #tpu.memory_space<hbm>> -> memref<1x80x128xi32, #tpu.memory_space<hbm>>
        %dma_start3A_94 = tpu.memref_squeeze %dma_start3A_93 : memref<1x80x128xi32, #tpu.memory_space<hbm>> -> memref<80x128xi32, #tpu.memory_space<hbm>>
        %dma_start3A_95 = arith.constant 0 : i32
        %dma_start3A_96 = tpu.memref_slice %dma_start3A_94[%mul3A_78, %dma_start3A_95] : memref<80x128xi32, #tpu.memory_space<hbm>> -> memref<8x128xi32, #tpu.memory_space<hbm>>
        %dma_start3A_97 = arith.constant 0 : i32
        %dma_start3A_98 = arith.constant 0 : i32
        %dma_start3A_99 = tpu.memref_slice %arg4[%add3A, %dma_start3A_97, %dma_start3A_98] : memref<32x80x128xi32, #tpu.memory_space<hbm>> -> memref<1x80x128xi32, #tpu.memory_space<hbm>>
        %dma_start3A_100 = tpu.memref_squeeze %dma_start3A_99 : memref<1x80x128xi32, #tpu.memory_space<hbm>> -> memref<80x128xi32, #tpu.memory_space<hbm>>
        %dma_start3A_101 = arith.constant 0 : i32
        %dma_start3A_102 = tpu.memref_slice %dma_start3A_100[%mul3A_78, %dma_start3A_101] : memref<80x128xi32, #tpu.memory_space<hbm>> -> memref<8x128xi32, #tpu.memory_space<hbm>>
        tpu.enqueue_dma source(%dma_start3A_102 : memref<8x128xi32, #tpu.memory_space<hbm>>) target(%arg7 : memref<8x128xi32, #tpu.memory_space<vmem>>) target_semaphore(%run_scoped3A : memref<!tpu.dma_semaphore, #tpu.memory_space<semaphore_mem>>)
        %dma_wait3A = arith.constant 0 : i32
        %dma_wait3A_103 = arith.constant 0 : i32
        %dma_wait3A_104 = tpu.memref_slice %arg4[%add3A, %dma_wait3A, %dma_wait3A_103] : memref<32x80x128xi32, #tpu.memory_space<hbm>> -> memref<1x80x128xi32, #tpu.memory_space<hbm>>
        %dma_wait3A_105 = tpu.memref_squeeze %dma_wait3A_104 : memref<1x80x128xi32, #tpu.memory_space<hbm>> -> memref<80x128xi32, #tpu.memory_space<hbm>>
        %dma_wait3A_106 = arith.constant 0 : i32
        %dma_wait3A_107 = tpu.memref_slice %dma_wait3A_105[%mul3A_78, %dma_wait3A_106] : memref<80x128xi32, #tpu.memory_space<hbm>> -> memref<8x128xi32, #tpu.memory_space<hbm>>
        %dma_wait3A_108 = arith.constant 0 : i32
        %dma_wait3A_109 = arith.constant 0 : i32
        %dma_wait3A_110 = tpu.memref_slice %arg4[%add3A, %dma_wait3A_108, %dma_wait3A_109] : memref<32x80x128xi32, #tpu.memory_space<hbm>> -> memref<1x80x128xi32, #tpu.memory_space<hbm>>
        %dma_wait3A_111 = tpu.memref_squeeze %dma_wait3A_110 : memref<1x80x128xi32, #tpu.memory_space<hbm>> -> memref<80x128xi32, #tpu.memory_space<hbm>>
        %dma_wait3A_112 = arith.constant 0 : i32
        %dma_wait3A_113 = tpu.memref_slice %dma_wait3A_111[%mul3A_78, %dma_wait3A_112] : memref<80x128xi32, #tpu.memory_space<hbm>> -> memref<8x128xi32, #tpu.memory_space<hbm>>
        tpu.wait_dma2 semaphore(%run_scoped3A : memref<!tpu.dma_semaphore, #tpu.memory_space<semaphore_mem>>) src(%dma_wait3A_113 : memref<8x128xi32, #tpu.memory_space<hbm>>) dst(%arg7 : memref<8x128xi32, #tpu.memory_space<vmem>>)
        tpu.yield
      }) : () -> ()
      %dma_start3A = arith.constant 0 : i32
      %dma_start3A_79 = arith.constant 0 : i32
      %dma_start3A_80 = tpu.memref_slice %arg6[%dma_start3A, %dma_start3A_79] : memref<8x128xi32, #tpu.memory_space<vmem>> -> memref<1x128xi32, #tpu.memory_space<vmem>>
      %dma_start3A_81 = tpu.memref_squeeze %dma_start3A_80 : memref<1x128xi32, #tpu.memory_space<vmem>> -> memref<128xi32, #tpu.memory_space<vmem>>
      %dma_start3A_82 = arith.constant 0 : i32
      %dma_start3A_83 = arith.constant 0 : i32
      %dma_start3A_84 = tpu.memref_slice %arg2[%dma_start3A_82, %dma_start3A_83] : memref<10240x128xf32, #tpu.memory_space<hbm>> -> memref<10240x128xf32, #tpu.memory_space<hbm>>
      tpu.enqueue_indirect_dma source(%dma_start3A_84 : memref<10240x128xf32, #tpu.memory_space<hbm>>) target(%arg8 : memref<128x128xf32, #tpu.memory_space<vmem>>) offsets(%dma_start3A_81 : memref<128xi32, #tpu.memory_space<vmem>>) semaphore(%arg11 : memref<!tpu.dma_semaphore, #tpu.memory_space<semaphore_mem>>)
      %scan3A_85 = arith.constant 0 : i32
      %scan3A_86 = arith.constant 0 : i32
      %scan3A_87 = arith.constant 4 : i32
      %scan3A_88 = arith.addi %scan3A_86, %scan3A_87 : i32
      %scan3A_89 = arith.constant 1 : i32
      scf.for %scan3A_91 = %scan3A_86 to %scan3A_88 step %scan3A_89  : i32 {
        %mul3A_92 = arith.constant 2 : i32
        %mul3A_93 = arith.muli %mul3A_92, %scan3A_91 : i32
        %dma_wait3A = arith.constant 0 : i32
        %dma_wait3A_94 = tpu.memref_slice %arg6[%mul3A_93, %dma_wait3A] : memref<8x128xi32, #tpu.memory_space<vmem>> -> memref<1x128xi32, #tpu.memory_space<vmem>>
        %dma_wait3A_95 = tpu.memref_squeeze %dma_wait3A_94 : memref<1x128xi32, #tpu.memory_space<vmem>> -> memref<128xi32, #tpu.memory_space<vmem>>
        %dma_wait3A_96 = arith.constant 0 : i32
        %dma_wait3A_97 = arith.constant 0 : i32
        %dma_wait3A_98 = tpu.memref_slice %arg2[%dma_wait3A_96, %dma_wait3A_97] : memref<10240x128xf32, #tpu.memory_space<hbm>> -> memref<10240x128xf32, #tpu.memory_space<hbm>>
        tpu.wait_indirect_dma semaphore(%arg11 : memref<!tpu.dma_semaphore, #tpu.memory_space<semaphore_mem>>) src(%dma_wait3A_98 : memref<10240x128xf32, #tpu.memory_space<hbm>>) dst(%arg8 : memref<128x128xf32, #tpu.memory_space<vmem>>)
        %mul3A_99 = arith.constant 2 : i32
        %mul3A_100 = arith.muli %mul3A_99, %scan3A_91 : i32
        %add3A_101 = arith.constant 1 : i32
        %add3A_102 = arith.addi %mul3A_100, %add3A_101 : i32
        %dma_start3A_103 = arith.constant 0 : i32
        %dma_start3A_104 = tpu.memref_slice %arg6[%add3A_102, %dma_start3A_103] : memref<8x128xi32, #tpu.memory_space<vmem>> -> memref<1x128xi32, #tpu.memory_space<vmem>>
        %dma_start3A_105 = tpu.memref_squeeze %dma_start3A_104 : memref<1x128xi32, #tpu.memory_space<vmem>> -> memref<128xi32, #tpu.memory_space<vmem>>
        %dma_start3A_106 = arith.constant 0 : i32
        %dma_start3A_107 = arith.constant 0 : i32
        %dma_start3A_108 = tpu.memref_slice %arg2[%dma_start3A_106, %dma_start3A_107] : memref<10240x128xf32, #tpu.memory_space<hbm>> -> memref<10240x128xf32, #tpu.memory_space<hbm>>
        tpu.enqueue_indirect_dma source(%dma_start3A_108 : memref<10240x128xf32, #tpu.memory_space<hbm>>) target(%arg9 : memref<128x128xf32, #tpu.memory_space<vmem>>) offsets(%dma_start3A_105 : memref<128xi32, #tpu.memory_space<vmem>>) semaphore(%arg11 : memref<!tpu.dma_semaphore, #tpu.memory_space<semaphore_mem>>)
        %mul3A_109 = arith.constant 2 : i32
        %mul3A_110 = arith.muli %mul3A_109, %scan3A_91 : i32
        "tpu.region"() ({
          %run_scoped3A = tpu.sem_alloc : memref<!tpu.dma_semaphore, #tpu.memory_space<semaphore_mem>>
          %dma_start3A_123 = arith.constant 0 : i32
          %dma_start3A_124 = tpu.memref_slice %arg7[%mul3A_110, %dma_start3A_123] : memref<8x128xi32, #tpu.memory_space<vmem>> -> memref<1x128xi32, #tpu.memory_space<vmem>>
          %dma_start3A_125 = tpu.memref_squeeze %dma_start3A_124 : memref<1x128xi32, #tpu.memory_space<vmem>> -> memref<128xi32, #tpu.memory_space<vmem>>
          %dma_start3A_126 = arith.constant 0 : i32
          %dma_start3A_127 = arith.constant 0 : i32
          %dma_start3A_128 = tpu.memref_slice %arg10[%dma_start3A_126, %dma_start3A_127] : memref<10240x128xf32, #tpu.memory_space<vmem_shared>> -> memref<10240x128xf32, #tpu.memory_space<vmem_shared>>
          tpu.enqueue_indirect_dma source(%arg8 : memref<128x128xf32, #tpu.memory_space<vmem>>) target(%dma_start3A_128 : memref<10240x128xf32, #tpu.memory_space<vmem_shared>>) offsets(%dma_start3A_125 : memref<128xi32, #tpu.memory_space<vmem>>) semaphore(%run_scoped3A : memref<!tpu.dma_semaphore, #tpu.memory_space<semaphore_mem>>) {add = true}
          %dma_wait3A_129 = arith.constant 0 : i32
          %dma_wait3A_130 = tpu.memref_slice %arg7[%mul3A_110, %dma_wait3A_129] : memref<8x128xi32, #tpu.memory_space<vmem>> -> memref<1x128xi32, #tpu.memory_space<vmem>>
          %dma_wait3A_131 = tpu.memref_squeeze %dma_wait3A_130 : memref<1x128xi32, #tpu.memory_space<vmem>> -> memref<128xi32, #tpu.memory_space<vmem>>
          %dma_wait3A_132 = arith.constant 0 : i32
          %dma_wait3A_133 = arith.constant 0 : i32
          %dma_wait3A_134 = tpu.memref_slice %arg10[%dma_wait3A_132, %dma_wait3A_133] : memref<10240x128xf32, #tpu.memory_space<vmem_shared>> -> memref<10240x128xf32, #tpu.memory_space<vmem_shared>>
          tpu.wait_indirect_dma semaphore(%run_scoped3A : memref<!tpu.dma_semaphore, #tpu.memory_space<semaphore_mem>>) src(%arg8 : memref<128x128xf32, #tpu.memory_space<vmem>>) dst(%dma_wait3A_134 : memref<10240x128xf32, #tpu.memory_space<vmem_shared>>)
          tpu.yield
        }) : () -> ()
        %lt3A = arith.constant 3 : i32
        %lt3A_111 = arith.cmpi slt, %scan3A_91, %lt3A : i32
        %convert_element_type3A = arith.extui %lt3A_111 : i1 to i32
        %cond3A = arith.constant 0 : i32
        %cond3A_112 = arith.cmpi ne, %convert_element_type3A, %cond3A : i32
        scf.if %cond3A_112 {
          %mul3A_123 = arith.constant 2 : i32
          %mul3A_124 = arith.muli %mul3A_123, %scan3A_91 : i32
          %add3A_125 = arith.constant 2 : i32
          %add3A_126 = arith.addi %mul3A_124, %add3A_125 : i32
          %dma_start3A_127 = arith.constant 0 : i32
          %dma_start3A_128 = tpu.memref_slice %arg6[%add3A_126, %dma_start3A_127] : memref<8x128xi32, #tpu.memory_space<vmem>> -> memref<1x128xi32, #tpu.memory_space<vmem>>
          %dma_start3A_129 = tpu.memref_squeeze %dma_start3A_128 : memref<1x128xi32, #tpu.memory_space<vmem>> -> memref<128xi32, #tpu.memory_space<vmem>>
          %dma_start3A_130 = arith.constant 0 : i32
          %dma_start3A_131 = arith.constant 0 : i32
          %dma_start3A_132 = tpu.memref_slice %arg2[%dma_start3A_130, %dma_start3A_131] : memref<10240x128xf32, #tpu.memory_space<hbm>> -> memref<10240x128xf32, #tpu.memory_space<hbm>>
          tpu.enqueue_indirect_dma source(%dma_start3A_132 : memref<10240x128xf32, #tpu.memory_space<hbm>>) target(%arg8 : memref<128x128xf32, #tpu.memory_space<vmem>>) offsets(%dma_start3A_129 : memref<128xi32, #tpu.memory_space<vmem>>) semaphore(%arg11 : memref<!tpu.dma_semaphore, #tpu.memory_space<semaphore_mem>>)
        } else {
        }
        %dma_wait3A_113 = arith.constant 0 : i32
        %dma_wait3A_114 = tpu.memref_slice %arg6[%add3A_102, %dma_wait3A_113] : memref<8x128xi32, #tpu.memory_space<vmem>> -> memref<1x128xi32, #tpu.memory_space<vmem>>
        %dma_wait3A_115 = tpu.memref_squeeze %dma_wait3A_114 : memref<1x128xi32, #tpu.memory_space<vmem>> -> memref<128xi32, #tpu.memory_space<vmem>>
        %dma_wait3A_116 = arith.constant 0 : i32
        %dma_wait3A_117 = arith.constant 0 : i32
        %dma_wait3A_118 = tpu.memref_slice %arg2[%dma_wait3A_116, %dma_wait3A_117] : memref<10240x128xf32, #tpu.memory_space<hbm>> -> memref<10240x128xf32, #tpu.memory_space<hbm>>
        tpu.wait_indirect_dma semaphore(%arg11 : memref<!tpu.dma_semaphore, #tpu.memory_space<semaphore_mem>>) src(%dma_wait3A_118 : memref<10240x128xf32, #tpu.memory_space<hbm>>) dst(%arg9 : memref<128x128xf32, #tpu.memory_space<vmem>>)
        %mul3A_119 = arith.constant 2 : i32
        %mul3A_120 = arith.muli %mul3A_119, %scan3A_91 : i32
        %add3A_121 = arith.constant 1 : i32
        %add3A_122 = arith.addi %mul3A_120, %add3A_121 : i32
        "tpu.region"() ({
          %run_scoped3A = tpu.sem_alloc : memref<!tpu.dma_semaphore, #tpu.memory_space<semaphore_mem>>
          %dma_start3A_123 = arith.constant 0 : i32
          %dma_start3A_124 = tpu.memref_slice %arg7[%add3A_122, %dma_start3A_123] : memref<8x128xi32, #tpu.memory_space<vmem>> -> memref<1x128xi32, #tpu.memory_space<vmem>>
          %dma_start3A_125 = tpu.memref_squeeze %dma_start3A_124 : memref<1x128xi32, #tpu.memory_space<vmem>> -> memref<128xi32, #tpu.memory_space<vmem>>
          %dma_start3A_126 = arith.constant 0 : i32
          %dma_start3A_127 = arith.constant 0 : i32
          %dma_start3A_128 = tpu.memref_slice %arg10[%dma_start3A_126, %dma_start3A_127] : memref<10240x128xf32, #tpu.memory_space<vmem_shared>> -> memref<10240x128xf32, #tpu.memory_space<vmem_shared>>
          tpu.enqueue_indirect_dma source(%arg9 : memref<128x128xf32, #tpu.memory_space<vmem>>) target(%dma_start3A_128 : memref<10240x128xf32, #tpu.memory_space<vmem_shared>>) offsets(%dma_start3A_125 : memref<128xi32, #tpu.memory_space<vmem>>) semaphore(%run_scoped3A : memref<!tpu.dma_semaphore, #tpu.memory_space<semaphore_mem>>) {add = true}
          %dma_wait3A_129 = arith.constant 0 : i32
          %dma_wait3A_130 = tpu.memref_slice %arg7[%add3A_122, %dma_wait3A_129] : memref<8x128xi32, #tpu.memory_space<vmem>> -> memref<1x128xi32, #tpu.memory_space<vmem>>
          %dma_wait3A_131 = tpu.memref_squeeze %dma_wait3A_130 : memref<1x128xi32, #tpu.memory_space<vmem>> -> memref<128xi32, #tpu.memory_space<vmem>>
          %dma_wait3A_132 = arith.constant 0 : i32
          %dma_wait3A_133 = arith.constant 0 : i32
          %dma_wait3A_134 = tpu.memref_slice %arg10[%dma_wait3A_132, %dma_wait3A_133] : memref<10240x128xf32, #tpu.memory_space<vmem_shared>> -> memref<10240x128xf32, #tpu.memory_space<vmem_shared>>
          tpu.wait_indirect_dma semaphore(%run_scoped3A : memref<!tpu.dma_semaphore, #tpu.memory_space<semaphore_mem>>) src(%arg9 : memref<128x128xf32, #tpu.memory_space<vmem>>) dst(%dma_wait3A_134 : memref<10240x128xf32, #tpu.memory_space<vmem_shared>>)
          tpu.yield
        }) : () -> ()
      }
      %scan3A_90 = arith.constant 4 : i32
    }
    %scan3A_32 = arith.constant 10 : i32
    %barrier3A_33 = arith.constant 0 : index
    tpu.barrier barrier_id(%barrier3A_33)
    %mul3A_34 = arith.constant 640 : i32
    %mul3A_35 = arith.muli %arg1, %mul3A_34 : i32
    %add3A_36 = arith.constant 0 : i32
    %add3A_37 = arith.addi %mul3A_35, %add3A_36 : i32
    "tpu.region"() ({
      %run_scoped3A = tpu.sem_alloc : memref<!tpu.dma_semaphore, #tpu.memory_space<semaphore_mem>>
      %dma_start3A = arith.constant 0 : i32
      %dma_start3A_74 = tpu.memref_slice %arg10[%add3A_37, %dma_start3A] : memref<10240x128xf32, #tpu.memory_space<vmem_shared>> -> memref<128x128xf32, #tpu.memory_space<vmem_shared>>
      %dma_start3A_75 = arith.constant 0 : i32
      %dma_start3A_76 = tpu.memref_slice %arg10[%add3A_37, %dma_start3A_75] : memref<10240x128xf32, #tpu.memory_space<vmem_shared>> -> memref<128x128xf32, #tpu.memory_space<vmem_shared>>
      tpu.enqueue_dma source(%dma_start3A_76 : memref<128x128xf32, #tpu.memory_space<vmem_shared>>) target(%arg8 : memref<128x128xf32, #tpu.memory_space<vmem>>) target_semaphore(%run_scoped3A : memref<!tpu.dma_semaphore, #tpu.memory_space<semaphore_mem>>)
      %dma_wait3A = arith.constant 0 : i32
      %dma_wait3A_77 = tpu.memref_slice %arg10[%add3A_37, %dma_wait3A] : memref<10240x128xf32, #tpu.memory_space<vmem_shared>> -> memref<128x128xf32, #tpu.memory_space<vmem_shared>>
      %dma_wait3A_78 = arith.constant 0 : i32
      %dma_wait3A_79 = tpu.memref_slice %arg10[%add3A_37, %dma_wait3A_78] : memref<10240x128xf32, #tpu.memory_space<vmem_shared>> -> memref<128x128xf32, #tpu.memory_space<vmem_shared>>
      tpu.wait_dma2 semaphore(%run_scoped3A : memref<!tpu.dma_semaphore, #tpu.memory_space<semaphore_mem>>) src(%dma_wait3A_79 : memref<128x128xf32, #tpu.memory_space<vmem_shared>>) dst(%arg8 : memref<128x128xf32, #tpu.memory_space<vmem>>)
      tpu.yield
    }) : () -> ()
    %mul3A_38 = arith.constant 640 : i32
    %mul3A_39 = arith.muli %arg1, %mul3A_38 : i32
    %add3A_40 = arith.constant 0 : i32
    %add3A_41 = arith.addi %mul3A_39, %add3A_40 : i32
    "tpu.region"() ({
      %run_scoped3A = tpu.sem_alloc : memref<!tpu.dma_semaphore, #tpu.memory_space<semaphore_mem>>
      %dma_start3A = arith.constant 0 : i32
      %dma_start3A_74 = arith.constant 0 : i32
      %dma_start3A_75 = tpu.memref_slice %arg5[%arg0, %dma_start3A, %dma_start3A_74] : memref<2x10240x128xf32, #tpu.memory_space<hbm>> -> memref<1x10240x128xf32, #tpu.memory_space<hbm>>
      %dma_start3A_76 = tpu.memref_squeeze %dma_start3A_75 : memref<1x10240x128xf32, #tpu.memory_space<hbm>> -> memref<10240x128xf32, #tpu.memory_space<hbm>>
      %dma_start3A_77 = arith.constant 0 : i32
      %dma_start3A_78 = tpu.memref_slice %dma_start3A_76[%add3A_41, %dma_start3A_77] : memref<10240x128xf32, #tpu.memory_space<hbm>> -> memref<128x128xf32, #tpu.memory_space<hbm>>
      %dma_start3A_79 = arith.constant 0 : i32
      %dma_start3A_80 = arith.constant 0 : i32
      %dma_start3A_81 = tpu.memref_slice %arg5[%arg0, %dma_start3A_79, %dma_start3A_80] : memref<2x10240x128xf32, #tpu.memory_space<hbm>> -> memref<1x10240x128xf32, #tpu.memory_space<hbm>>
      %dma_start3A_82 = tpu.memref_squeeze %dma_start3A_81 : memref<1x10240x128xf32, #tpu.memory_space<hbm>> -> memref<10240x128xf32, #tpu.memory_space<hbm>>
      %dma_start3A_83 = arith.constant 0 : i32
      %dma_start3A_84 = tpu.memref_slice %dma_start3A_82[%add3A_41, %dma_start3A_83] : memref<10240x128xf32, #tpu.memory_space<hbm>> -> memref<128x128xf32, #tpu.memory_space<hbm>>
      tpu.enqueue_dma source(%arg8 : memref<128x128xf32, #tpu.memory_space<vmem>>) target(%dma_start3A_84 : memref<128x128xf32, #tpu.memory_space<hbm>>) target_semaphore(%run_scoped3A : memref<!tpu.dma_semaphore, #tpu.memory_space<semaphore_mem>>)
      %dma_wait3A = arith.constant 0 : i32
      %dma_wait3A_85 = arith.constant 0 : i32
      %dma_wait3A_86 = tpu.memref_slice %arg5[%arg0, %dma_wait3A, %dma_wait3A_85] : memref<2x10240x128xf32, #tpu.memory_space<hbm>> -> memref<1x10240x128xf32, #tpu.memory_space<hbm>>
      %dma_wait3A_87 = tpu.memref_squeeze %dma_wait3A_86 : memref<1x10240x128xf32, #tpu.memory_space<hbm>> -> memref<10240x128xf32, #tpu.memory_space<hbm>>
      %dma_wait3A_88 = arith.constant 0 : i32
      %dma_wait3A_89 = tpu.memref_slice %dma_wait3A_87[%add3A_41, %dma_wait3A_88] : memref<10240x128xf32, #tpu.memory_space<hbm>> -> memref<128x128xf32, #tpu.memory_space<hbm>>
      %dma_wait3A_90 = arith.constant 0 : i32
      %dma_wait3A_91 = arith.constant 0 : i32
      %dma_wait3A_92 = tpu.memref_slice %arg5[%arg0, %dma_wait3A_90, %dma_wait3A_91] : memref<2x10240x128xf32, #tpu.memory_space<hbm>> -> memref<1x10240x128xf32, #tpu.memory_space<hbm>>
      %dma_wait3A_93 = tpu.memref_squeeze %dma_wait3A_92 : memref<1x10240x128xf32, #tpu.memory_space<hbm>> -> memref<10240x128xf32, #tpu.memory_space<hbm>>
      %dma_wait3A_94 = arith.constant 0 : i32
      %dma_wait3A_95 = tpu.memref_slice %dma_wait3A_93[%add3A_41, %dma_wait3A_94] : memref<10240x128xf32, #tpu.memory_space<hbm>> -> memref<128x128xf32, #tpu.memory_space<hbm>>
      tpu.wait_dma2 semaphore(%run_scoped3A : memref<!tpu.dma_semaphore, #tpu.memory_space<semaphore_mem>>) src(%arg8 : memref<128x128xf32, #tpu.memory_space<vmem>>) dst(%dma_wait3A_95 : memref<128x128xf32, #tpu.memory_space<hbm>>)
      tpu.yield
    }) : () -> ()
    %mul3A_42 = arith.constant 640 : i32
    %mul3A_43 = arith.muli %arg1, %mul3A_42 : i32
    %add3A_44 = arith.constant 128 : i32
    %add3A_45 = arith.addi %mul3A_43, %add3A_44 : i32
    "tpu.region"() ({
      %run_scoped3A = tpu.sem_alloc : memref<!tpu.dma_semaphore, #tpu.memory_space<semaphore_mem>>
      %dma_start3A = arith.constant 0 : i32
      %dma_start3A_74 = tpu.memref_slice %arg10[%add3A_45, %dma_start3A] : memref<10240x128xf32, #tpu.memory_space<vmem_shared>> -> memref<128x128xf32, #tpu.memory_space<vmem_shared>>
      %dma_start3A_75 = arith.constant 0 : i32
      %dma_start3A_76 = tpu.memref_slice %arg10[%add3A_45, %dma_start3A_75] : memref<10240x128xf32, #tpu.memory_space<vmem_shared>> -> memref<128x128xf32, #tpu.memory_space<vmem_shared>>
      tpu.enqueue_dma source(%dma_start3A_76 : memref<128x128xf32, #tpu.memory_space<vmem_shared>>) target(%arg8 : memref<128x128xf32, #tpu.memory_space<vmem>>) target_semaphore(%run_scoped3A : memref<!tpu.dma_semaphore, #tpu.memory_space<semaphore_mem>>)
      %dma_wait3A = arith.constant 0 : i32
      %dma_wait3A_77 = tpu.memref_slice %arg10[%add3A_45, %dma_wait3A] : memref<10240x128xf32, #tpu.memory_space<vmem_shared>> -> memref<128x128xf32, #tpu.memory_space<vmem_shared>>
      %dma_wait3A_78 = arith.constant 0 : i32
      %dma_wait3A_79 = tpu.memref_slice %arg10[%add3A_45, %dma_wait3A_78] : memref<10240x128xf32, #tpu.memory_space<vmem_shared>> -> memref<128x128xf32, #tpu.memory_space<vmem_shared>>
      tpu.wait_dma2 semaphore(%run_scoped3A : memref<!tpu.dma_semaphore, #tpu.memory_space<semaphore_mem>>) src(%dma_wait3A_79 : memref<128x128xf32, #tpu.memory_space<vmem_shared>>) dst(%arg8 : memref<128x128xf32, #tpu.memory_space<vmem>>)
      tpu.yield
    }) : () -> ()
    %mul3A_46 = arith.constant 640 : i32
    %mul3A_47 = arith.muli %arg1, %mul3A_46 : i32
    %add3A_48 = arith.constant 128 : i32
    %add3A_49 = arith.addi %mul3A_47, %add3A_48 : i32
    "tpu.region"() ({
      %run_scoped3A = tpu.sem_alloc : memref<!tpu.dma_semaphore, #tpu.memory_space<semaphore_mem>>
      %dma_start3A = arith.constant 0 : i32
      %dma_start3A_74 = arith.constant 0 : i32
      %dma_start3A_75 = tpu.memref_slice %arg5[%arg0, %dma_start3A, %dma_start3A_74] : memref<2x10240x128xf32, #tpu.memory_space<hbm>> -> memref<1x10240x128xf32, #tpu.memory_space<hbm>>
      %dma_start3A_76 = tpu.memref_squeeze %dma_start3A_75 : memref<1x10240x128xf32, #tpu.memory_space<hbm>> -> memref<10240x128xf32, #tpu.memory_space<hbm>>
      %dma_start3A_77 = arith.constant 0 : i32
      %dma_start3A_78 = tpu.memref_slice %dma_start3A_76[%add3A_49, %dma_start3A_77] : memref<10240x128xf32, #tpu.memory_space<hbm>> -> memref<128x128xf32, #tpu.memory_space<hbm>>
      %dma_start3A_79 = arith.constant 0 : i32
      %dma_start3A_80 = arith.constant 0 : i32
      %dma_start3A_81 = tpu.memref_slice %arg5[%arg0, %dma_start3A_79, %dma_start3A_80] : memref<2x10240x128xf32, #tpu.memory_space<hbm>> -> memref<1x10240x128xf32, #tpu.memory_space<hbm>>
      %dma_start3A_82 = tpu.memref_squeeze %dma_start3A_81 : memref<1x10240x128xf32, #tpu.memory_space<hbm>> -> memref<10240x128xf32, #tpu.memory_space<hbm>>
      %dma_start3A_83 = arith.constant 0 : i32
      %dma_start3A_84 = tpu.memref_slice %dma_start3A_82[%add3A_49, %dma_start3A_83] : memref<10240x128xf32, #tpu.memory_space<hbm>> -> memref<128x128xf32, #tpu.memory_space<hbm>>
      tpu.enqueue_dma source(%arg8 : memref<128x128xf32, #tpu.memory_space<vmem>>) target(%dma_start3A_84 : memref<128x128xf32, #tpu.memory_space<hbm>>) target_semaphore(%run_scoped3A : memref<!tpu.dma_semaphore, #tpu.memory_space<semaphore_mem>>)
      %dma_wait3A = arith.constant 0 : i32
      %dma_wait3A_85 = arith.constant 0 : i32
      %dma_wait3A_86 = tpu.memref_slice %arg5[%arg0, %dma_wait3A, %dma_wait3A_85] : memref<2x10240x128xf32, #tpu.memory_space<hbm>> -> memref<1x10240x128xf32, #tpu.memory_space<hbm>>
      %dma_wait3A_87 = tpu.memref_squeeze %dma_wait3A_86 : memref<1x10240x128xf32, #tpu.memory_space<hbm>> -> memref<10240x128xf32, #tpu.memory_space<hbm>>
      %dma_wait3A_88 = arith.constant 0 : i32
      %dma_wait3A_89 = tpu.memref_slice %dma_wait3A_87[%add3A_49, %dma_wait3A_88] : memref<10240x128xf32, #tpu.memory_space<hbm>> -> memref<128x128xf32, #tpu.memory_space<hbm>>
      %dma_wait3A_90 = arith.constant 0 : i32
      %dma_wait3A_91 = arith.constant 0 : i32
      %dma_wait3A_92 = tpu.memref_slice %arg5[%arg0, %dma_wait3A_90, %dma_wait3A_91] : memref<2x10240x128xf32, #tpu.memory_space<hbm>> -> memref<1x10240x128xf32, #tpu.memory_space<hbm>>
      %dma_wait3A_93 = tpu.memref_squeeze %dma_wait3A_92 : memref<1x10240x128xf32, #tpu.memory_space<hbm>> -> memref<10240x128xf32, #tpu.memory_space<hbm>>
      %dma_wait3A_94 = arith.constant 0 : i32
      %dma_wait3A_95 = tpu.memref_slice %dma_wait3A_93[%add3A_49, %dma_wait3A_94] : memref<10240x128xf32, #tpu.memory_space<hbm>> -> memref<128x128xf32, #tpu.memory_space<hbm>>
      tpu.wait_dma2 semaphore(%run_scoped3A : memref<!tpu.dma_semaphore, #tpu.memory_space<semaphore_mem>>) src(%arg8 : memref<128x128xf32, #tpu.memory_space<vmem>>) dst(%dma_wait3A_95 : memref<128x128xf32, #tpu.memory_space<hbm>>)
      tpu.yield
    }) : () -> ()
    %mul3A_50 = arith.constant 640 : i32
    %mul3A_51 = arith.muli %arg1, %mul3A_50 : i32
    %add3A_52 = arith.constant 256 : i32
    %add3A_53 = arith.addi %mul3A_51, %add3A_52 : i32
    "tpu.region"() ({
      %run_scoped3A = tpu.sem_alloc : memref<!tpu.dma_semaphore, #tpu.memory_space<semaphore_mem>>
      %dma_start3A = arith.constant 0 : i32
      %dma_start3A_74 = tpu.memref_slice %arg10[%add3A_53, %dma_start3A] : memref<10240x128xf32, #tpu.memory_space<vmem_shared>> -> memref<128x128xf32, #tpu.memory_space<vmem_shared>>
      %dma_start3A_75 = arith.constant 0 : i32
      %dma_start3A_76 = tpu.memref_slice %arg10[%add3A_53, %dma_start3A_75] : memref<10240x128xf32, #tpu.memory_space<vmem_shared>> -> memref<128x128xf32, #tpu.memory_space<vmem_shared>>
      tpu.enqueue_dma source(%dma_start3A_76 : memref<128x128xf32, #tpu.memory_space<vmem_shared>>) target(%arg8 : memref<128x128xf32, #tpu.memory_space<vmem>>) target_semaphore(%run_scoped3A : memref<!tpu.dma_semaphore, #tpu.memory_space<semaphore_mem>>)
      %dma_wait3A = arith.constant 0 : i32
      %dma_wait3A_77 = tpu.memref_slice %arg10[%add3A_53, %dma_wait3A] : memref<10240x128xf32, #tpu.memory_space<vmem_shared>> -> memref<128x128xf32, #tpu.memory_space<vmem_shared>>
      %dma_wait3A_78 = arith.constant 0 : i32
      %dma_wait3A_79 = tpu.memref_slice %arg10[%add3A_53, %dma_wait3A_78] : memref<10240x128xf32, #tpu.memory_space<vmem_shared>> -> memref<128x128xf32, #tpu.memory_space<vmem_shared>>
      tpu.wait_dma2 semaphore(%run_scoped3A : memref<!tpu.dma_semaphore, #tpu.memory_space<semaphore_mem>>) src(%dma_wait3A_79 : memref<128x128xf32, #tpu.memory_space<vmem_shared>>) dst(%arg8 : memref<128x128xf32, #tpu.memory_space<vmem>>)
      tpu.yield
    }) : () -> ()
    %mul3A_54 = arith.constant 640 : i32
    %mul3A_55 = arith.muli %arg1, %mul3A_54 : i32
    %add3A_56 = arith.constant 256 : i32
    %add3A_57 = arith.addi %mul3A_55, %add3A_56 : i32
    "tpu.region"() ({
      %run_scoped3A = tpu.sem_alloc : memref<!tpu.dma_semaphore, #tpu.memory_space<semaphore_mem>>
      %dma_start3A = arith.constant 0 : i32
      %dma_start3A_74 = arith.constant 0 : i32
      %dma_start3A_75 = tpu.memref_slice %arg5[%arg0, %dma_start3A, %dma_start3A_74] : memref<2x10240x128xf32, #tpu.memory_space<hbm>> -> memref<1x10240x128xf32, #tpu.memory_space<hbm>>
      %dma_start3A_76 = tpu.memref_squeeze %dma_start3A_75 : memref<1x10240x128xf32, #tpu.memory_space<hbm>> -> memref<10240x128xf32, #tpu.memory_space<hbm>>
      %dma_start3A_77 = arith.constant 0 : i32
      %dma_start3A_78 = tpu.memref_slice %dma_start3A_76[%add3A_57, %dma_start3A_77] : memref<10240x128xf32, #tpu.memory_space<hbm>> -> memref<128x128xf32, #tpu.memory_space<hbm>>
      %dma_start3A_79 = arith.constant 0 : i32
      %dma_start3A_80 = arith.constant 0 : i32
      %dma_start3A_81 = tpu.memref_slice %arg5[%arg0, %dma_start3A_79, %dma_start3A_80] : memref<2x10240x128xf32, #tpu.memory_space<hbm>> -> memref<1x10240x128xf32, #tpu.memory_space<hbm>>
      %dma_start3A_82 = tpu.memref_squeeze %dma_start3A_81 : memref<1x10240x128xf32, #tpu.memory_space<hbm>> -> memref<10240x128xf32, #tpu.memory_space<hbm>>
      %dma_start3A_83 = arith.constant 0 : i32
      %dma_start3A_84 = tpu.memref_slice %dma_start3A_82[%add3A_57, %dma_start3A_83] : memref<10240x128xf32, #tpu.memory_space<hbm>> -> memref<128x128xf32, #tpu.memory_space<hbm>>
      tpu.enqueue_dma source(%arg8 : memref<128x128xf32, #tpu.memory_space<vmem>>) target(%dma_start3A_84 : memref<128x128xf32, #tpu.memory_space<hbm>>) target_semaphore(%run_scoped3A : memref<!tpu.dma_semaphore, #tpu.memory_space<semaphore_mem>>)
      %dma_wait3A = arith.constant 0 : i32
      %dma_wait3A_85 = arith.constant 0 : i32
      %dma_wait3A_86 = tpu.memref_slice %arg5[%arg0, %dma_wait3A, %dma_wait3A_85] : memref<2x10240x128xf32, #tpu.memory_space<hbm>> -> memref<1x10240x128xf32, #tpu.memory_space<hbm>>
      %dma_wait3A_87 = tpu.memref_squeeze %dma_wait3A_86 : memref<1x10240x128xf32, #tpu.memory_space<hbm>> -> memref<10240x128xf32, #tpu.memory_space<hbm>>
      %dma_wait3A_88 = arith.constant 0 : i32
      %dma_wait3A_89 = tpu.memref_slice %dma_wait3A_87[%add3A_57, %dma_wait3A_88] : memref<10240x128xf32, #tpu.memory_space<hbm>> -> memref<128x128xf32, #tpu.memory_space<hbm>>
      %dma_wait3A_90 = arith.constant 0 : i32
      %dma_wait3A_91 = arith.constant 0 : i32
      %dma_wait3A_92 = tpu.memref_slice %arg5[%arg0, %dma_wait3A_90, %dma_wait3A_91] : memref<2x10240x128xf32, #tpu.memory_space<hbm>> -> memref<1x10240x128xf32, #tpu.memory_space<hbm>>
      %dma_wait3A_93 = tpu.memref_squeeze %dma_wait3A_92 : memref<1x10240x128xf32, #tpu.memory_space<hbm>> -> memref<10240x128xf32, #tpu.memory_space<hbm>>
      %dma_wait3A_94 = arith.constant 0 : i32
      %dma_wait3A_95 = tpu.memref_slice %dma_wait3A_93[%add3A_57, %dma_wait3A_94] : memref<10240x128xf32, #tpu.memory_space<hbm>> -> memref<128x128xf32, #tpu.memory_space<hbm>>
      tpu.wait_dma2 semaphore(%run_scoped3A : memref<!tpu.dma_semaphore, #tpu.memory_space<semaphore_mem>>) src(%arg8 : memref<128x128xf32, #tpu.memory_space<vmem>>) dst(%dma_wait3A_95 : memref<128x128xf32, #tpu.memory_space<hbm>>)
      tpu.yield
    }) : () -> ()
    %mul3A_58 = arith.constant 640 : i32
    %mul3A_59 = arith.muli %arg1, %mul3A_58 : i32
    %add3A_60 = arith.constant 384 : i32
    %add3A_61 = arith.addi %mul3A_59, %add3A_60 : i32
    "tpu.region"() ({
      %run_scoped3A = tpu.sem_alloc : memref<!tpu.dma_semaphore, #tpu.memory_space<semaphore_mem>>
      %dma_start3A = arith.constant 0 : i32
      %dma_start3A_74 = tpu.memref_slice %arg10[%add3A_61, %dma_start3A] : memref<10240x128xf32, #tpu.memory_space<vmem_shared>> -> memref<128x128xf32, #tpu.memory_space<vmem_shared>>
      %dma_start3A_75 = arith.constant 0 : i32
      %dma_start3A_76 = tpu.memref_slice %arg10[%add3A_61, %dma_start3A_75] : memref<10240x128xf32, #tpu.memory_space<vmem_shared>> -> memref<128x128xf32, #tpu.memory_space<vmem_shared>>
      tpu.enqueue_dma source(%dma_start3A_76 : memref<128x128xf32, #tpu.memory_space<vmem_shared>>) target(%arg8 : memref<128x128xf32, #tpu.memory_space<vmem>>) target_semaphore(%run_scoped3A : memref<!tpu.dma_semaphore, #tpu.memory_space<semaphore_mem>>)
      %dma_wait3A = arith.constant 0 : i32
      %dma_wait3A_77 = tpu.memref_slice %arg10[%add3A_61, %dma_wait3A] : memref<10240x128xf32, #tpu.memory_space<vmem_shared>> -> memref<128x128xf32, #tpu.memory_space<vmem_shared>>
      %dma_wait3A_78 = arith.constant 0 : i32
      %dma_wait3A_79 = tpu.memref_slice %arg10[%add3A_61, %dma_wait3A_78] : memref<10240x128xf32, #tpu.memory_space<vmem_shared>> -> memref<128x128xf32, #tpu.memory_space<vmem_shared>>
      tpu.wait_dma2 semaphore(%run_scoped3A : memref<!tpu.dma_semaphore, #tpu.memory_space<semaphore_mem>>) src(%dma_wait3A_79 : memref<128x128xf32, #tpu.memory_space<vmem_shared>>) dst(%arg8 : memref<128x128xf32, #tpu.memory_space<vmem>>)
      tpu.yield
    }) : () -> ()
    %mul3A_62 = arith.constant 640 : i32
    %mul3A_63 = arith.muli %arg1, %mul3A_62 : i32
    %add3A_64 = arith.constant 384 : i32
    %add3A_65 = arith.addi %mul3A_63, %add3A_64 : i32
    "tpu.region"() ({
      %run_scoped3A = tpu.sem_alloc : memref<!tpu.dma_semaphore, #tpu.memory_space<semaphore_mem>>
      %dma_start3A = arith.constant 0 : i32
      %dma_start3A_74 = arith.constant 0 : i32
      %dma_start3A_75 = tpu.memref_slice %arg5[%arg0, %dma_start3A, %dma_start3A_74] : memref<2x10240x128xf32, #tpu.memory_space<hbm>> -> memref<1x10240x128xf32, #tpu.memory_space<hbm>>
      %dma_start3A_76 = tpu.memref_squeeze %dma_start3A_75 : memref<1x10240x128xf32, #tpu.memory_space<hbm>> -> memref<10240x128xf32, #tpu.memory_space<hbm>>
      %dma_start3A_77 = arith.constant 0 : i32
      %dma_start3A_78 = tpu.memref_slice %dma_start3A_76[%add3A_65, %dma_start3A_77] : memref<10240x128xf32, #tpu.memory_space<hbm>> -> memref<128x128xf32, #tpu.memory_space<hbm>>
      %dma_start3A_79 = arith.constant 0 : i32
      %dma_start3A_80 = arith.constant 0 : i32
      %dma_start3A_81 = tpu.memref_slice %arg5[%arg0, %dma_start3A_79, %dma_start3A_80] : memref<2x10240x128xf32, #tpu.memory_space<hbm>> -> memref<1x10240x128xf32, #tpu.memory_space<hbm>>
      %dma_start3A_82 = tpu.memref_squeeze %dma_start3A_81 : memref<1x10240x128xf32, #tpu.memory_space<hbm>> -> memref<10240x128xf32, #tpu.memory_space<hbm>>
      %dma_start3A_83 = arith.constant 0 : i32
      %dma_start3A_84 = tpu.memref_slice %dma_start3A_82[%add3A_65, %dma_start3A_83] : memref<10240x128xf32, #tpu.memory_space<hbm>> -> memref<128x128xf32, #tpu.memory_space<hbm>>
      tpu.enqueue_dma source(%arg8 : memref<128x128xf32, #tpu.memory_space<vmem>>) target(%dma_start3A_84 : memref<128x128xf32, #tpu.memory_space<hbm>>) target_semaphore(%run_scoped3A : memref<!tpu.dma_semaphore, #tpu.memory_space<semaphore_mem>>)
      %dma_wait3A = arith.constant 0 : i32
      %dma_wait3A_85 = arith.constant 0 : i32
      %dma_wait3A_86 = tpu.memref_slice %arg5[%arg0, %dma_wait3A, %dma_wait3A_85] : memref<2x10240x128xf32, #tpu.memory_space<hbm>> -> memref<1x10240x128xf32, #tpu.memory_space<hbm>>
      %dma_wait3A_87 = tpu.memref_squeeze %dma_wait3A_86 : memref<1x10240x128xf32, #tpu.memory_space<hbm>> -> memref<10240x128xf32, #tpu.memory_space<hbm>>
      %dma_wait3A_88 = arith.constant 0 : i32
      %dma_wait3A_89 = tpu.memref_slice %dma_wait3A_87[%add3A_65, %dma_wait3A_88] : memref<10240x128xf32, #tpu.memory_space<hbm>> -> memref<128x128xf32, #tpu.memory_space<hbm>>
      %dma_wait3A_90 = arith.constant 0 : i32
      %dma_wait3A_91 = arith.constant 0 : i32
      %dma_wait3A_92 = tpu.memref_slice %arg5[%arg0, %dma_wait3A_90, %dma_wait3A_91] : memref<2x10240x128xf32, #tpu.memory_space<hbm>> -> memref<1x10240x128xf32, #tpu.memory_space<hbm>>
      %dma_wait3A_93 = tpu.memref_squeeze %dma_wait3A_92 : memref<1x10240x128xf32, #tpu.memory_space<hbm>> -> memref<10240x128xf32, #tpu.memory_space<hbm>>
      %dma_wait3A_94 = arith.constant 0 : i32
      %dma_wait3A_95 = tpu.memref_slice %dma_wait3A_93[%add3A_65, %dma_wait3A_94] : memref<10240x128xf32, #tpu.memory_space<hbm>> -> memref<128x128xf32, #tpu.memory_space<hbm>>
      tpu.wait_dma2 semaphore(%run_scoped3A : memref<!tpu.dma_semaphore, #tpu.memory_space<semaphore_mem>>) src(%arg8 : memref<128x128xf32, #tpu.memory_space<vmem>>) dst(%dma_wait3A_95 : memref<128x128xf32, #tpu.memory_space<hbm>>)
      tpu.yield
    }) : () -> ()
    %mul3A_66 = arith.constant 640 : i32
    %mul3A_67 = arith.muli %arg1, %mul3A_66 : i32
    %add3A_68 = arith.constant 512 : i32
    %add3A_69 = arith.addi %mul3A_67, %add3A_68 : i32
    "tpu.region"() ({
      %run_scoped3A = tpu.sem_alloc : memref<!tpu.dma_semaphore, #tpu.memory_space<semaphore_mem>>
      %dma_start3A = arith.constant 0 : i32
      %dma_start3A_74 = tpu.memref_slice %arg10[%add3A_69, %dma_start3A] : memref<10240x128xf32, #tpu.memory_space<vmem_shared>> -> memref<128x128xf32, #tpu.memory_space<vmem_shared>>
      %dma_start3A_75 = arith.constant 0 : i32
      %dma_start3A_76 = tpu.memref_slice %arg10[%add3A_69, %dma_start3A_75] : memref<10240x128xf32, #tpu.memory_space<vmem_shared>> -> memref<128x128xf32, #tpu.memory_space<vmem_shared>>
      tpu.enqueue_dma source(%dma_start3A_76 : memref<128x128xf32, #tpu.memory_space<vmem_shared>>) target(%arg8 : memref<128x128xf32, #tpu.memory_space<vmem>>) target_semaphore(%run_scoped3A : memref<!tpu.dma_semaphore, #tpu.memory_space<semaphore_mem>>)
      %dma_wait3A = arith.constant 0 : i32
      %dma_wait3A_77 = tpu.memref_slice %arg10[%add3A_69, %dma_wait3A] : memref<10240x128xf32, #tpu.memory_space<vmem_shared>> -> memref<128x128xf32, #tpu.memory_space<vmem_shared>>
      %dma_wait3A_78 = arith.constant 0 : i32
      %dma_wait3A_79 = tpu.memref_slice %arg10[%add3A_69, %dma_wait3A_78] : memref<10240x128xf32, #tpu.memory_space<vmem_shared>> -> memref<128x128xf32, #tpu.memory_space<vmem_shared>>
      tpu.wait_dma2 semaphore(%run_scoped3A : memref<!tpu.dma_semaphore, #tpu.memory_space<semaphore_mem>>) src(%dma_wait3A_79 : memref<128x128xf32, #tpu.memory_space<vmem_shared>>) dst(%arg8 : memref<128x128xf32, #tpu.memory_space<vmem>>)
      tpu.yield
    }) : () -> ()
    %mul3A_70 = arith.constant 640 : i32
    %mul3A_71 = arith.muli %arg1, %mul3A_70 : i32
    %add3A_72 = arith.constant 512 : i32
    %add3A_73 = arith.addi %mul3A_71, %add3A_72 : i32
    "tpu.region"() ({
      %run_scoped3A = tpu.sem_alloc : memref<!tpu.dma_semaphore, #tpu.memory_space<semaphore_mem>>
      %dma_start3A = arith.constant 0 : i32
      %dma_start3A_74 = arith.constant 0 : i32
      %dma_start3A_75 = tpu.memref_slice %arg5[%arg0, %dma_start3A, %dma_start3A_74] : memref<2x10240x128xf32, #tpu.memory_space<hbm>> -> memref<1x10240x128xf32, #tpu.memory_space<hbm>>
      %dma_start3A_76 = tpu.memref_squeeze %dma_start3A_75 : memref<1x10240x128xf32, #tpu.memory_space<hbm>> -> memref<10240x128xf32, #tpu.memory_space<hbm>>
      %dma_start3A_77 = arith.constant 0 : i32
      %dma_start3A_78 = tpu.memref_slice %dma_start3A_76[%add3A_73, %dma_start3A_77] : memref<10240x128xf32, #tpu.memory_space<hbm>> -> memref<128x128xf32, #tpu.memory_space<hbm>>
      %dma_start3A_79 = arith.constant 0 : i32
      %dma_start3A_80 = arith.constant 0 : i32
      %dma_start3A_81 = tpu.memref_slice %arg5[%arg0, %dma_start3A_79, %dma_start3A_80] : memref<2x10240x128xf32, #tpu.memory_space<hbm>> -> memref<1x10240x128xf32, #tpu.memory_space<hbm>>
      %dma_start3A_82 = tpu.memref_squeeze %dma_start3A_81 : memref<1x10240x128xf32, #tpu.memory_space<hbm>> -> memref<10240x128xf32, #tpu.memory_space<hbm>>
      %dma_start3A_83 = arith.constant 0 : i32
      %dma_start3A_84 = tpu.memref_slice %dma_start3A_82[%add3A_73, %dma_start3A_83] : memref<10240x128xf32, #tpu.memory_space<hbm>> -> memref<128x128xf32, #tpu.memory_space<hbm>>
      tpu.enqueue_dma source(%arg8 : memref<128x128xf32, #tpu.memory_space<vmem>>) target(%dma_start3A_84 : memref<128x128xf32, #tpu.memory_space<hbm>>) target_semaphore(%run_scoped3A : memref<!tpu.dma_semaphore, #tpu.memory_space<semaphore_mem>>)
      %dma_wait3A = arith.constant 0 : i32
      %dma_wait3A_85 = arith.constant 0 : i32
      %dma_wait3A_86 = tpu.memref_slice %arg5[%arg0, %dma_wait3A, %dma_wait3A_85] : memref<2x10240x128xf32, #tpu.memory_space<hbm>> -> memref<1x10240x128xf32, #tpu.memory_space<hbm>>
      %dma_wait3A_87 = tpu.memref_squeeze %dma_wait3A_86 : memref<1x10240x128xf32, #tpu.memory_space<hbm>> -> memref<10240x128xf32, #tpu.memory_space<hbm>>
      %dma_wait3A_88 = arith.constant 0 : i32
      %dma_wait3A_89 = tpu.memref_slice %dma_wait3A_87[%add3A_73, %dma_wait3A_88] : memref<10240x128xf32, #tpu.memory_space<hbm>> -> memref<128x128xf32, #tpu.memory_space<hbm>>
      %dma_wait3A_90 = arith.constant 0 : i32
      %dma_wait3A_91 = arith.constant 0 : i32
      %dma_wait3A_92 = tpu.memref_slice %arg5[%arg0, %dma_wait3A_90, %dma_wait3A_91] : memref<2x10240x128xf32, #tpu.memory_space<hbm>> -> memref<1x10240x128xf32, #tpu.memory_space<hbm>>
      %dma_wait3A_93 = tpu.memref_squeeze %dma_wait3A_92 : memref<1x10240x128xf32, #tpu.memory_space<hbm>> -> memref<10240x128xf32, #tpu.memory_space<hbm>>
      %dma_wait3A_94 = arith.constant 0 : i32
      %dma_wait3A_95 = tpu.memref_slice %dma_wait3A_93[%add3A_73, %dma_wait3A_94] : memref<10240x128xf32, #tpu.memory_space<hbm>> -> memref<128x128xf32, #tpu.memory_space<hbm>>
      tpu.wait_dma2 semaphore(%run_scoped3A : memref<!tpu.dma_semaphore, #tpu.memory_space<semaphore_mem>>) src(%arg8 : memref<128x128xf32, #tpu.memory_space<vmem>>) dst(%dma_wait3A_95 : memref<128x128xf32, #tpu.memory_space<hbm>>)
      tpu.yield
    }) : () -> ()
    return
  }
}

#map = affine_map<(d0, d1) -> (0, 0)>
#map1 = affine_map<(d0, d1) -> (0, 0, 0)>
module attributes {stable_mosaic.version = 14 : i64} {
  func.func @_sc_agg_body(%arg0: i32, %arg1: i32, %arg2: memref<10240x128xf32, #tpu.memory_space<hbm>>, %arg3: memref<32x80x128xi32, #tpu.memory_space<hbm>>, %arg4: memref<32x80x128xi32, #tpu.memory_space<hbm>>, %arg5: memref<2x10240x128xf32, #tpu.memory_space<hbm>>, %arg6: memref<8x128xi32, #tpu.memory_space<vmem>>, %arg7: memref<8x128xi32, #tpu.memory_space<vmem>>, %arg8: memref<128x128xf32, #tpu.memory_space<vmem>>, %arg9: memref<128x128xf32, #tpu.memory_space<vmem>>, %arg10: memref<10240x128xf32, #tpu.memory_space<vmem_shared>>, %arg11: memref<!tpu.dma_semaphore, #tpu.memory_space<semaphore_mem>>) attributes {dimension_semantics = [#tpu.dimension_semantics<core_parallel>, #tpu.dimension_semantics<subcore_parallel>], iteration_bounds = array<i64: 2, 16>, scalar_prefetch = 0 : i64, scratch_operands = 6 : i64, tpu.core_type = #tpu.core_type<sc_vector_subcore>, window_params = [{transform_indices = #map}, {transform_indices = #map1}, {transform_indices = #map1}, {transform_indices = #map1}]} {
    %mul3A = arith.constant 2 : i32
    %mul3A_0 = arith.muli %arg1, %mul3A : i32
    %add3A = arith.addi %mul3A_0, %arg0 : i32
    %broadcast_in_dim3A = arith.constant 0.000000e+00 : f32
    %broadcast_in_dim3A_1 = vector.broadcast %broadcast_in_dim3A : f32 to vector<16xf32>
    %scan3A = arith.constant 0 : i32
    %scan3A_2 = arith.constant 0 : i32
    %scan3A_3 = arith.constant 128 : i32
    %scan3A_4 = arith.addi %scan3A_2, %scan3A_3 : i32
    %scan3A_5 = arith.constant 1 : i32
    scf.for %scan3A_74 = %scan3A_2 to %scan3A_4 step %scan3A_5  : i32 {
      %swap3A = arith.index_cast %scan3A_74 : i32 to index
      %swap3A_75 = arith.constant 0 : index
      %swap3A_76 = tpu.vector_load %arg8[%swap3A, %swap3A_75] {strides = array<i32>} : memref<128x128xf32, #tpu.memory_space<vmem>>, vector<1x16xf32>,
      %swap3A_77 = vector.shape_cast %swap3A_76 : vector<1x16xf32> to vector<16xf32>
      %swap3A_78 = vector.shape_cast %broadcast_in_dim3A_1 : vector<16xf32> to vector<1x16xf32>
      tpu.vector_store %arg8[%swap3A, %swap3A_75], %swap3A_78 {strides = array<i32>} : memref<128x128xf32, #tpu.memory_space<vmem>>, vector<1x16xf32>,
      %swap3A_79 = arith.index_cast %scan3A_74 : i32 to index
      %swap3A_80 = arith.constant 16 : index
      %swap3A_81 = tpu.vector_load %arg8[%swap3A_79, %swap3A_80] {strides = array<i32>} : memref<128x128xf32, #tpu.memory_space<vmem>>, vector<1x16xf32>,
      %swap3A_82 = vector.shape_cast %swap3A_81 : vector<1x16xf32> to vector<16xf32>
      %swap3A_83 = vector.shape_cast %broadcast_in_dim3A_1 : vector<16xf32> to vector<1x16xf32>
      tpu.vector_store %arg8[%swap3A_79, %swap3A_80], %swap3A_83 {strides = array<i32>} : memref<128x128xf32, #tpu.memory_space<vmem>>, vector<1x16xf32>,
      %swap3A_84 = arith.index_cast %scan3A_74 : i32 to index
      %swap3A_85 = arith.constant 32 : index
      %swap3A_86 = tpu.vector_load %arg8[%swap3A_84, %swap3A_85] {strides = array<i32>} : memref<128x128xf32, #tpu.memory_space<vmem>>, vector<1x16xf32>,
      %swap3A_87 = vector.shape_cast %swap3A_86 : vector<1x16xf32> to vector<16xf32>
      %swap3A_88 = vector.shape_cast %broadcast_in_dim3A_1 : vector<16xf32> to vector<1x16xf32>
      tpu.vector_store %arg8[%swap3A_84, %swap3A_85], %swap3A_88 {strides = array<i32>} : memref<128x128xf32, #tpu.memory_space<vmem>>, vector<1x16xf32>,
      %swap3A_89 = arith.index_cast %scan3A_74 : i32 to index
      %swap3A_90 = arith.constant 48 : index
      %swap3A_91 = tpu.vector_load %arg8[%swap3A_89, %swap3A_90] {strides = array<i32>} : memref<128x128xf32, #tpu.memory_space<vmem>>, vector<1x16xf32>,
      %swap3A_92 = vector.shape_cast %swap3A_91 : vector<1x16xf32> to vector<16xf32>
      %swap3A_93 = vector.shape_cast %broadcast_in_dim3A_1 : vector<16xf32> to vector<1x16xf32>
      tpu.vector_store %arg8[%swap3A_89, %swap3A_90], %swap3A_93 {strides = array<i32>} : memref<128x128xf32, #tpu.memory_space<vmem>>, vector<1x16xf32>,
      %swap3A_94 = arith.index_cast %scan3A_74 : i32 to index
      %swap3A_95 = arith.constant 64 : index
      %swap3A_96 = tpu.vector_load %arg8[%swap3A_94, %swap3A_95] {strides = array<i32>} : memref<128x128xf32, #tpu.memory_space<vmem>>, vector<1x16xf32>,
      %swap3A_97 = vector.shape_cast %swap3A_96 : vector<1x16xf32> to vector<16xf32>
      %swap3A_98 = vector.shape_cast %broadcast_in_dim3A_1 : vector<16xf32> to vector<1x16xf32>
      tpu.vector_store %arg8[%swap3A_94, %swap3A_95], %swap3A_98 {strides = array<i32>} : memref<128x128xf32, #tpu.memory_space<vmem>>, vector<1x16xf32>,
      %swap3A_99 = arith.index_cast %scan3A_74 : i32 to index
      %swap3A_100 = arith.constant 80 : index
      %swap3A_101 = tpu.vector_load %arg8[%swap3A_99, %swap3A_100] {strides = array<i32>} : memref<128x128xf32, #tpu.memory_space<vmem>>, vector<1x16xf32>,
      %swap3A_102 = vector.shape_cast %swap3A_101 : vector<1x16xf32> to vector<16xf32>
      %swap3A_103 = vector.shape_cast %broadcast_in_dim3A_1 : vector<16xf32> to vector<1x16xf32>
      tpu.vector_store %arg8[%swap3A_99, %swap3A_100], %swap3A_103 {strides = array<i32>} : memref<128x128xf32, #tpu.memory_space<vmem>>, vector<1x16xf32>,
      %swap3A_104 = arith.index_cast %scan3A_74 : i32 to index
      %swap3A_105 = arith.constant 96 : index
      %swap3A_106 = tpu.vector_load %arg8[%swap3A_104, %swap3A_105] {strides = array<i32>} : memref<128x128xf32, #tpu.memory_space<vmem>>, vector<1x16xf32>,
      %swap3A_107 = vector.shape_cast %swap3A_106 : vector<1x16xf32> to vector<16xf32>
      %swap3A_108 = vector.shape_cast %broadcast_in_dim3A_1 : vector<16xf32> to vector<1x16xf32>
      tpu.vector_store %arg8[%swap3A_104, %swap3A_105], %swap3A_108 {strides = array<i32>} : memref<128x128xf32, #tpu.memory_space<vmem>>, vector<1x16xf32>,
      %swap3A_109 = arith.index_cast %scan3A_74 : i32 to index
      %swap3A_110 = arith.constant 112 : index
      %swap3A_111 = tpu.vector_load %arg8[%swap3A_109, %swap3A_110] {strides = array<i32>} : memref<128x128xf32, #tpu.memory_space<vmem>>, vector<1x16xf32>,
      %swap3A_112 = vector.shape_cast %swap3A_111 : vector<1x16xf32> to vector<16xf32>
      %swap3A_113 = vector.shape_cast %broadcast_in_dim3A_1 : vector<16xf32> to vector<1x16xf32>
      tpu.vector_store %arg8[%swap3A_109, %swap3A_110], %swap3A_113 {strides = array<i32>} : memref<128x128xf32, #tpu.memory_space<vmem>>, vector<1x16xf32>,
    }
    %scan3A_6 = arith.constant 128 : i32
    %mul3A_7 = arith.constant 640 : i32
    %mul3A_8 = arith.muli %arg1, %mul3A_7 : i32
    %add3A_9 = arith.constant 0 : i32
    %add3A_10 = arith.addi %mul3A_8, %add3A_9 : i32
    "tpu.region"() ({
      %run_scoped3A = tpu.sem_alloc : memref<!tpu.dma_semaphore, #tpu.memory_space<semaphore_mem>>
      %dma_start3A = arith.constant 0 : i32
      %dma_start3A_74 = tpu.memref_slice %arg10[%add3A_10, %dma_start3A] : memref<10240x128xf32, #tpu.memory_space<vmem_shared>> -> memref<128x128xf32, #tpu.memory_space<vmem_shared>>
      %dma_start3A_75 = arith.constant 0 : i32
      %dma_start3A_76 = tpu.memref_slice %arg10[%add3A_10, %dma_start3A_75] : memref<10240x128xf32, #tpu.memory_space<vmem_shared>> -> memref<128x128xf32, #tpu.memory_space<vmem_shared>>
      tpu.enqueue_dma source(%arg8 : memref<128x128xf32, #tpu.memory_space<vmem>>) target(%dma_start3A_76 : memref<128x128xf32, #tpu.memory_space<vmem_shared>>) target_semaphore(%run_scoped3A : memref<!tpu.dma_semaphore, #tpu.memory_space<semaphore_mem>>)
      %dma_wait3A = arith.constant 0 : i32
      %dma_wait3A_77 = tpu.memref_slice %arg10[%add3A_10, %dma_wait3A] : memref<10240x128xf32, #tpu.memory_space<vmem_shared>> -> memref<128x128xf32, #tpu.memory_space<vmem_shared>>
      %dma_wait3A_78 = arith.constant 0 : i32
      %dma_wait3A_79 = tpu.memref_slice %arg10[%add3A_10, %dma_wait3A_78] : memref<10240x128xf32, #tpu.memory_space<vmem_shared>> -> memref<128x128xf32, #tpu.memory_space<vmem_shared>>
      tpu.wait_dma2 semaphore(%run_scoped3A : memref<!tpu.dma_semaphore, #tpu.memory_space<semaphore_mem>>) src(%arg8 : memref<128x128xf32, #tpu.memory_space<vmem>>) dst(%dma_wait3A_79 : memref<128x128xf32, #tpu.memory_space<vmem_shared>>)
      tpu.yield
    }) : () -> ()
    %mul3A_11 = arith.constant 640 : i32
    %mul3A_12 = arith.muli %arg1, %mul3A_11 : i32
    %add3A_13 = arith.constant 128 : i32
    %add3A_14 = arith.addi %mul3A_12, %add3A_13 : i32
    "tpu.region"() ({
      %run_scoped3A = tpu.sem_alloc : memref<!tpu.dma_semaphore, #tpu.memory_space<semaphore_mem>>
      %dma_start3A = arith.constant 0 : i32
      %dma_start3A_74 = tpu.memref_slice %arg10[%add3A_14, %dma_start3A] : memref<10240x128xf32, #tpu.memory_space<vmem_shared>> -> memref<128x128xf32, #tpu.memory_space<vmem_shared>>
      %dma_start3A_75 = arith.constant 0 : i32
      %dma_start3A_76 = tpu.memref_slice %arg10[%add3A_14, %dma_start3A_75] : memref<10240x128xf32, #tpu.memory_space<vmem_shared>> -> memref<128x128xf32, #tpu.memory_space<vmem_shared>>
      tpu.enqueue_dma source(%arg8 : memref<128x128xf32, #tpu.memory_space<vmem>>) target(%dma_start3A_76 : memref<128x128xf32, #tpu.memory_space<vmem_shared>>) target_semaphore(%run_scoped3A : memref<!tpu.dma_semaphore, #tpu.memory_space<semaphore_mem>>)
      %dma_wait3A = arith.constant 0 : i32
      %dma_wait3A_77 = tpu.memref_slice %arg10[%add3A_14, %dma_wait3A] : memref<10240x128xf32, #tpu.memory_space<vmem_shared>> -> memref<128x128xf32, #tpu.memory_space<vmem_shared>>
      %dma_wait3A_78 = arith.constant 0 : i32
      %dma_wait3A_79 = tpu.memref_slice %arg10[%add3A_14, %dma_wait3A_78] : memref<10240x128xf32, #tpu.memory_space<vmem_shared>> -> memref<128x128xf32, #tpu.memory_space<vmem_shared>>
      tpu.wait_dma2 semaphore(%run_scoped3A : memref<!tpu.dma_semaphore, #tpu.memory_space<semaphore_mem>>) src(%arg8 : memref<128x128xf32, #tpu.memory_space<vmem>>) dst(%dma_wait3A_79 : memref<128x128xf32, #tpu.memory_space<vmem_shared>>)
      tpu.yield
    }) : () -> ()
    %mul3A_15 = arith.constant 640 : i32
    %mul3A_16 = arith.muli %arg1, %mul3A_15 : i32
    %add3A_17 = arith.constant 256 : i32
    %add3A_18 = arith.addi %mul3A_16, %add3A_17 : i32
    "tpu.region"() ({
      %run_scoped3A = tpu.sem_alloc : memref<!tpu.dma_semaphore, #tpu.memory_space<semaphore_mem>>
      %dma_start3A = arith.constant 0 : i32
      %dma_start3A_74 = tpu.memref_slice %arg10[%add3A_18, %dma_start3A] : memref<10240x128xf32, #tpu.memory_space<vmem_shared>> -> memref<128x128xf32, #tpu.memory_space<vmem_shared>>
      %dma_start3A_75 = arith.constant 0 : i32
      %dma_start3A_76 = tpu.memref_slice %arg10[%add3A_18, %dma_start3A_75] : memref<10240x128xf32, #tpu.memory_space<vmem_shared>> -> memref<128x128xf32, #tpu.memory_space<vmem_shared>>
      tpu.enqueue_dma source(%arg8 : memref<128x128xf32, #tpu.memory_space<vmem>>) target(%dma_start3A_76 : memref<128x128xf32, #tpu.memory_space<vmem_shared>>) target_semaphore(%run_scoped3A : memref<!tpu.dma_semaphore, #tpu.memory_space<semaphore_mem>>)
      %dma_wait3A = arith.constant 0 : i32
      %dma_wait3A_77 = tpu.memref_slice %arg10[%add3A_18, %dma_wait3A] : memref<10240x128xf32, #tpu.memory_space<vmem_shared>> -> memref<128x128xf32, #tpu.memory_space<vmem_shared>>
      %dma_wait3A_78 = arith.constant 0 : i32
      %dma_wait3A_79 = tpu.memref_slice %arg10[%add3A_18, %dma_wait3A_78] : memref<10240x128xf32, #tpu.memory_space<vmem_shared>> -> memref<128x128xf32, #tpu.memory_space<vmem_shared>>
      tpu.wait_dma2 semaphore(%run_scoped3A : memref<!tpu.dma_semaphore, #tpu.memory_space<semaphore_mem>>) src(%arg8 : memref<128x128xf32, #tpu.memory_space<vmem>>) dst(%dma_wait3A_79 : memref<128x128xf32, #tpu.memory_space<vmem_shared>>)
      tpu.yield
    }) : () -> ()
    %mul3A_19 = arith.constant 640 : i32
    %mul3A_20 = arith.muli %arg1, %mul3A_19 : i32
    %add3A_21 = arith.constant 384 : i32
    %add3A_22 = arith.addi %mul3A_20, %add3A_21 : i32
    "tpu.region"() ({
      %run_scoped3A = tpu.sem_alloc : memref<!tpu.dma_semaphore, #tpu.memory_space<semaphore_mem>>
      %dma_start3A = arith.constant 0 : i32
      %dma_start3A_74 = tpu.memref_slice %arg10[%add3A_22, %dma_start3A] : memref<10240x128xf32, #tpu.memory_space<vmem_shared>> -> memref<128x128xf32, #tpu.memory_space<vmem_shared>>
      %dma_start3A_75 = arith.constant 0 : i32
      %dma_start3A_76 = tpu.memref_slice %arg10[%add3A_22, %dma_start3A_75] : memref<10240x128xf32, #tpu.memory_space<vmem_shared>> -> memref<128x128xf32, #tpu.memory_space<vmem_shared>>
      tpu.enqueue_dma source(%arg8 : memref<128x128xf32, #tpu.memory_space<vmem>>) target(%dma_start3A_76 : memref<128x128xf32, #tpu.memory_space<vmem_shared>>) target_semaphore(%run_scoped3A : memref<!tpu.dma_semaphore, #tpu.memory_space<semaphore_mem>>)
      %dma_wait3A = arith.constant 0 : i32
      %dma_wait3A_77 = tpu.memref_slice %arg10[%add3A_22, %dma_wait3A] : memref<10240x128xf32, #tpu.memory_space<vmem_shared>> -> memref<128x128xf32, #tpu.memory_space<vmem_shared>>
      %dma_wait3A_78 = arith.constant 0 : i32
      %dma_wait3A_79 = tpu.memref_slice %arg10[%add3A_22, %dma_wait3A_78] : memref<10240x128xf32, #tpu.memory_space<vmem_shared>> -> memref<128x128xf32, #tpu.memory_space<vmem_shared>>
      tpu.wait_dma2 semaphore(%run_scoped3A : memref<!tpu.dma_semaphore, #tpu.memory_space<semaphore_mem>>) src(%arg8 : memref<128x128xf32, #tpu.memory_space<vmem>>) dst(%dma_wait3A_79 : memref<128x128xf32, #tpu.memory_space<vmem_shared>>)
      tpu.yield
    }) : () -> ()
    %mul3A_23 = arith.constant 640 : i32
    %mul3A_24 = arith.muli %arg1, %mul3A_23 : i32
    %add3A_25 = arith.constant 512 : i32
    %add3A_26 = arith.addi %mul3A_24, %add3A_25 : i32
    "tpu.region"() ({
      %run_scoped3A = tpu.sem_alloc : memref<!tpu.dma_semaphore, #tpu.memory_space<semaphore_mem>>
      %dma_start3A = arith.constant 0 : i32
      %dma_start3A_74 = tpu.memref_slice %arg10[%add3A_26, %dma_start3A] : memref<10240x128xf32, #tpu.memory_space<vmem_shared>> -> memref<128x128xf32, #tpu.memory_space<vmem_shared>>
      %dma_start3A_75 = arith.constant 0 : i32
      %dma_start3A_76 = tpu.memref_slice %arg10[%add3A_26, %dma_start3A_75] : memref<10240x128xf32, #tpu.memory_space<vmem_shared>> -> memref<128x128xf32, #tpu.memory_space<vmem_shared>>
      tpu.enqueue_dma source(%arg8 : memref<128x128xf32, #tpu.memory_space<vmem>>) target(%dma_start3A_76 : memref<128x128xf32, #tpu.memory_space<vmem_shared>>) target_semaphore(%run_scoped3A : memref<!tpu.dma_semaphore, #tpu.memory_space<semaphore_mem>>)
      %dma_wait3A = arith.constant 0 : i32
      %dma_wait3A_77 = tpu.memref_slice %arg10[%add3A_26, %dma_wait3A] : memref<10240x128xf32, #tpu.memory_space<vmem_shared>> -> memref<128x128xf32, #tpu.memory_space<vmem_shared>>
      %dma_wait3A_78 = arith.constant 0 : i32
      %dma_wait3A_79 = tpu.memref_slice %arg10[%add3A_26, %dma_wait3A_78] : memref<10240x128xf32, #tpu.memory_space<vmem_shared>> -> memref<128x128xf32, #tpu.memory_space<vmem_shared>>
      tpu.wait_dma2 semaphore(%run_scoped3A : memref<!tpu.dma_semaphore, #tpu.memory_space<semaphore_mem>>) src(%arg8 : memref<128x128xf32, #tpu.memory_space<vmem>>) dst(%dma_wait3A_79 : memref<128x128xf32, #tpu.memory_space<vmem_shared>>)
      tpu.yield
    }) : () -> ()
    %barrier3A = arith.constant 0 : index
    tpu.barrier barrier_id(%barrier3A)
    %scan3A_27 = arith.constant 0 : i32
    %scan3A_28 = arith.constant 0 : i32
    %scan3A_29 = arith.constant 10 : i32
    %scan3A_30 = arith.addi %scan3A_28, %scan3A_29 : i32
    %scan3A_31 = arith.constant 1 : i32
    scf.for %scan3A_74 = %scan3A_28 to %scan3A_30 step %scan3A_31  : i32 {
      %mul3A_75 = arith.constant 8 : i32
      %mul3A_76 = arith.muli %scan3A_74, %mul3A_75 : i32
      "tpu.region"() ({
        %run_scoped3A = tpu.sem_alloc : memref<!tpu.dma_semaphore, #tpu.memory_space<semaphore_mem>>
        %dma_start3A_91 = arith.constant 0 : i32
        %dma_start3A_92 = arith.constant 0 : i32
        %dma_start3A_93 = tpu.memref_slice %arg3[%add3A, %dma_start3A_91, %dma_start3A_92] : memref<32x80x128xi32, #tpu.memory_space<hbm>> -> memref<1x80x128xi32, #tpu.memory_space<hbm>>
        %dma_start3A_94 = tpu.memref_squeeze %dma_start3A_93 : memref<1x80x128xi32, #tpu.memory_space<hbm>> -> memref<80x128xi32, #tpu.memory_space<hbm>>
        %dma_start3A_95 = arith.constant 0 : i32
        %dma_start3A_96 = tpu.memref_slice %dma_start3A_94[%mul3A_76, %dma_start3A_95] : memref<80x128xi32, #tpu.memory_space<hbm>> -> memref<8x128xi32, #tpu.memory_space<hbm>>
        %dma_start3A_97 = arith.constant 0 : i32
        %dma_start3A_98 = arith.constant 0 : i32
        %dma_start3A_99 = tpu.memref_slice %arg3[%add3A, %dma_start3A_97, %dma_start3A_98] : memref<32x80x128xi32, #tpu.memory_space<hbm>> -> memref<1x80x128xi32, #tpu.memory_space<hbm>>
        %dma_start3A_100 = tpu.memref_squeeze %dma_start3A_99 : memref<1x80x128xi32, #tpu.memory_space<hbm>> -> memref<80x128xi32, #tpu.memory_space<hbm>>
        %dma_start3A_101 = arith.constant 0 : i32
        %dma_start3A_102 = tpu.memref_slice %dma_start3A_100[%mul3A_76, %dma_start3A_101] : memref<80x128xi32, #tpu.memory_space<hbm>> -> memref<8x128xi32, #tpu.memory_space<hbm>>
        tpu.enqueue_dma source(%dma_start3A_102 : memref<8x128xi32, #tpu.memory_space<hbm>>) target(%arg6 : memref<8x128xi32, #tpu.memory_space<vmem>>) target_semaphore(%run_scoped3A : memref<!tpu.dma_semaphore, #tpu.memory_space<semaphore_mem>>)
        %dma_wait3A = arith.constant 0 : i32
        %dma_wait3A_103 = arith.constant 0 : i32
        %dma_wait3A_104 = tpu.memref_slice %arg3[%add3A, %dma_wait3A, %dma_wait3A_103] : memref<32x80x128xi32, #tpu.memory_space<hbm>> -> memref<1x80x128xi32, #tpu.memory_space<hbm>>
        %dma_wait3A_105 = tpu.memref_squeeze %dma_wait3A_104 : memref<1x80x128xi32, #tpu.memory_space<hbm>> -> memref<80x128xi32, #tpu.memory_space<hbm>>
        %dma_wait3A_106 = arith.constant 0 : i32
        %dma_wait3A_107 = tpu.memref_slice %dma_wait3A_105[%mul3A_76, %dma_wait3A_106] : memref<80x128xi32, #tpu.memory_space<hbm>> -> memref<8x128xi32, #tpu.memory_space<hbm>>
        %dma_wait3A_108 = arith.constant 0 : i32
        %dma_wait3A_109 = arith.constant 0 : i32
        %dma_wait3A_110 = tpu.memref_slice %arg3[%add3A, %dma_wait3A_108, %dma_wait3A_109] : memref<32x80x128xi32, #tpu.memory_space<hbm>> -> memref<1x80x128xi32, #tpu.memory_space<hbm>>
        %dma_wait3A_111 = tpu.memref_squeeze %dma_wait3A_110 : memref<1x80x128xi32, #tpu.memory_space<hbm>> -> memref<80x128xi32, #tpu.memory_space<hbm>>
        %dma_wait3A_112 = arith.constant 0 : i32
        %dma_wait3A_113 = tpu.memref_slice %dma_wait3A_111[%mul3A_76, %dma_wait3A_112] : memref<80x128xi32, #tpu.memory_space<hbm>> -> memref<8x128xi32, #tpu.memory_space<hbm>>
        tpu.wait_dma2 semaphore(%run_scoped3A : memref<!tpu.dma_semaphore, #tpu.memory_space<semaphore_mem>>) src(%dma_wait3A_113 : memref<8x128xi32, #tpu.memory_space<hbm>>) dst(%arg6 : memref<8x128xi32, #tpu.memory_space<vmem>>)
        tpu.yield
      }) : () -> ()
      %mul3A_77 = arith.constant 8 : i32
      %mul3A_78 = arith.muli %scan3A_74, %mul3A_77 : i32
      "tpu.region"() ({
        %run_scoped3A = tpu.sem_alloc : memref<!tpu.dma_semaphore, #tpu.memory_space<semaphore_mem>>
        %dma_start3A_91 = arith.constant 0 : i32
        %dma_start3A_92 = arith.constant 0 : i32
        %dma_start3A_93 = tpu.memref_slice %arg4[%add3A, %dma_start3A_91, %dma_start3A_92] : memref<32x80x128xi32, #tpu.memory_space<hbm>> -> memref<1x80x128xi32, #tpu.memory_space<hbm>>
        %dma_start3A_94 = tpu.memref_squeeze %dma_start3A_93 : memref<1x80x128xi32, #tpu.memory_space<hbm>> -> memref<80x128xi32, #tpu.memory_space<hbm>>
        %dma_start3A_95 = arith.constant 0 : i32
        %dma_start3A_96 = tpu.memref_slice %dma_start3A_94[%mul3A_78, %dma_start3A_95] : memref<80x128xi32, #tpu.memory_space<hbm>> -> memref<8x128xi32, #tpu.memory_space<hbm>>
        %dma_start3A_97 = arith.constant 0 : i32
        %dma_start3A_98 = arith.constant 0 : i32
        %dma_start3A_99 = tpu.memref_slice %arg4[%add3A, %dma_start3A_97, %dma_start3A_98] : memref<32x80x128xi32, #tpu.memory_space<hbm>> -> memref<1x80x128xi32, #tpu.memory_space<hbm>>
        %dma_start3A_100 = tpu.memref_squeeze %dma_start3A_99 : memref<1x80x128xi32, #tpu.memory_space<hbm>> -> memref<80x128xi32, #tpu.memory_space<hbm>>
        %dma_start3A_101 = arith.constant 0 : i32
        %dma_start3A_102 = tpu.memref_slice %dma_start3A_100[%mul3A_78, %dma_start3A_101] : memref<80x128xi32, #tpu.memory_space<hbm>> -> memref<8x128xi32, #tpu.memory_space<hbm>>
        tpu.enqueue_dma source(%dma_start3A_102 : memref<8x128xi32, #tpu.memory_space<hbm>>) target(%arg7 : memref<8x128xi32, #tpu.memory_space<vmem>>) target_semaphore(%run_scoped3A : memref<!tpu.dma_semaphore, #tpu.memory_space<semaphore_mem>>)
        %dma_wait3A = arith.constant 0 : i32
        %dma_wait3A_103 = arith.constant 0 : i32
        %dma_wait3A_104 = tpu.memref_slice %arg4[%add3A, %dma_wait3A, %dma_wait3A_103] : memref<32x80x128xi32, #tpu.memory_space<hbm>> -> memref<1x80x128xi32, #tpu.memory_space<hbm>>
        %dma_wait3A_105 = tpu.memref_squeeze %dma_wait3A_104 : memref<1x80x128xi32, #tpu.memory_space<hbm>> -> memref<80x128xi32, #tpu.memory_space<hbm>>
        %dma_wait3A_106 = arith.constant 0 : i32
        %dma_wait3A_107 = tpu.memref_slice %dma_wait3A_105[%mul3A_78, %dma_wait3A_106] : memref<80x128xi32, #tpu.memory_space<hbm>> -> memref<8x128xi32, #tpu.memory_space<hbm>>
        %dma_wait3A_108 = arith.constant 0 : i32
        %dma_wait3A_109 = arith.constant 0 : i32
        %dma_wait3A_110 = tpu.memref_slice %arg4[%add3A, %dma_wait3A_108, %dma_wait3A_109] : memref<32x80x128xi32, #tpu.memory_space<hbm>> -> memref<1x80x128xi32, #tpu.memory_space<hbm>>
        %dma_wait3A_111 = tpu.memref_squeeze %dma_wait3A_110 : memref<1x80x128xi32, #tpu.memory_space<hbm>> -> memref<80x128xi32, #tpu.memory_space<hbm>>
        %dma_wait3A_112 = arith.constant 0 : i32
        %dma_wait3A_113 = tpu.memref_slice %dma_wait3A_111[%mul3A_78, %dma_wait3A_112] : memref<80x128xi32, #tpu.memory_space<hbm>> -> memref<8x128xi32, #tpu.memory_space<hbm>>
        tpu.wait_dma2 semaphore(%run_scoped3A : memref<!tpu.dma_semaphore, #tpu.memory_space<semaphore_mem>>) src(%dma_wait3A_113 : memref<8x128xi32, #tpu.memory_space<hbm>>) dst(%arg7 : memref<8x128xi32, #tpu.memory_space<vmem>>)
        tpu.yield
      }) : () -> ()
      %dma_start3A = arith.constant 0 : i32
      %dma_start3A_79 = arith.constant 0 : i32
      %dma_start3A_80 = tpu.memref_slice %arg6[%dma_start3A, %dma_start3A_79] : memref<8x128xi32, #tpu.memory_space<vmem>> -> memref<1x128xi32, #tpu.memory_space<vmem>>
      %dma_start3A_81 = tpu.memref_squeeze %dma_start3A_80 : memref<1x128xi32, #tpu.memory_space<vmem>> -> memref<128xi32, #tpu.memory_space<vmem>>
      %dma_start3A_82 = arith.constant 0 : i32
      %dma_start3A_83 = arith.constant 0 : i32
      %dma_start3A_84 = tpu.memref_slice %arg2[%dma_start3A_82, %dma_start3A_83] : memref<10240x128xf32, #tpu.memory_space<hbm>> -> memref<10240x128xf32, #tpu.memory_space<hbm>>
      tpu.enqueue_indirect_dma source(%dma_start3A_84 : memref<10240x128xf32, #tpu.memory_space<hbm>>) target(%arg8 : memref<128x128xf32, #tpu.memory_space<vmem>>) offsets(%dma_start3A_81 : memref<128xi32, #tpu.memory_space<vmem>>) semaphore(%arg11 : memref<!tpu.dma_semaphore, #tpu.memory_space<semaphore_mem>>)
      %scan3A_85 = arith.constant 0 : i32
      %scan3A_86 = arith.constant 0 : i32
      %scan3A_87 = arith.constant 4 : i32
      %scan3A_88 = arith.addi %scan3A_86, %scan3A_87 : i32
      %scan3A_89 = arith.constant 1 : i32
      scf.for %scan3A_91 = %scan3A_86 to %scan3A_88 step %scan3A_89  : i32 {
        %mul3A_92 = arith.constant 2 : i32
        %mul3A_93 = arith.muli %mul3A_92, %scan3A_91 : i32
        %dma_wait3A = arith.constant 0 : i32
        %dma_wait3A_94 = tpu.memref_slice %arg6[%mul3A_93, %dma_wait3A] : memref<8x128xi32, #tpu.memory_space<vmem>> -> memref<1x128xi32, #tpu.memory_space<vmem>>
        %dma_wait3A_95 = tpu.memref_squeeze %dma_wait3A_94 : memref<1x128xi32, #tpu.memory_space<vmem>> -> memref<128xi32, #tpu.memory_space<vmem>>
        %dma_wait3A_96 = arith.constant 0 : i32
        %dma_wait3A_97 = arith.constant 0 : i32
        %dma_wait3A_98 = tpu.memref_slice %arg2[%dma_wait3A_96, %dma_wait3A_97] : memref<10240x128xf32, #tpu.memory_space<hbm>> -> memref<10240x128xf32, #tpu.memory_space<hbm>>
        tpu.wait_indirect_dma semaphore(%arg11 : memref<!tpu.dma_semaphore, #tpu.memory_space<semaphore_mem>>) src(%dma_wait3A_98 : memref<10240x128xf32, #tpu.memory_space<hbm>>) dst(%arg8 : memref<128x128xf32, #tpu.memory_space<vmem>>)
        %mul3A_99 = arith.constant 2 : i32
        %mul3A_100 = arith.muli %mul3A_99, %scan3A_91 : i32
        %add3A_101 = arith.constant 1 : i32
        %add3A_102 = arith.addi %mul3A_100, %add3A_101 : i32
        %dma_start3A_103 = arith.constant 0 : i32
        %dma_start3A_104 = tpu.memref_slice %arg6[%add3A_102, %dma_start3A_103] : memref<8x128xi32, #tpu.memory_space<vmem>> -> memref<1x128xi32, #tpu.memory_space<vmem>>
        %dma_start3A_105 = tpu.memref_squeeze %dma_start3A_104 : memref<1x128xi32, #tpu.memory_space<vmem>> -> memref<128xi32, #tpu.memory_space<vmem>>
        %dma_start3A_106 = arith.constant 0 : i32
        %dma_start3A_107 = arith.constant 0 : i32
        %dma_start3A_108 = tpu.memref_slice %arg2[%dma_start3A_106, %dma_start3A_107] : memref<10240x128xf32, #tpu.memory_space<hbm>> -> memref<10240x128xf32, #tpu.memory_space<hbm>>
        tpu.enqueue_indirect_dma source(%dma_start3A_108 : memref<10240x128xf32, #tpu.memory_space<hbm>>) target(%arg9 : memref<128x128xf32, #tpu.memory_space<vmem>>) offsets(%dma_start3A_105 : memref<128xi32, #tpu.memory_space<vmem>>) semaphore(%arg11 : memref<!tpu.dma_semaphore, #tpu.memory_space<semaphore_mem>>)
        %mul3A_109 = arith.constant 2 : i32
        %mul3A_110 = arith.muli %mul3A_109, %scan3A_91 : i32
        "tpu.region"() ({
          %run_scoped3A = tpu.sem_alloc : memref<!tpu.dma_semaphore, #tpu.memory_space<semaphore_mem>>
          %dma_start3A_123 = arith.constant 0 : i32
          %dma_start3A_124 = tpu.memref_slice %arg7[%mul3A_110, %dma_start3A_123] : memref<8x128xi32, #tpu.memory_space<vmem>> -> memref<1x128xi32, #tpu.memory_space<vmem>>
          %dma_start3A_125 = tpu.memref_squeeze %dma_start3A_124 : memref<1x128xi32, #tpu.memory_space<vmem>> -> memref<128xi32, #tpu.memory_space<vmem>>
          %dma_start3A_126 = arith.constant 0 : i32
          %dma_start3A_127 = arith.constant 0 : i32
          %dma_start3A_128 = tpu.memref_slice %arg10[%dma_start3A_126, %dma_start3A_127] : memref<10240x128xf32, #tpu.memory_space<vmem_shared>> -> memref<10240x128xf32, #tpu.memory_space<vmem_shared>>
          tpu.enqueue_indirect_dma source(%arg8 : memref<128x128xf32, #tpu.memory_space<vmem>>) target(%dma_start3A_128 : memref<10240x128xf32, #tpu.memory_space<vmem_shared>>) offsets(%dma_start3A_125 : memref<128xi32, #tpu.memory_space<vmem>>) semaphore(%run_scoped3A : memref<!tpu.dma_semaphore, #tpu.memory_space<semaphore_mem>>) {add = true}
          %dma_wait3A_129 = arith.constant 0 : i32
          %dma_wait3A_130 = tpu.memref_slice %arg7[%mul3A_110, %dma_wait3A_129] : memref<8x128xi32, #tpu.memory_space<vmem>> -> memref<1x128xi32, #tpu.memory_space<vmem>>
          %dma_wait3A_131 = tpu.memref_squeeze %dma_wait3A_130 : memref<1x128xi32, #tpu.memory_space<vmem>> -> memref<128xi32, #tpu.memory_space<vmem>>
          %dma_wait3A_132 = arith.constant 0 : i32
          %dma_wait3A_133 = arith.constant 0 : i32
          %dma_wait3A_134 = tpu.memref_slice %arg10[%dma_wait3A_132, %dma_wait3A_133] : memref<10240x128xf32, #tpu.memory_space<vmem_shared>> -> memref<10240x128xf32, #tpu.memory_space<vmem_shared>>
          tpu.wait_indirect_dma semaphore(%run_scoped3A : memref<!tpu.dma_semaphore, #tpu.memory_space<semaphore_mem>>) src(%arg8 : memref<128x128xf32, #tpu.memory_space<vmem>>) dst(%dma_wait3A_134 : memref<10240x128xf32, #tpu.memory_space<vmem_shared>>)
          tpu.yield
        }) : () -> ()
        %lt3A = arith.constant 3 : i32
        %lt3A_111 = arith.cmpi slt, %scan3A_91, %lt3A : i32
        %convert_element_type3A = arith.extui %lt3A_111 : i1 to i32
        %cond3A = arith.constant 0 : i32
        %cond3A_112 = arith.cmpi ne, %convert_element_type3A, %cond3A : i32
        scf.if %cond3A_112 {
          %mul3A_123 = arith.constant 2 : i32
          %mul3A_124 = arith.muli %mul3A_123, %scan3A_91 : i32
          %add3A_125 = arith.constant 2 : i32
          %add3A_126 = arith.addi %mul3A_124, %add3A_125 : i32
          %dma_start3A_127 = arith.constant 0 : i32
          %dma_start3A_128 = tpu.memref_slice %arg6[%add3A_126, %dma_start3A_127] : memref<8x128xi32, #tpu.memory_space<vmem>> -> memref<1x128xi32, #tpu.memory_space<vmem>>
          %dma_start3A_129 = tpu.memref_squeeze %dma_start3A_128 : memref<1x128xi32, #tpu.memory_space<vmem>> -> memref<128xi32, #tpu.memory_space<vmem>>
          %dma_start3A_130 = arith.constant 0 : i32
          %dma_start3A_131 = arith.constant 0 : i32
          %dma_start3A_132 = tpu.memref_slice %arg2[%dma_start3A_130, %dma_start3A_131] : memref<10240x128xf32, #tpu.memory_space<hbm>> -> memref<10240x128xf32, #tpu.memory_space<hbm>>
          tpu.enqueue_indirect_dma source(%dma_start3A_132 : memref<10240x128xf32, #tpu.memory_space<hbm>>) target(%arg8 : memref<128x128xf32, #tpu.memory_space<vmem>>) offsets(%dma_start3A_129 : memref<128xi32, #tpu.memory_space<vmem>>) semaphore(%arg11 : memref<!tpu.dma_semaphore, #tpu.memory_space<semaphore_mem>>)
        } else {
        }
        %dma_wait3A_113 = arith.constant 0 : i32
        %dma_wait3A_114 = tpu.memref_slice %arg6[%add3A_102, %dma_wait3A_113] : memref<8x128xi32, #tpu.memory_space<vmem>> -> memref<1x128xi32, #tpu.memory_space<vmem>>
        %dma_wait3A_115 = tpu.memref_squeeze %dma_wait3A_114 : memref<1x128xi32, #tpu.memory_space<vmem>> -> memref<128xi32, #tpu.memory_space<vmem>>
        %dma_wait3A_116 = arith.constant 0 : i32
        %dma_wait3A_117 = arith.constant 0 : i32
        %dma_wait3A_118 = tpu.memref_slice %arg2[%dma_wait3A_116, %dma_wait3A_117] : memref<10240x128xf32, #tpu.memory_space<hbm>> -> memref<10240x128xf32, #tpu.memory_space<hbm>>
        tpu.wait_indirect_dma semaphore(%arg11 : memref<!tpu.dma_semaphore, #tpu.memory_space<semaphore_mem>>) src(%dma_wait3A_118 : memref<10240x128xf32, #tpu.memory_space<hbm>>) dst(%arg9 : memref<128x128xf32, #tpu.memory_space<vmem>>)
        %mul3A_119 = arith.constant 2 : i32
        %mul3A_120 = arith.muli %mul3A_119, %scan3A_91 : i32
        %add3A_121 = arith.constant 1 : i32
        %add3A_122 = arith.addi %mul3A_120, %add3A_121 : i32
        "tpu.region"() ({
          %run_scoped3A = tpu.sem_alloc : memref<!tpu.dma_semaphore, #tpu.memory_space<semaphore_mem>>
          %dma_start3A_123 = arith.constant 0 : i32
          %dma_start3A_124 = tpu.memref_slice %arg7[%add3A_122, %dma_start3A_123] : memref<8x128xi32, #tpu.memory_space<vmem>> -> memref<1x128xi32, #tpu.memory_space<vmem>>
          %dma_start3A_125 = tpu.memref_squeeze %dma_start3A_124 : memref<1x128xi32, #tpu.memory_space<vmem>> -> memref<128xi32, #tpu.memory_space<vmem>>
          %dma_start3A_126 = arith.constant 0 : i32
          %dma_start3A_127 = arith.constant 0 : i32
          %dma_start3A_128 = tpu.memref_slice %arg10[%dma_start3A_126, %dma_start3A_127] : memref<10240x128xf32, #tpu.memory_space<vmem_shared>> -> memref<10240x128xf32, #tpu.memory_space<vmem_shared>>
          tpu.enqueue_indirect_dma source(%arg9 : memref<128x128xf32, #tpu.memory_space<vmem>>) target(%dma_start3A_128 : memref<10240x128xf32, #tpu.memory_space<vmem_shared>>) offsets(%dma_start3A_125 : memref<128xi32, #tpu.memory_space<vmem>>) semaphore(%run_scoped3A : memref<!tpu.dma_semaphore, #tpu.memory_space<semaphore_mem>>) {add = true}
          %dma_wait3A_129 = arith.constant 0 : i32
          %dma_wait3A_130 = tpu.memref_slice %arg7[%add3A_122, %dma_wait3A_129] : memref<8x128xi32, #tpu.memory_space<vmem>> -> memref<1x128xi32, #tpu.memory_space<vmem>>
          %dma_wait3A_131 = tpu.memref_squeeze %dma_wait3A_130 : memref<1x128xi32, #tpu.memory_space<vmem>> -> memref<128xi32, #tpu.memory_space<vmem>>
          %dma_wait3A_132 = arith.constant 0 : i32
          %dma_wait3A_133 = arith.constant 0 : i32
          %dma_wait3A_134 = tpu.memref_slice %arg10[%dma_wait3A_132, %dma_wait3A_133] : memref<10240x128xf32, #tpu.memory_space<vmem_shared>> -> memref<10240x128xf32, #tpu.memory_space<vmem_shared>>
          tpu.wait_indirect_dma semaphore(%run_scoped3A : memref<!tpu.dma_semaphore, #tpu.memory_space<semaphore_mem>>) src(%arg9 : memref<128x128xf32, #tpu.memory_space<vmem>>) dst(%dma_wait3A_134 : memref<10240x128xf32, #tpu.memory_space<vmem_shared>>)
          tpu.yield
        }) : () -> ()
      }
      %scan3A_90 = arith.constant 4 : i32
    }
    %scan3A_32 = arith.constant 10 : i32
    %barrier3A_33 = arith.constant 0 : index
    tpu.barrier barrier_id(%barrier3A_33)
    %mul3A_34 = arith.constant 640 : i32
    %mul3A_35 = arith.muli %arg1, %mul3A_34 : i32
    %add3A_36 = arith.constant 0 : i32
    %add3A_37 = arith.addi %mul3A_35, %add3A_36 : i32
    "tpu.region"() ({
      %run_scoped3A = tpu.sem_alloc : memref<!tpu.dma_semaphore, #tpu.memory_space<semaphore_mem>>
      %dma_start3A = arith.constant 0 : i32
      %dma_start3A_74 = tpu.memref_slice %arg10[%add3A_37, %dma_start3A] : memref<10240x128xf32, #tpu.memory_space<vmem_shared>> -> memref<128x128xf32, #tpu.memory_space<vmem_shared>>
      %dma_start3A_75 = arith.constant 0 : i32
      %dma_start3A_76 = tpu.memref_slice %arg10[%add3A_37, %dma_start3A_75] : memref<10240x128xf32, #tpu.memory_space<vmem_shared>> -> memref<128x128xf32, #tpu.memory_space<vmem_shared>>
      tpu.enqueue_dma source(%dma_start3A_76 : memref<128x128xf32, #tpu.memory_space<vmem_shared>>) target(%arg8 : memref<128x128xf32, #tpu.memory_space<vmem>>) target_semaphore(%run_scoped3A : memref<!tpu.dma_semaphore, #tpu.memory_space<semaphore_mem>>)
      %dma_wait3A = arith.constant 0 : i32
      %dma_wait3A_77 = tpu.memref_slice %arg10[%add3A_37, %dma_wait3A] : memref<10240x128xf32, #tpu.memory_space<vmem_shared>> -> memref<128x128xf32, #tpu.memory_space<vmem_shared>>
      %dma_wait3A_78 = arith.constant 0 : i32
      %dma_wait3A_79 = tpu.memref_slice %arg10[%add3A_37, %dma_wait3A_78] : memref<10240x128xf32, #tpu.memory_space<vmem_shared>> -> memref<128x128xf32, #tpu.memory_space<vmem_shared>>
      tpu.wait_dma2 semaphore(%run_scoped3A : memref<!tpu.dma_semaphore, #tpu.memory_space<semaphore_mem>>) src(%dma_wait3A_79 : memref<128x128xf32, #tpu.memory_space<vmem_shared>>) dst(%arg8 : memref<128x128xf32, #tpu.memory_space<vmem>>)
      tpu.yield
    }) : () -> ()
    %mul3A_38 = arith.constant 640 : i32
    %mul3A_39 = arith.muli %arg1, %mul3A_38 : i32
    %add3A_40 = arith.constant 0 : i32
    %add3A_41 = arith.addi %mul3A_39, %add3A_40 : i32
    "tpu.region"() ({
      %run_scoped3A = tpu.sem_alloc : memref<!tpu.dma_semaphore, #tpu.memory_space<semaphore_mem>>
      %dma_start3A = arith.constant 0 : i32
      %dma_start3A_74 = arith.constant 0 : i32
      %dma_start3A_75 = tpu.memref_slice %arg5[%arg0, %dma_start3A, %dma_start3A_74] : memref<2x10240x128xf32, #tpu.memory_space<hbm>> -> memref<1x10240x128xf32, #tpu.memory_space<hbm>>
      %dma_start3A_76 = tpu.memref_squeeze %dma_start3A_75 : memref<1x10240x128xf32, #tpu.memory_space<hbm>> -> memref<10240x128xf32, #tpu.memory_space<hbm>>
      %dma_start3A_77 = arith.constant 0 : i32
      %dma_start3A_78 = tpu.memref_slice %dma_start3A_76[%add3A_41, %dma_start3A_77] : memref<10240x128xf32, #tpu.memory_space<hbm>> -> memref<128x128xf32, #tpu.memory_space<hbm>>
      %dma_start3A_79 = arith.constant 0 : i32
      %dma_start3A_80 = arith.constant 0 : i32
      %dma_start3A_81 = tpu.memref_slice %arg5[%arg0, %dma_start3A_79, %dma_start3A_80] : memref<2x10240x128xf32, #tpu.memory_space<hbm>> -> memref<1x10240x128xf32, #tpu.memory_space<hbm>>
      %dma_start3A_82 = tpu.memref_squeeze %dma_start3A_81 : memref<1x10240x128xf32, #tpu.memory_space<hbm>> -> memref<10240x128xf32, #tpu.memory_space<hbm>>
      %dma_start3A_83 = arith.constant 0 : i32
      %dma_start3A_84 = tpu.memref_slice %dma_start3A_82[%add3A_41, %dma_start3A_83] : memref<10240x128xf32, #tpu.memory_space<hbm>> -> memref<128x128xf32, #tpu.memory_space<hbm>>
      tpu.enqueue_dma source(%arg8 : memref<128x128xf32, #tpu.memory_space<vmem>>) target(%dma_start3A_84 : memref<128x128xf32, #tpu.memory_space<hbm>>) target_semaphore(%run_scoped3A : memref<!tpu.dma_semaphore, #tpu.memory_space<semaphore_mem>>)
      %dma_wait3A = arith.constant 0 : i32
      %dma_wait3A_85 = arith.constant 0 : i32
      %dma_wait3A_86 = tpu.memref_slice %arg5[%arg0, %dma_wait3A, %dma_wait3A_85] : memref<2x10240x128xf32, #tpu.memory_space<hbm>> -> memref<1x10240x128xf32, #tpu.memory_space<hbm>>
      %dma_wait3A_87 = tpu.memref_squeeze %dma_wait3A_86 : memref<1x10240x128xf32, #tpu.memory_space<hbm>> -> memref<10240x128xf32, #tpu.memory_space<hbm>>
      %dma_wait3A_88 = arith.constant 0 : i32
      %dma_wait3A_89 = tpu.memref_slice %dma_wait3A_87[%add3A_41, %dma_wait3A_88] : memref<10240x128xf32, #tpu.memory_space<hbm>> -> memref<128x128xf32, #tpu.memory_space<hbm>>
      %dma_wait3A_90 = arith.constant 0 : i32
      %dma_wait3A_91 = arith.constant 0 : i32
      %dma_wait3A_92 = tpu.memref_slice %arg5[%arg0, %dma_wait3A_90, %dma_wait3A_91] : memref<2x10240x128xf32, #tpu.memory_space<hbm>> -> memref<1x10240x128xf32, #tpu.memory_space<hbm>>
      %dma_wait3A_93 = tpu.memref_squeeze %dma_wait3A_92 : memref<1x10240x128xf32, #tpu.memory_space<hbm>> -> memref<10240x128xf32, #tpu.memory_space<hbm>>
      %dma_wait3A_94 = arith.constant 0 : i32
      %dma_wait3A_95 = tpu.memref_slice %dma_wait3A_93[%add3A_41, %dma_wait3A_94] : memref<10240x128xf32, #tpu.memory_space<hbm>> -> memref<128x128xf32, #tpu.memory_space<hbm>>
      tpu.wait_dma2 semaphore(%run_scoped3A : memref<!tpu.dma_semaphore, #tpu.memory_space<semaphore_mem>>) src(%arg8 : memref<128x128xf32, #tpu.memory_space<vmem>>) dst(%dma_wait3A_95 : memref<128x128xf32, #tpu.memory_space<hbm>>)
      tpu.yield
    }) : () -> ()
    %mul3A_42 = arith.constant 640 : i32
    %mul3A_43 = arith.muli %arg1, %mul3A_42 : i32
    %add3A_44 = arith.constant 128 : i32
    %add3A_45 = arith.addi %mul3A_43, %add3A_44 : i32
    "tpu.region"() ({
      %run_scoped3A = tpu.sem_alloc : memref<!tpu.dma_semaphore, #tpu.memory_space<semaphore_mem>>
      %dma_start3A = arith.constant 0 : i32
      %dma_start3A_74 = tpu.memref_slice %arg10[%add3A_45, %dma_start3A] : memref<10240x128xf32, #tpu.memory_space<vmem_shared>> -> memref<128x128xf32, #tpu.memory_space<vmem_shared>>
      %dma_start3A_75 = arith.constant 0 : i32
      %dma_start3A_76 = tpu.memref_slice %arg10[%add3A_45, %dma_start3A_75] : memref<10240x128xf32, #tpu.memory_space<vmem_shared>> -> memref<128x128xf32, #tpu.memory_space<vmem_shared>>
      tpu.enqueue_dma source(%dma_start3A_76 : memref<128x128xf32, #tpu.memory_space<vmem_shared>>) target(%arg8 : memref<128x128xf32, #tpu.memory_space<vmem>>) target_semaphore(%run_scoped3A : memref<!tpu.dma_semaphore, #tpu.memory_space<semaphore_mem>>)
      %dma_wait3A = arith.constant 0 : i32
      %dma_wait3A_77 = tpu.memref_slice %arg10[%add3A_45, %dma_wait3A] : memref<10240x128xf32, #tpu.memory_space<vmem_shared>> -> memref<128x128xf32, #tpu.memory_space<vmem_shared>>
      %dma_wait3A_78 = arith.constant 0 : i32
      %dma_wait3A_79 = tpu.memref_slice %arg10[%add3A_45, %dma_wait3A_78] : memref<10240x128xf32, #tpu.memory_space<vmem_shared>> -> memref<128x128xf32, #tpu.memory_space<vmem_shared>>
      tpu.wait_dma2 semaphore(%run_scoped3A : memref<!tpu.dma_semaphore, #tpu.memory_space<semaphore_mem>>) src(%dma_wait3A_79 : memref<128x128xf32, #tpu.memory_space<vmem_shared>>) dst(%arg8 : memref<128x128xf32, #tpu.memory_space<vmem>>)
      tpu.yield
    }) : () -> ()
    %mul3A_46 = arith.constant 640 : i32
    %mul3A_47 = arith.muli %arg1, %mul3A_46 : i32
    %add3A_48 = arith.constant 128 : i32
    %add3A_49 = arith.addi %mul3A_47, %add3A_48 : i32
    "tpu.region"() ({
      %run_scoped3A = tpu.sem_alloc : memref<!tpu.dma_semaphore, #tpu.memory_space<semaphore_mem>>
      %dma_start3A = arith.constant 0 : i32
      %dma_start3A_74 = arith.constant 0 : i32
      %dma_start3A_75 = tpu.memref_slice %arg5[%arg0, %dma_start3A, %dma_start3A_74] : memref<2x10240x128xf32, #tpu.memory_space<hbm>> -> memref<1x10240x128xf32, #tpu.memory_space<hbm>>
      %dma_start3A_76 = tpu.memref_squeeze %dma_start3A_75 : memref<1x10240x128xf32, #tpu.memory_space<hbm>> -> memref<10240x128xf32, #tpu.memory_space<hbm>>
      %dma_start3A_77 = arith.constant 0 : i32
      %dma_start3A_78 = tpu.memref_slice %dma_start3A_76[%add3A_49, %dma_start3A_77] : memref<10240x128xf32, #tpu.memory_space<hbm>> -> memref<128x128xf32, #tpu.memory_space<hbm>>
      %dma_start3A_79 = arith.constant 0 : i32
      %dma_start3A_80 = arith.constant 0 : i32
      %dma_start3A_81 = tpu.memref_slice %arg5[%arg0, %dma_start3A_79, %dma_start3A_80] : memref<2x10240x128xf32, #tpu.memory_space<hbm>> -> memref<1x10240x128xf32, #tpu.memory_space<hbm>>
      %dma_start3A_82 = tpu.memref_squeeze %dma_start3A_81 : memref<1x10240x128xf32, #tpu.memory_space<hbm>> -> memref<10240x128xf32, #tpu.memory_space<hbm>>
      %dma_start3A_83 = arith.constant 0 : i32
      %dma_start3A_84 = tpu.memref_slice %dma_start3A_82[%add3A_49, %dma_start3A_83] : memref<10240x128xf32, #tpu.memory_space<hbm>> -> memref<128x128xf32, #tpu.memory_space<hbm>>
      tpu.enqueue_dma source(%arg8 : memref<128x128xf32, #tpu.memory_space<vmem>>) target(%dma_start3A_84 : memref<128x128xf32, #tpu.memory_space<hbm>>) target_semaphore(%run_scoped3A : memref<!tpu.dma_semaphore, #tpu.memory_space<semaphore_mem>>)
      %dma_wait3A = arith.constant 0 : i32
      %dma_wait3A_85 = arith.constant 0 : i32
      %dma_wait3A_86 = tpu.memref_slice %arg5[%arg0, %dma_wait3A, %dma_wait3A_85] : memref<2x10240x128xf32, #tpu.memory_space<hbm>> -> memref<1x10240x128xf32, #tpu.memory_space<hbm>>
      %dma_wait3A_87 = tpu.memref_squeeze %dma_wait3A_86 : memref<1x10240x128xf32, #tpu.memory_space<hbm>> -> memref<10240x128xf32, #tpu.memory_space<hbm>>
      %dma_wait3A_88 = arith.constant 0 : i32
      %dma_wait3A_89 = tpu.memref_slice %dma_wait3A_87[%add3A_49, %dma_wait3A_88] : memref<10240x128xf32, #tpu.memory_space<hbm>> -> memref<128x128xf32, #tpu.memory_space<hbm>>
      %dma_wait3A_90 = arith.constant 0 : i32
      %dma_wait3A_91 = arith.constant 0 : i32
      %dma_wait3A_92 = tpu.memref_slice %arg5[%arg0, %dma_wait3A_90, %dma_wait3A_91] : memref<2x10240x128xf32, #tpu.memory_space<hbm>> -> memref<1x10240x128xf32, #tpu.memory_space<hbm>>
      %dma_wait3A_93 = tpu.memref_squeeze %dma_wait3A_92 : memref<1x10240x128xf32, #tpu.memory_space<hbm>> -> memref<10240x128xf32, #tpu.memory_space<hbm>>
      %dma_wait3A_94 = arith.constant 0 : i32
      %dma_wait3A_95 = tpu.memref_slice %dma_wait3A_93[%add3A_49, %dma_wait3A_94] : memref<10240x128xf32, #tpu.memory_space<hbm>> -> memref<128x128xf32, #tpu.memory_space<hbm>>
      tpu.wait_dma2 semaphore(%run_scoped3A : memref<!tpu.dma_semaphore, #tpu.memory_space<semaphore_mem>>) src(%arg8 : memref<128x128xf32, #tpu.memory_space<vmem>>) dst(%dma_wait3A_95 : memref<128x128xf32, #tpu.memory_space<hbm>>)
      tpu.yield
    }) : () -> ()
    %mul3A_50 = arith.constant 640 : i32
    %mul3A_51 = arith.muli %arg1, %mul3A_50 : i32
    %add3A_52 = arith.constant 256 : i32
    %add3A_53 = arith.addi %mul3A_51, %add3A_52 : i32
    "tpu.region"() ({
      %run_scoped3A = tpu.sem_alloc : memref<!tpu.dma_semaphore, #tpu.memory_space<semaphore_mem>>
      %dma_start3A = arith.constant 0 : i32
      %dma_start3A_74 = tpu.memref_slice %arg10[%add3A_53, %dma_start3A] : memref<10240x128xf32, #tpu.memory_space<vmem_shared>> -> memref<128x128xf32, #tpu.memory_space<vmem_shared>>
      %dma_start3A_75 = arith.constant 0 : i32
      %dma_start3A_76 = tpu.memref_slice %arg10[%add3A_53, %dma_start3A_75] : memref<10240x128xf32, #tpu.memory_space<vmem_shared>> -> memref<128x128xf32, #tpu.memory_space<vmem_shared>>
      tpu.enqueue_dma source(%dma_start3A_76 : memref<128x128xf32, #tpu.memory_space<vmem_shared>>) target(%arg8 : memref<128x128xf32, #tpu.memory_space<vmem>>) target_semaphore(%run_scoped3A : memref<!tpu.dma_semaphore, #tpu.memory_space<semaphore_mem>>)
      %dma_wait3A = arith.constant 0 : i32
      %dma_wait3A_77 = tpu.memref_slice %arg10[%add3A_53, %dma_wait3A] : memref<10240x128xf32, #tpu.memory_space<vmem_shared>> -> memref<128x128xf32, #tpu.memory_space<vmem_shared>>
      %dma_wait3A_78 = arith.constant 0 : i32
      %dma_wait3A_79 = tpu.memref_slice %arg10[%add3A_53, %dma_wait3A_78] : memref<10240x128xf32, #tpu.memory_space<vmem_shared>> -> memref<128x128xf32, #tpu.memory_space<vmem_shared>>
      tpu.wait_dma2 semaphore(%run_scoped3A : memref<!tpu.dma_semaphore, #tpu.memory_space<semaphore_mem>>) src(%dma_wait3A_79 : memref<128x128xf32, #tpu.memory_space<vmem_shared>>) dst(%arg8 : memref<128x128xf32, #tpu.memory_space<vmem>>)
      tpu.yield
    }) : () -> ()
    %mul3A_54 = arith.constant 640 : i32
    %mul3A_55 = arith.muli %arg1, %mul3A_54 : i32
    %add3A_56 = arith.constant 256 : i32
    %add3A_57 = arith.addi %mul3A_55, %add3A_56 : i32
    "tpu.region"() ({
      %run_scoped3A = tpu.sem_alloc : memref<!tpu.dma_semaphore, #tpu.memory_space<semaphore_mem>>
      %dma_start3A = arith.constant 0 : i32
      %dma_start3A_74 = arith.constant 0 : i32
      %dma_start3A_75 = tpu.memref_slice %arg5[%arg0, %dma_start3A, %dma_start3A_74] : memref<2x10240x128xf32, #tpu.memory_space<hbm>> -> memref<1x10240x128xf32, #tpu.memory_space<hbm>>
      %dma_start3A_76 = tpu.memref_squeeze %dma_start3A_75 : memref<1x10240x128xf32, #tpu.memory_space<hbm>> -> memref<10240x128xf32, #tpu.memory_space<hbm>>
      %dma_start3A_77 = arith.constant 0 : i32
      %dma_start3A_78 = tpu.memref_slice %dma_start3A_76[%add3A_57, %dma_start3A_77] : memref<10240x128xf32, #tpu.memory_space<hbm>> -> memref<128x128xf32, #tpu.memory_space<hbm>>
      %dma_start3A_79 = arith.constant 0 : i32
      %dma_start3A_80 = arith.constant 0 : i32
      %dma_start3A_81 = tpu.memref_slice %arg5[%arg0, %dma_start3A_79, %dma_start3A_80] : memref<2x10240x128xf32, #tpu.memory_space<hbm>> -> memref<1x10240x128xf32, #tpu.memory_space<hbm>>
      %dma_start3A_82 = tpu.memref_squeeze %dma_start3A_81 : memref<1x10240x128xf32, #tpu.memory_space<hbm>> -> memref<10240x128xf32, #tpu.memory_space<hbm>>
      %dma_start3A_83 = arith.constant 0 : i32
      %dma_start3A_84 = tpu.memref_slice %dma_start3A_82[%add3A_57, %dma_start3A_83] : memref<10240x128xf32, #tpu.memory_space<hbm>> -> memref<128x128xf32, #tpu.memory_space<hbm>>
      tpu.enqueue_dma source(%arg8 : memref<128x128xf32, #tpu.memory_space<vmem>>) target(%dma_start3A_84 : memref<128x128xf32, #tpu.memory_space<hbm>>) target_semaphore(%run_scoped3A : memref<!tpu.dma_semaphore, #tpu.memory_space<semaphore_mem>>)
      %dma_wait3A = arith.constant 0 : i32
      %dma_wait3A_85 = arith.constant 0 : i32
      %dma_wait3A_86 = tpu.memref_slice %arg5[%arg0, %dma_wait3A, %dma_wait3A_85] : memref<2x10240x128xf32, #tpu.memory_space<hbm>> -> memref<1x10240x128xf32, #tpu.memory_space<hbm>>
      %dma_wait3A_87 = tpu.memref_squeeze %dma_wait3A_86 : memref<1x10240x128xf32, #tpu.memory_space<hbm>> -> memref<10240x128xf32, #tpu.memory_space<hbm>>
      %dma_wait3A_88 = arith.constant 0 : i32
      %dma_wait3A_89 = tpu.memref_slice %dma_wait3A_87[%add3A_57, %dma_wait3A_88] : memref<10240x128xf32, #tpu.memory_space<hbm>> -> memref<128x128xf32, #tpu.memory_space<hbm>>
      %dma_wait3A_90 = arith.constant 0 : i32
      %dma_wait3A_91 = arith.constant 0 : i32
      %dma_wait3A_92 = tpu.memref_slice %arg5[%arg0, %dma_wait3A_90, %dma_wait3A_91] : memref<2x10240x128xf32, #tpu.memory_space<hbm>> -> memref<1x10240x128xf32, #tpu.memory_space<hbm>>
      %dma_wait3A_93 = tpu.memref_squeeze %dma_wait3A_92 : memref<1x10240x128xf32, #tpu.memory_space<hbm>> -> memref<10240x128xf32, #tpu.memory_space<hbm>>
      %dma_wait3A_94 = arith.constant 0 : i32
      %dma_wait3A_95 = tpu.memref_slice %dma_wait3A_93[%add3A_57, %dma_wait3A_94] : memref<10240x128xf32, #tpu.memory_space<hbm>> -> memref<128x128xf32, #tpu.memory_space<hbm>>
      tpu.wait_dma2 semaphore(%run_scoped3A : memref<!tpu.dma_semaphore, #tpu.memory_space<semaphore_mem>>) src(%arg8 : memref<128x128xf32, #tpu.memory_space<vmem>>) dst(%dma_wait3A_95 : memref<128x128xf32, #tpu.memory_space<hbm>>)
      tpu.yield
    }) : () -> ()
    %mul3A_58 = arith.constant 640 : i32
    %mul3A_59 = arith.muli %arg1, %mul3A_58 : i32
    %add3A_60 = arith.constant 384 : i32
    %add3A_61 = arith.addi %mul3A_59, %add3A_60 : i32
    "tpu.region"() ({
      %run_scoped3A = tpu.sem_alloc : memref<!tpu.dma_semaphore, #tpu.memory_space<semaphore_mem>>
      %dma_start3A = arith.constant 0 : i32
      %dma_start3A_74 = tpu.memref_slice %arg10[%add3A_61, %dma_start3A] : memref<10240x128xf32, #tpu.memory_space<vmem_shared>> -> memref<128x128xf32, #tpu.memory_space<vmem_shared>>
      %dma_start3A_75 = arith.constant 0 : i32
      %dma_start3A_76 = tpu.memref_slice %arg10[%add3A_61, %dma_start3A_75] : memref<10240x128xf32, #tpu.memory_space<vmem_shared>> -> memref<128x128xf32, #tpu.memory_space<vmem_shared>>
      tpu.enqueue_dma source(%dma_start3A_76 : memref<128x128xf32, #tpu.memory_space<vmem_shared>>) target(%arg8 : memref<128x128xf32, #tpu.memory_space<vmem>>) target_semaphore(%run_scoped3A : memref<!tpu.dma_semaphore, #tpu.memory_space<semaphore_mem>>)
      %dma_wait3A = arith.constant 0 : i32
      %dma_wait3A_77 = tpu.memref_slice %arg10[%add3A_61, %dma_wait3A] : memref<10240x128xf32, #tpu.memory_space<vmem_shared>> -> memref<128x128xf32, #tpu.memory_space<vmem_shared>>
      %dma_wait3A_78 = arith.constant 0 : i32
      %dma_wait3A_79 = tpu.memref_slice %arg10[%add3A_61, %dma_wait3A_78] : memref<10240x128xf32, #tpu.memory_space<vmem_shared>> -> memref<128x128xf32, #tpu.memory_space<vmem_shared>>
      tpu.wait_dma2 semaphore(%run_scoped3A : memref<!tpu.dma_semaphore, #tpu.memory_space<semaphore_mem>>) src(%dma_wait3A_79 : memref<128x128xf32, #tpu.memory_space<vmem_shared>>) dst(%arg8 : memref<128x128xf32, #tpu.memory_space<vmem>>)
      tpu.yield
    }) : () -> ()
    %mul3A_62 = arith.constant 640 : i32
    %mul3A_63 = arith.muli %arg1, %mul3A_62 : i32
    %add3A_64 = arith.constant 384 : i32
    %add3A_65 = arith.addi %mul3A_63, %add3A_64 : i32
    "tpu.region"() ({
      %run_scoped3A = tpu.sem_alloc : memref<!tpu.dma_semaphore, #tpu.memory_space<semaphore_mem>>
      %dma_start3A = arith.constant 0 : i32
      %dma_start3A_74 = arith.constant 0 : i32
      %dma_start3A_75 = tpu.memref_slice %arg5[%arg0, %dma_start3A, %dma_start3A_74] : memref<2x10240x128xf32, #tpu.memory_space<hbm>> -> memref<1x10240x128xf32, #tpu.memory_space<hbm>>
      %dma_start3A_76 = tpu.memref_squeeze %dma_start3A_75 : memref<1x10240x128xf32, #tpu.memory_space<hbm>> -> memref<10240x128xf32, #tpu.memory_space<hbm>>
      %dma_start3A_77 = arith.constant 0 : i32
      %dma_start3A_78 = tpu.memref_slice %dma_start3A_76[%add3A_65, %dma_start3A_77] : memref<10240x128xf32, #tpu.memory_space<hbm>> -> memref<128x128xf32, #tpu.memory_space<hbm>>
      %dma_start3A_79 = arith.constant 0 : i32
      %dma_start3A_80 = arith.constant 0 : i32
      %dma_start3A_81 = tpu.memref_slice %arg5[%arg0, %dma_start3A_79, %dma_start3A_80] : memref<2x10240x128xf32, #tpu.memory_space<hbm>> -> memref<1x10240x128xf32, #tpu.memory_space<hbm>>
      %dma_start3A_82 = tpu.memref_squeeze %dma_start3A_81 : memref<1x10240x128xf32, #tpu.memory_space<hbm>> -> memref<10240x128xf32, #tpu.memory_space<hbm>>
      %dma_start3A_83 = arith.constant 0 : i32
      %dma_start3A_84 = tpu.memref_slice %dma_start3A_82[%add3A_65, %dma_start3A_83] : memref<10240x128xf32, #tpu.memory_space<hbm>> -> memref<128x128xf32, #tpu.memory_space<hbm>>
      tpu.enqueue_dma source(%arg8 : memref<128x128xf32, #tpu.memory_space<vmem>>) target(%dma_start3A_84 : memref<128x128xf32, #tpu.memory_space<hbm>>) target_semaphore(%run_scoped3A : memref<!tpu.dma_semaphore, #tpu.memory_space<semaphore_mem>>)
      %dma_wait3A = arith.constant 0 : i32
      %dma_wait3A_85 = arith.constant 0 : i32
      %dma_wait3A_86 = tpu.memref_slice %arg5[%arg0, %dma_wait3A, %dma_wait3A_85] : memref<2x10240x128xf32, #tpu.memory_space<hbm>> -> memref<1x10240x128xf32, #tpu.memory_space<hbm>>
      %dma_wait3A_87 = tpu.memref_squeeze %dma_wait3A_86 : memref<1x10240x128xf32, #tpu.memory_space<hbm>> -> memref<10240x128xf32, #tpu.memory_space<hbm>>
      %dma_wait3A_88 = arith.constant 0 : i32
      %dma_wait3A_89 = tpu.memref_slice %dma_wait3A_87[%add3A_65, %dma_wait3A_88] : memref<10240x128xf32, #tpu.memory_space<hbm>> -> memref<128x128xf32, #tpu.memory_space<hbm>>
      %dma_wait3A_90 = arith.constant 0 : i32
      %dma_wait3A_91 = arith.constant 0 : i32
      %dma_wait3A_92 = tpu.memref_slice %arg5[%arg0, %dma_wait3A_90, %dma_wait3A_91] : memref<2x10240x128xf32, #tpu.memory_space<hbm>> -> memref<1x10240x128xf32, #tpu.memory_space<hbm>>
      %dma_wait3A_93 = tpu.memref_squeeze %dma_wait3A_92 : memref<1x10240x128xf32, #tpu.memory_space<hbm>> -> memref<10240x128xf32, #tpu.memory_space<hbm>>
      %dma_wait3A_94 = arith.constant 0 : i32
      %dma_wait3A_95 = tpu.memref_slice %dma_wait3A_93[%add3A_65, %dma_wait3A_94] : memref<10240x128xf32, #tpu.memory_space<hbm>> -> memref<128x128xf32, #tpu.memory_space<hbm>>
      tpu.wait_dma2 semaphore(%run_scoped3A : memref<!tpu.dma_semaphore, #tpu.memory_space<semaphore_mem>>) src(%arg8 : memref<128x128xf32, #tpu.memory_space<vmem>>) dst(%dma_wait3A_95 : memref<128x128xf32, #tpu.memory_space<hbm>>)
      tpu.yield
    }) : () -> ()
    %mul3A_66 = arith.constant 640 : i32
    %mul3A_67 = arith.muli %arg1, %mul3A_66 : i32
    %add3A_68 = arith.constant 512 : i32
    %add3A_69 = arith.addi %mul3A_67, %add3A_68 : i32
    "tpu.region"() ({
      %run_scoped3A = tpu.sem_alloc : memref<!tpu.dma_semaphore, #tpu.memory_space<semaphore_mem>>
      %dma_start3A = arith.constant 0 : i32
      %dma_start3A_74 = tpu.memref_slice %arg10[%add3A_69, %dma_start3A] : memref<10240x128xf32, #tpu.memory_space<vmem_shared>> -> memref<128x128xf32, #tpu.memory_space<vmem_shared>>
      %dma_start3A_75 = arith.constant 0 : i32
      %dma_start3A_76 = tpu.memref_slice %arg10[%add3A_69, %dma_start3A_75] : memref<10240x128xf32, #tpu.memory_space<vmem_shared>> -> memref<128x128xf32, #tpu.memory_space<vmem_shared>>
      tpu.enqueue_dma source(%dma_start3A_76 : memref<128x128xf32, #tpu.memory_space<vmem_shared>>) target(%arg8 : memref<128x128xf32, #tpu.memory_space<vmem>>) target_semaphore(%run_scoped3A : memref<!tpu.dma_semaphore, #tpu.memory_space<semaphore_mem>>)
      %dma_wait3A = arith.constant 0 : i32
      %dma_wait3A_77 = tpu.memref_slice %arg10[%add3A_69, %dma_wait3A] : memref<10240x128xf32, #tpu.memory_space<vmem_shared>> -> memref<128x128xf32, #tpu.memory_space<vmem_shared>>
      %dma_wait3A_78 = arith.constant 0 : i32
      %dma_wait3A_79 = tpu.memref_slice %arg10[%add3A_69, %dma_wait3A_78] : memref<10240x128xf32, #tpu.memory_space<vmem_shared>> -> memref<128x128xf32, #tpu.memory_space<vmem_shared>>
      tpu.wait_dma2 semaphore(%run_scoped3A : memref<!tpu.dma_semaphore, #tpu.memory_space<semaphore_mem>>) src(%dma_wait3A_79 : memref<128x128xf32, #tpu.memory_space<vmem_shared>>) dst(%arg8 : memref<128x128xf32, #tpu.memory_space<vmem>>)
      tpu.yield
    }) : () -> ()
    %mul3A_70 = arith.constant 640 : i32
    %mul3A_71 = arith.muli %arg1, %mul3A_70 : i32
    %add3A_72 = arith.constant 512 : i32
    %add3A_73 = arith.addi %mul3A_71, %add3A_72 : i32
    "tpu.region"() ({
      %run_scoped3A = tpu.sem_alloc : memref<!tpu.dma_semaphore, #tpu.memory_space<semaphore_mem>>
      %dma_start3A = arith.constant 0 : i32
      %dma_start3A_74 = arith.constant 0 : i32
      %dma_start3A_75 = tpu.memref_slice %arg5[%arg0, %dma_start3A, %dma_start3A_74] : memref<2x10240x128xf32, #tpu.memory_space<hbm>> -> memref<1x10240x128xf32, #tpu.memory_space<hbm>>
      %dma_start3A_76 = tpu.memref_squeeze %dma_start3A_75 : memref<1x10240x128xf32, #tpu.memory_space<hbm>> -> memref<10240x128xf32, #tpu.memory_space<hbm>>
      %dma_start3A_77 = arith.constant 0 : i32
      %dma_start3A_78 = tpu.memref_slice %dma_start3A_76[%add3A_73, %dma_start3A_77] : memref<10240x128xf32, #tpu.memory_space<hbm>> -> memref<128x128xf32, #tpu.memory_space<hbm>>
      %dma_start3A_79 = arith.constant 0 : i32
      %dma_start3A_80 = arith.constant 0 : i32
      %dma_start3A_81 = tpu.memref_slice %arg5[%arg0, %dma_start3A_79, %dma_start3A_80] : memref<2x10240x128xf32, #tpu.memory_space<hbm>> -> memref<1x10240x128xf32, #tpu.memory_space<hbm>>
      %dma_start3A_82 = tpu.memref_squeeze %dma_start3A_81 : memref<1x10240x128xf32, #tpu.memory_space<hbm>> -> memref<10240x128xf32, #tpu.memory_space<hbm>>
      %dma_start3A_83 = arith.constant 0 : i32
      %dma_start3A_84 = tpu.memref_slice %dma_start3A_82[%add3A_73, %dma_start3A_83] : memref<10240x128xf32, #tpu.memory_space<hbm>> -> memref<128x128xf32, #tpu.memory_space<hbm>>
      tpu.enqueue_dma source(%arg8 : memref<128x128xf32, #tpu.memory_space<vmem>>) target(%dma_start3A_84 : memref<128x128xf32, #tpu.memory_space<hbm>>) target_semaphore(%run_scoped3A : memref<!tpu.dma_semaphore, #tpu.memory_space<semaphore_mem>>)
      %dma_wait3A = arith.constant 0 : i32
      %dma_wait3A_85 = arith.constant 0 : i32
      %dma_wait3A_86 = tpu.memref_slice %arg5[%arg0, %dma_wait3A, %dma_wait3A_85] : memref<2x10240x128xf32, #tpu.memory_space<hbm>> -> memref<1x10240x128xf32, #tpu.memory_space<hbm>>
      %dma_wait3A_87 = tpu.memref_squeeze %dma_wait3A_86 : memref<1x10240x128xf32, #tpu.memory_space<hbm>> -> memref<10240x128xf32, #tpu.memory_space<hbm>>
      %dma_wait3A_88 = arith.constant 0 : i32
      %dma_wait3A_89 = tpu.memref_slice %dma_wait3A_87[%add3A_73, %dma_wait3A_88] : memref<10240x128xf32, #tpu.memory_space<hbm>> -> memref<128x128xf32, #tpu.memory_space<hbm>>
      %dma_wait3A_90 = arith.constant 0 : i32
      %dma_wait3A_91 = arith.constant 0 : i32
      %dma_wait3A_92 = tpu.memref_slice %arg5[%arg0, %dma_wait3A_90, %dma_wait3A_91] : memref<2x10240x128xf32, #tpu.memory_space<hbm>> -> memref<1x10240x128xf32, #tpu.memory_space<hbm>>
      %dma_wait3A_93 = tpu.memref_squeeze %dma_wait3A_92 : memref<1x10240x128xf32, #tpu.memory_space<hbm>> -> memref<10240x128xf32, #tpu.memory_space<hbm>>
      %dma_wait3A_94 = arith.constant 0 : i32
      %dma_wait3A_95 = tpu.memref_slice %dma_wait3A_93[%add3A_73, %dma_wait3A_94] : memref<10240x128xf32, #tpu.memory_space<hbm>> -> memref<128x128xf32, #tpu.memory_space<hbm>>
      tpu.wait_dma2 semaphore(%run_scoped3A : memref<!tpu.dma_semaphore, #tpu.memory_space<semaphore_mem>>) src(%arg8 : memref<128x128xf32, #tpu.memory_space<vmem>>) dst(%dma_wait3A_95 : memref<128x128xf32, #tpu.memory_space<hbm>>)
      tpu.yield
    }) : () -> ()
    return
  }
}

#map = affine_map<(d0, d1) -> (0, 0, 0)>
module attributes {stable_mosaic.version = 14 : i64} {
  func.func @_sc_deg_body(%arg0: i32, %arg1: i32, %arg2: memref<32x80x128xi32, #tpu.memory_space<hbm>>, %arg3: memref<2x10240x128xf32, #tpu.memory_space<hbm>>, %arg4: memref<8x128xi32, #tpu.memory_space<vmem>>, %arg5: memref<128x128xf32, #tpu.memory_space<vmem>>, %arg6: memref<10240x128xf32, #tpu.memory_space<vmem_shared>>) attributes {dimension_semantics = [#tpu.dimension_semantics<core_parallel>, #tpu.dimension_semantics<subcore_parallel>], iteration_bounds = array<i64: 2, 16>, scalar_prefetch = 0 : i64, scratch_operands = 3 : i64, tpu.core_type = #tpu.core_type<sc_vector_subcore>, window_params = [{transform_indices = #map}, {transform_indices = #map}]} {
    %mul3A = arith.constant 2 : i32
    %mul3A_0 = arith.muli %arg1, %mul3A : i32
    %add3A = arith.addi %mul3A_0, %arg0 : i32
    %broadcast_in_dim3A = arith.constant 0.000000e+00 : f32
    %broadcast_in_dim3A_1 = vector.broadcast %broadcast_in_dim3A : f32 to vector<16xf32>
    %broadcast_in_dim3A_2 = arith.constant 1.000000e+00 : f32
    %broadcast_in_dim3A_3 = vector.broadcast %broadcast_in_dim3A_2 : f32 to vector<16xf32>
    %scan3A = arith.constant 0 : i32
    %scan3A_4 = arith.constant 0 : i32
    %scan3A_5 = arith.constant 128 : i32
    %scan3A_6 = arith.addi %scan3A_4, %scan3A_5 : i32
    %scan3A_7 = arith.constant 1 : i32
    scf.for %scan3A_82 = %scan3A_4 to %scan3A_6 step %scan3A_7  : i32 {
      %swap3A = arith.index_cast %scan3A_82 : i32 to index
      %swap3A_83 = arith.constant 0 : index
      %swap3A_84 = tpu.vector_load %arg5[%swap3A, %swap3A_83] {strides = array<i32>} : memref<128x128xf32, #tpu.memory_space<vmem>>, vector<1x16xf32>,
      %swap3A_85 = vector.shape_cast %swap3A_84 : vector<1x16xf32> to vector<16xf32>
      %swap3A_86 = vector.shape_cast %broadcast_in_dim3A_1 : vector<16xf32> to vector<1x16xf32>
      tpu.vector_store %arg5[%swap3A, %swap3A_83], %swap3A_86 {strides = array<i32>} : memref<128x128xf32, #tpu.memory_space<vmem>>, vector<1x16xf32>,
      %swap3A_87 = arith.index_cast %scan3A_82 : i32 to index
      %swap3A_88 = arith.constant 16 : index
      %swap3A_89 = tpu.vector_load %arg5[%swap3A_87, %swap3A_88] {strides = array<i32>} : memref<128x128xf32, #tpu.memory_space<vmem>>, vector<1x16xf32>,
      %swap3A_90 = vector.shape_cast %swap3A_89 : vector<1x16xf32> to vector<16xf32>
      %swap3A_91 = vector.shape_cast %broadcast_in_dim3A_1 : vector<16xf32> to vector<1x16xf32>
      tpu.vector_store %arg5[%swap3A_87, %swap3A_88], %swap3A_91 {strides = array<i32>} : memref<128x128xf32, #tpu.memory_space<vmem>>, vector<1x16xf32>,
      %swap3A_92 = arith.index_cast %scan3A_82 : i32 to index
      %swap3A_93 = arith.constant 32 : index
      %swap3A_94 = tpu.vector_load %arg5[%swap3A_92, %swap3A_93] {strides = array<i32>} : memref<128x128xf32, #tpu.memory_space<vmem>>, vector<1x16xf32>,
      %swap3A_95 = vector.shape_cast %swap3A_94 : vector<1x16xf32> to vector<16xf32>
      %swap3A_96 = vector.shape_cast %broadcast_in_dim3A_1 : vector<16xf32> to vector<1x16xf32>
      tpu.vector_store %arg5[%swap3A_92, %swap3A_93], %swap3A_96 {strides = array<i32>} : memref<128x128xf32, #tpu.memory_space<vmem>>, vector<1x16xf32>,
      %swap3A_97 = arith.index_cast %scan3A_82 : i32 to index
      %swap3A_98 = arith.constant 48 : index
      %swap3A_99 = tpu.vector_load %arg5[%swap3A_97, %swap3A_98] {strides = array<i32>} : memref<128x128xf32, #tpu.memory_space<vmem>>, vector<1x16xf32>,
      %swap3A_100 = vector.shape_cast %swap3A_99 : vector<1x16xf32> to vector<16xf32>
      %swap3A_101 = vector.shape_cast %broadcast_in_dim3A_1 : vector<16xf32> to vector<1x16xf32>
      tpu.vector_store %arg5[%swap3A_97, %swap3A_98], %swap3A_101 {strides = array<i32>} : memref<128x128xf32, #tpu.memory_space<vmem>>, vector<1x16xf32>,
      %swap3A_102 = arith.index_cast %scan3A_82 : i32 to index
      %swap3A_103 = arith.constant 64 : index
      %swap3A_104 = tpu.vector_load %arg5[%swap3A_102, %swap3A_103] {strides = array<i32>} : memref<128x128xf32, #tpu.memory_space<vmem>>, vector<1x16xf32>,
      %swap3A_105 = vector.shape_cast %swap3A_104 : vector<1x16xf32> to vector<16xf32>
      %swap3A_106 = vector.shape_cast %broadcast_in_dim3A_1 : vector<16xf32> to vector<1x16xf32>
      tpu.vector_store %arg5[%swap3A_102, %swap3A_103], %swap3A_106 {strides = array<i32>} : memref<128x128xf32, #tpu.memory_space<vmem>>, vector<1x16xf32>,
      %swap3A_107 = arith.index_cast %scan3A_82 : i32 to index
      %swap3A_108 = arith.constant 80 : index
      %swap3A_109 = tpu.vector_load %arg5[%swap3A_107, %swap3A_108] {strides = array<i32>} : memref<128x128xf32, #tpu.memory_space<vmem>>, vector<1x16xf32>,
      %swap3A_110 = vector.shape_cast %swap3A_109 : vector<1x16xf32> to vector<16xf32>
      %swap3A_111 = vector.shape_cast %broadcast_in_dim3A_1 : vector<16xf32> to vector<1x16xf32>
      tpu.vector_store %arg5[%swap3A_107, %swap3A_108], %swap3A_111 {strides = array<i32>} : memref<128x128xf32, #tpu.memory_space<vmem>>, vector<1x16xf32>,
      %swap3A_112 = arith.index_cast %scan3A_82 : i32 to index
      %swap3A_113 = arith.constant 96 : index
      %swap3A_114 = tpu.vector_load %arg5[%swap3A_112, %swap3A_113] {strides = array<i32>} : memref<128x128xf32, #tpu.memory_space<vmem>>, vector<1x16xf32>,
      %swap3A_115 = vector.shape_cast %swap3A_114 : vector<1x16xf32> to vector<16xf32>
      %swap3A_116 = vector.shape_cast %broadcast_in_dim3A_1 : vector<16xf32> to vector<1x16xf32>
      tpu.vector_store %arg5[%swap3A_112, %swap3A_113], %swap3A_116 {strides = array<i32>} : memref<128x128xf32, #tpu.memory_space<vmem>>, vector<1x16xf32>,
      %swap3A_117 = arith.index_cast %scan3A_82 : i32 to index
      %swap3A_118 = arith.constant 112 : index
      %swap3A_119 = tpu.vector_load %arg5[%swap3A_117, %swap3A_118] {strides = array<i32>} : memref<128x128xf32, #tpu.memory_space<vmem>>, vector<1x16xf32>,
      %swap3A_120 = vector.shape_cast %swap3A_119 : vector<1x16xf32> to vector<16xf32>
      %swap3A_121 = vector.shape_cast %broadcast_in_dim3A_1 : vector<16xf32> to vector<1x16xf32>
      tpu.vector_store %arg5[%swap3A_117, %swap3A_118], %swap3A_121 {strides = array<i32>} : memref<128x128xf32, #tpu.memory_space<vmem>>, vector<1x16xf32>,
    }
    %scan3A_8 = arith.constant 128 : i32
    %mul3A_9 = arith.constant 640 : i32
    %mul3A_10 = arith.muli %arg1, %mul3A_9 : i32
    %add3A_11 = arith.constant 0 : i32
    %add3A_12 = arith.addi %mul3A_10, %add3A_11 : i32
    "tpu.region"() ({
      %run_scoped3A = tpu.sem_alloc : memref<!tpu.dma_semaphore, #tpu.memory_space<semaphore_mem>>
      %dma_start3A = arith.constant 0 : i32
      %dma_start3A_82 = tpu.memref_slice %arg6[%add3A_12, %dma_start3A] : memref<10240x128xf32, #tpu.memory_space<vmem_shared>> -> memref<128x128xf32, #tpu.memory_space<vmem_shared>>
      %dma_start3A_83 = arith.constant 0 : i32
      %dma_start3A_84 = tpu.memref_slice %arg6[%add3A_12, %dma_start3A_83] : memref<10240x128xf32, #tpu.memory_space<vmem_shared>> -> memref<128x128xf32, #tpu.memory_space<vmem_shared>>
      tpu.enqueue_dma source(%arg5 : memref<128x128xf32, #tpu.memory_space<vmem>>) target(%dma_start3A_84 : memref<128x128xf32, #tpu.memory_space<vmem_shared>>) target_semaphore(%run_scoped3A : memref<!tpu.dma_semaphore, #tpu.memory_space<semaphore_mem>>)
      %dma_wait3A = arith.constant 0 : i32
      %dma_wait3A_85 = tpu.memref_slice %arg6[%add3A_12, %dma_wait3A] : memref<10240x128xf32, #tpu.memory_space<vmem_shared>> -> memref<128x128xf32, #tpu.memory_space<vmem_shared>>
      %dma_wait3A_86 = arith.constant 0 : i32
      %dma_wait3A_87 = tpu.memref_slice %arg6[%add3A_12, %dma_wait3A_86] : memref<10240x128xf32, #tpu.memory_space<vmem_shared>> -> memref<128x128xf32, #tpu.memory_space<vmem_shared>>
      tpu.wait_dma2 semaphore(%run_scoped3A : memref<!tpu.dma_semaphore, #tpu.memory_space<semaphore_mem>>) src(%arg5 : memref<128x128xf32, #tpu.memory_space<vmem>>) dst(%dma_wait3A_87 : memref<128x128xf32, #tpu.memory_space<vmem_shared>>)
      tpu.yield
    }) : () -> ()
    %mul3A_13 = arith.constant 640 : i32
    %mul3A_14 = arith.muli %arg1, %mul3A_13 : i32
    %add3A_15 = arith.constant 128 : i32
    %add3A_16 = arith.addi %mul3A_14, %add3A_15 : i32
    "tpu.region"() ({
      %run_scoped3A = tpu.sem_alloc : memref<!tpu.dma_semaphore, #tpu.memory_space<semaphore_mem>>
      %dma_start3A = arith.constant 0 : i32
      %dma_start3A_82 = tpu.memref_slice %arg6[%add3A_16, %dma_start3A] : memref<10240x128xf32, #tpu.memory_space<vmem_shared>> -> memref<128x128xf32, #tpu.memory_space<vmem_shared>>
      %dma_start3A_83 = arith.constant 0 : i32
      %dma_start3A_84 = tpu.memref_slice %arg6[%add3A_16, %dma_start3A_83] : memref<10240x128xf32, #tpu.memory_space<vmem_shared>> -> memref<128x128xf32, #tpu.memory_space<vmem_shared>>
      tpu.enqueue_dma source(%arg5 : memref<128x128xf32, #tpu.memory_space<vmem>>) target(%dma_start3A_84 : memref<128x128xf32, #tpu.memory_space<vmem_shared>>) target_semaphore(%run_scoped3A : memref<!tpu.dma_semaphore, #tpu.memory_space<semaphore_mem>>)
      %dma_wait3A = arith.constant 0 : i32
      %dma_wait3A_85 = tpu.memref_slice %arg6[%add3A_16, %dma_wait3A] : memref<10240x128xf32, #tpu.memory_space<vmem_shared>> -> memref<128x128xf32, #tpu.memory_space<vmem_shared>>
      %dma_wait3A_86 = arith.constant 0 : i32
      %dma_wait3A_87 = tpu.memref_slice %arg6[%add3A_16, %dma_wait3A_86] : memref<10240x128xf32, #tpu.memory_space<vmem_shared>> -> memref<128x128xf32, #tpu.memory_space<vmem_shared>>
      tpu.wait_dma2 semaphore(%run_scoped3A : memref<!tpu.dma_semaphore, #tpu.memory_space<semaphore_mem>>) src(%arg5 : memref<128x128xf32, #tpu.memory_space<vmem>>) dst(%dma_wait3A_87 : memref<128x128xf32, #tpu.memory_space<vmem_shared>>)
      tpu.yield
    }) : () -> ()
    %mul3A_17 = arith.constant 640 : i32
    %mul3A_18 = arith.muli %arg1, %mul3A_17 : i32
    %add3A_19 = arith.constant 256 : i32
    %add3A_20 = arith.addi %mul3A_18, %add3A_19 : i32
    "tpu.region"() ({
      %run_scoped3A = tpu.sem_alloc : memref<!tpu.dma_semaphore, #tpu.memory_space<semaphore_mem>>
      %dma_start3A = arith.constant 0 : i32
      %dma_start3A_82 = tpu.memref_slice %arg6[%add3A_20, %dma_start3A] : memref<10240x128xf32, #tpu.memory_space<vmem_shared>> -> memref<128x128xf32, #tpu.memory_space<vmem_shared>>
      %dma_start3A_83 = arith.constant 0 : i32
      %dma_start3A_84 = tpu.memref_slice %arg6[%add3A_20, %dma_start3A_83] : memref<10240x128xf32, #tpu.memory_space<vmem_shared>> -> memref<128x128xf32, #tpu.memory_space<vmem_shared>>
      tpu.enqueue_dma source(%arg5 : memref<128x128xf32, #tpu.memory_space<vmem>>) target(%dma_start3A_84 : memref<128x128xf32, #tpu.memory_space<vmem_shared>>) target_semaphore(%run_scoped3A : memref<!tpu.dma_semaphore, #tpu.memory_space<semaphore_mem>>)
      %dma_wait3A = arith.constant 0 : i32
      %dma_wait3A_85 = tpu.memref_slice %arg6[%add3A_20, %dma_wait3A] : memref<10240x128xf32, #tpu.memory_space<vmem_shared>> -> memref<128x128xf32, #tpu.memory_space<vmem_shared>>
      %dma_wait3A_86 = arith.constant 0 : i32
      %dma_wait3A_87 = tpu.memref_slice %arg6[%add3A_20, %dma_wait3A_86] : memref<10240x128xf32, #tpu.memory_space<vmem_shared>> -> memref<128x128xf32, #tpu.memory_space<vmem_shared>>
      tpu.wait_dma2 semaphore(%run_scoped3A : memref<!tpu.dma_semaphore, #tpu.memory_space<semaphore_mem>>) src(%arg5 : memref<128x128xf32, #tpu.memory_space<vmem>>) dst(%dma_wait3A_87 : memref<128x128xf32, #tpu.memory_space<vmem_shared>>)
      tpu.yield
    }) : () -> ()
    %mul3A_21 = arith.constant 640 : i32
    %mul3A_22 = arith.muli %arg1, %mul3A_21 : i32
    %add3A_23 = arith.constant 384 : i32
    %add3A_24 = arith.addi %mul3A_22, %add3A_23 : i32
    "tpu.region"() ({
      %run_scoped3A = tpu.sem_alloc : memref<!tpu.dma_semaphore, #tpu.memory_space<semaphore_mem>>
      %dma_start3A = arith.constant 0 : i32
      %dma_start3A_82 = tpu.memref_slice %arg6[%add3A_24, %dma_start3A] : memref<10240x128xf32, #tpu.memory_space<vmem_shared>> -> memref<128x128xf32, #tpu.memory_space<vmem_shared>>
      %dma_start3A_83 = arith.constant 0 : i32
      %dma_start3A_84 = tpu.memref_slice %arg6[%add3A_24, %dma_start3A_83] : memref<10240x128xf32, #tpu.memory_space<vmem_shared>> -> memref<128x128xf32, #tpu.memory_space<vmem_shared>>
      tpu.enqueue_dma source(%arg5 : memref<128x128xf32, #tpu.memory_space<vmem>>) target(%dma_start3A_84 : memref<128x128xf32, #tpu.memory_space<vmem_shared>>) target_semaphore(%run_scoped3A : memref<!tpu.dma_semaphore, #tpu.memory_space<semaphore_mem>>)
      %dma_wait3A = arith.constant 0 : i32
      %dma_wait3A_85 = tpu.memref_slice %arg6[%add3A_24, %dma_wait3A] : memref<10240x128xf32, #tpu.memory_space<vmem_shared>> -> memref<128x128xf32, #tpu.memory_space<vmem_shared>>
      %dma_wait3A_86 = arith.constant 0 : i32
      %dma_wait3A_87 = tpu.memref_slice %arg6[%add3A_24, %dma_wait3A_86] : memref<10240x128xf32, #tpu.memory_space<vmem_shared>> -> memref<128x128xf32, #tpu.memory_space<vmem_shared>>
      tpu.wait_dma2 semaphore(%run_scoped3A : memref<!tpu.dma_semaphore, #tpu.memory_space<semaphore_mem>>) src(%arg5 : memref<128x128xf32, #tpu.memory_space<vmem>>) dst(%dma_wait3A_87 : memref<128x128xf32, #tpu.memory_space<vmem_shared>>)
      tpu.yield
    }) : () -> ()
    %mul3A_25 = arith.constant 640 : i32
    %mul3A_26 = arith.muli %arg1, %mul3A_25 : i32
    %add3A_27 = arith.constant 512 : i32
    %add3A_28 = arith.addi %mul3A_26, %add3A_27 : i32
    "tpu.region"() ({
      %run_scoped3A = tpu.sem_alloc : memref<!tpu.dma_semaphore, #tpu.memory_space<semaphore_mem>>
      %dma_start3A = arith.constant 0 : i32
      %dma_start3A_82 = tpu.memref_slice %arg6[%add3A_28, %dma_start3A] : memref<10240x128xf32, #tpu.memory_space<vmem_shared>> -> memref<128x128xf32, #tpu.memory_space<vmem_shared>>
      %dma_start3A_83 = arith.constant 0 : i32
      %dma_start3A_84 = tpu.memref_slice %arg6[%add3A_28, %dma_start3A_83] : memref<10240x128xf32, #tpu.memory_space<vmem_shared>> -> memref<128x128xf32, #tpu.memory_space<vmem_shared>>
      tpu.enqueue_dma source(%arg5 : memref<128x128xf32, #tpu.memory_space<vmem>>) target(%dma_start3A_84 : memref<128x128xf32, #tpu.memory_space<vmem_shared>>) target_semaphore(%run_scoped3A : memref<!tpu.dma_semaphore, #tpu.memory_space<semaphore_mem>>)
      %dma_wait3A = arith.constant 0 : i32
      %dma_wait3A_85 = tpu.memref_slice %arg6[%add3A_28, %dma_wait3A] : memref<10240x128xf32, #tpu.memory_space<vmem_shared>> -> memref<128x128xf32, #tpu.memory_space<vmem_shared>>
      %dma_wait3A_86 = arith.constant 0 : i32
      %dma_wait3A_87 = tpu.memref_slice %arg6[%add3A_28, %dma_wait3A_86] : memref<10240x128xf32, #tpu.memory_space<vmem_shared>> -> memref<128x128xf32, #tpu.memory_space<vmem_shared>>
      tpu.wait_dma2 semaphore(%run_scoped3A : memref<!tpu.dma_semaphore, #tpu.memory_space<semaphore_mem>>) src(%arg5 : memref<128x128xf32, #tpu.memory_space<vmem>>) dst(%dma_wait3A_87 : memref<128x128xf32, #tpu.memory_space<vmem_shared>>)
      tpu.yield
    }) : () -> ()
    %scan3A_29 = arith.constant 0 : i32
    %scan3A_30 = arith.constant 0 : i32
    %scan3A_31 = arith.constant 128 : i32
    %scan3A_32 = arith.addi %scan3A_30, %scan3A_31 : i32
    %scan3A_33 = arith.constant 1 : i32
    scf.for %scan3A_82 = %scan3A_30 to %scan3A_32 step %scan3A_33  : i32 {
      %swap3A = arith.index_cast %scan3A_82 : i32 to index
      %swap3A_83 = arith.constant 0 : index
      %swap3A_84 = tpu.vector_load %arg5[%swap3A, %swap3A_83] {strides = array<i32>} : memref<128x128xf32, #tpu.memory_space<vmem>>, vector<1x16xf32>,
      %swap3A_85 = vector.shape_cast %swap3A_84 : vector<1x16xf32> to vector<16xf32>
      %swap3A_86 = vector.shape_cast %broadcast_in_dim3A_3 : vector<16xf32> to vector<1x16xf32>
      tpu.vector_store %arg5[%swap3A, %swap3A_83], %swap3A_86 {strides = array<i32>} : memref<128x128xf32, #tpu.memory_space<vmem>>, vector<1x16xf32>,
      %swap3A_87 = arith.index_cast %scan3A_82 : i32 to index
      %swap3A_88 = arith.constant 16 : index
      %swap3A_89 = tpu.vector_load %arg5[%swap3A_87, %swap3A_88] {strides = array<i32>} : memref<128x128xf32, #tpu.memory_space<vmem>>, vector<1x16xf32>,
      %swap3A_90 = vector.shape_cast %swap3A_89 : vector<1x16xf32> to vector<16xf32>
      %swap3A_91 = vector.shape_cast %broadcast_in_dim3A_3 : vector<16xf32> to vector<1x16xf32>
      tpu.vector_store %arg5[%swap3A_87, %swap3A_88], %swap3A_91 {strides = array<i32>} : memref<128x128xf32, #tpu.memory_space<vmem>>, vector<1x16xf32>,
      %swap3A_92 = arith.index_cast %scan3A_82 : i32 to index
      %swap3A_93 = arith.constant 32 : index
      %swap3A_94 = tpu.vector_load %arg5[%swap3A_92, %swap3A_93] {strides = array<i32>} : memref<128x128xf32, #tpu.memory_space<vmem>>, vector<1x16xf32>,
      %swap3A_95 = vector.shape_cast %swap3A_94 : vector<1x16xf32> to vector<16xf32>
      %swap3A_96 = vector.shape_cast %broadcast_in_dim3A_3 : vector<16xf32> to vector<1x16xf32>
      tpu.vector_store %arg5[%swap3A_92, %swap3A_93], %swap3A_96 {strides = array<i32>} : memref<128x128xf32, #tpu.memory_space<vmem>>, vector<1x16xf32>,
      %swap3A_97 = arith.index_cast %scan3A_82 : i32 to index
      %swap3A_98 = arith.constant 48 : index
      %swap3A_99 = tpu.vector_load %arg5[%swap3A_97, %swap3A_98] {strides = array<i32>} : memref<128x128xf32, #tpu.memory_space<vmem>>, vector<1x16xf32>,
      %swap3A_100 = vector.shape_cast %swap3A_99 : vector<1x16xf32> to vector<16xf32>
      %swap3A_101 = vector.shape_cast %broadcast_in_dim3A_3 : vector<16xf32> to vector<1x16xf32>
      tpu.vector_store %arg5[%swap3A_97, %swap3A_98], %swap3A_101 {strides = array<i32>} : memref<128x128xf32, #tpu.memory_space<vmem>>, vector<1x16xf32>,
      %swap3A_102 = arith.index_cast %scan3A_82 : i32 to index
      %swap3A_103 = arith.constant 64 : index
      %swap3A_104 = tpu.vector_load %arg5[%swap3A_102, %swap3A_103] {strides = array<i32>} : memref<128x128xf32, #tpu.memory_space<vmem>>, vector<1x16xf32>,
      %swap3A_105 = vector.shape_cast %swap3A_104 : vector<1x16xf32> to vector<16xf32>
      %swap3A_106 = vector.shape_cast %broadcast_in_dim3A_3 : vector<16xf32> to vector<1x16xf32>
      tpu.vector_store %arg5[%swap3A_102, %swap3A_103], %swap3A_106 {strides = array<i32>} : memref<128x128xf32, #tpu.memory_space<vmem>>, vector<1x16xf32>,
      %swap3A_107 = arith.index_cast %scan3A_82 : i32 to index
      %swap3A_108 = arith.constant 80 : index
      %swap3A_109 = tpu.vector_load %arg5[%swap3A_107, %swap3A_108] {strides = array<i32>} : memref<128x128xf32, #tpu.memory_space<vmem>>, vector<1x16xf32>,
      %swap3A_110 = vector.shape_cast %swap3A_109 : vector<1x16xf32> to vector<16xf32>
      %swap3A_111 = vector.shape_cast %broadcast_in_dim3A_3 : vector<16xf32> to vector<1x16xf32>
      tpu.vector_store %arg5[%swap3A_107, %swap3A_108], %swap3A_111 {strides = array<i32>} : memref<128x128xf32, #tpu.memory_space<vmem>>, vector<1x16xf32>,
      %swap3A_112 = arith.index_cast %scan3A_82 : i32 to index
      %swap3A_113 = arith.constant 96 : index
      %swap3A_114 = tpu.vector_load %arg5[%swap3A_112, %swap3A_113] {strides = array<i32>} : memref<128x128xf32, #tpu.memory_space<vmem>>, vector<1x16xf32>,
      %swap3A_115 = vector.shape_cast %swap3A_114 : vector<1x16xf32> to vector<16xf32>
      %swap3A_116 = vector.shape_cast %broadcast_in_dim3A_3 : vector<16xf32> to vector<1x16xf32>
      tpu.vector_store %arg5[%swap3A_112, %swap3A_113], %swap3A_116 {strides = array<i32>} : memref<128x128xf32, #tpu.memory_space<vmem>>, vector<1x16xf32>,
      %swap3A_117 = arith.index_cast %scan3A_82 : i32 to index
      %swap3A_118 = arith.constant 112 : index
      %swap3A_119 = tpu.vector_load %arg5[%swap3A_117, %swap3A_118] {strides = array<i32>} : memref<128x128xf32, #tpu.memory_space<vmem>>, vector<1x16xf32>,
      %swap3A_120 = vector.shape_cast %swap3A_119 : vector<1x16xf32> to vector<16xf32>
      %swap3A_121 = vector.shape_cast %broadcast_in_dim3A_3 : vector<16xf32> to vector<1x16xf32>
      tpu.vector_store %arg5[%swap3A_117, %swap3A_118], %swap3A_121 {strides = array<i32>} : memref<128x128xf32, #tpu.memory_space<vmem>>, vector<1x16xf32>,
    }
    %scan3A_34 = arith.constant 128 : i32
    %barrier3A = arith.constant 0 : index
    tpu.barrier barrier_id(%barrier3A)
    %scan3A_35 = arith.constant 0 : i32
    %scan3A_36 = arith.constant 0 : i32
    %scan3A_37 = arith.constant 10 : i32
    %scan3A_38 = arith.addi %scan3A_36, %scan3A_37 : i32
    %scan3A_39 = arith.constant 1 : i32
    scf.for %scan3A_82 = %scan3A_36 to %scan3A_38 step %scan3A_39  : i32 {
      %mul3A_83 = arith.constant 8 : i32
      %mul3A_84 = arith.muli %scan3A_82, %mul3A_83 : i32
      "tpu.region"() ({
        %run_scoped3A = tpu.sem_alloc : memref<!tpu.dma_semaphore, #tpu.memory_space<semaphore_mem>>
        %dma_start3A = arith.constant 0 : i32
        %dma_start3A_91 = arith.constant 0 : i32
        %dma_start3A_92 = tpu.memref_slice %arg2[%add3A, %dma_start3A, %dma_start3A_91] : memref<32x80x128xi32, #tpu.memory_space<hbm>> -> memref<1x80x128xi32, #tpu.memory_space<hbm>>
        %dma_start3A_93 = tpu.memref_squeeze %dma_start3A_92 : memref<1x80x128xi32, #tpu.memory_space<hbm>> -> memref<80x128xi32, #tpu.memory_space<hbm>>
        %dma_start3A_94 = arith.constant 0 : i32
        %dma_start3A_95 = tpu.memref_slice %dma_start3A_93[%mul3A_84, %dma_start3A_94] : memref<80x128xi32, #tpu.memory_space<hbm>> -> memref<8x128xi32, #tpu.memory_space<hbm>>
        %dma_start3A_96 = arith.constant 0 : i32
        %dma_start3A_97 = arith.constant 0 : i32
        %dma_start3A_98 = tpu.memref_slice %arg2[%add3A, %dma_start3A_96, %dma_start3A_97] : memref<32x80x128xi32, #tpu.memory_space<hbm>> -> memref<1x80x128xi32, #tpu.memory_space<hbm>>
        %dma_start3A_99 = tpu.memref_squeeze %dma_start3A_98 : memref<1x80x128xi32, #tpu.memory_space<hbm>> -> memref<80x128xi32, #tpu.memory_space<hbm>>
        %dma_start3A_100 = arith.constant 0 : i32
        %dma_start3A_101 = tpu.memref_slice %dma_start3A_99[%mul3A_84, %dma_start3A_100] : memref<80x128xi32, #tpu.memory_space<hbm>> -> memref<8x128xi32, #tpu.memory_space<hbm>>
        tpu.enqueue_dma source(%dma_start3A_101 : memref<8x128xi32, #tpu.memory_space<hbm>>) target(%arg4 : memref<8x128xi32, #tpu.memory_space<vmem>>) target_semaphore(%run_scoped3A : memref<!tpu.dma_semaphore, #tpu.memory_space<semaphore_mem>>)
        %dma_wait3A = arith.constant 0 : i32
        %dma_wait3A_102 = arith.constant 0 : i32
        %dma_wait3A_103 = tpu.memref_slice %arg2[%add3A, %dma_wait3A, %dma_wait3A_102] : memref<32x80x128xi32, #tpu.memory_space<hbm>> -> memref<1x80x128xi32, #tpu.memory_space<hbm>>
        %dma_wait3A_104 = tpu.memref_squeeze %dma_wait3A_103 : memref<1x80x128xi32, #tpu.memory_space<hbm>> -> memref<80x128xi32, #tpu.memory_space<hbm>>
        %dma_wait3A_105 = arith.constant 0 : i32
        %dma_wait3A_106 = tpu.memref_slice %dma_wait3A_104[%mul3A_84, %dma_wait3A_105] : memref<80x128xi32, #tpu.memory_space<hbm>> -> memref<8x128xi32, #tpu.memory_space<hbm>>
        %dma_wait3A_107 = arith.constant 0 : i32
        %dma_wait3A_108 = arith.constant 0 : i32
        %dma_wait3A_109 = tpu.memref_slice %arg2[%add3A, %dma_wait3A_107, %dma_wait3A_108] : memref<32x80x128xi32, #tpu.memory_space<hbm>> -> memref<1x80x128xi32, #tpu.memory_space<hbm>>
        %dma_wait3A_110 = tpu.memref_squeeze %dma_wait3A_109 : memref<1x80x128xi32, #tpu.memory_space<hbm>> -> memref<80x128xi32, #tpu.memory_space<hbm>>
        %dma_wait3A_111 = arith.constant 0 : i32
        %dma_wait3A_112 = tpu.memref_slice %dma_wait3A_110[%mul3A_84, %dma_wait3A_111] : memref<80x128xi32, #tpu.memory_space<hbm>> -> memref<8x128xi32, #tpu.memory_space<hbm>>
        tpu.wait_dma2 semaphore(%run_scoped3A : memref<!tpu.dma_semaphore, #tpu.memory_space<semaphore_mem>>) src(%dma_wait3A_112 : memref<8x128xi32, #tpu.memory_space<hbm>>) dst(%arg4 : memref<8x128xi32, #tpu.memory_space<vmem>>)
        tpu.yield
      }) : () -> ()
      %scan3A_85 = arith.constant 0 : i32
      %scan3A_86 = arith.constant 0 : i32
      %scan3A_87 = arith.constant 8 : i32
      %scan3A_88 = arith.addi %scan3A_86, %scan3A_87 : i32
      %scan3A_89 = arith.constant 1 : i32
      scf.for %scan3A_91 = %scan3A_86 to %scan3A_88 step %scan3A_89  : i32 {
        "tpu.region"() ({
          %run_scoped3A = tpu.sem_alloc : memref<!tpu.dma_semaphore, #tpu.memory_space<semaphore_mem>>
          %dma_start3A = arith.constant 0 : i32
          %dma_start3A_92 = tpu.memref_slice %arg4[%scan3A_91, %dma_start3A] : memref<8x128xi32, #tpu.memory_space<vmem>> -> memref<1x128xi32, #tpu.memory_space<vmem>>
          %dma_start3A_93 = tpu.memref_squeeze %dma_start3A_92 : memref<1x128xi32, #tpu.memory_space<vmem>> -> memref<128xi32, #tpu.memory_space<vmem>>
          %dma_start3A_94 = arith.constant 0 : i32
          %dma_start3A_95 = arith.constant 0 : i32
          %dma_start3A_96 = tpu.memref_slice %arg6[%dma_start3A_94, %dma_start3A_95] : memref<10240x128xf32, #tpu.memory_space<vmem_shared>> -> memref<10240x128xf32, #tpu.memory_space<vmem_shared>>
          tpu.enqueue_indirect_dma source(%arg5 : memref<128x128xf32, #tpu.memory_space<vmem>>) target(%dma_start3A_96 : memref<10240x128xf32, #tpu.memory_space<vmem_shared>>) offsets(%dma_start3A_93 : memref<128xi32, #tpu.memory_space<vmem>>) semaphore(%run_scoped3A : memref<!tpu.dma_semaphore, #tpu.memory_space<semaphore_mem>>) {add = true}
          %dma_wait3A = arith.constant 0 : i32
          %dma_wait3A_97 = tpu.memref_slice %arg4[%scan3A_91, %dma_wait3A] : memref<8x128xi32, #tpu.memory_space<vmem>> -> memref<1x128xi32, #tpu.memory_space<vmem>>
          %dma_wait3A_98 = tpu.memref_squeeze %dma_wait3A_97 : memref<1x128xi32, #tpu.memory_space<vmem>> -> memref<128xi32, #tpu.memory_space<vmem>>
          %dma_wait3A_99 = arith.constant 0 : i32
          %dma_wait3A_100 = arith.constant 0 : i32
          %dma_wait3A_101 = tpu.memref_slice %arg6[%dma_wait3A_99, %dma_wait3A_100] : memref<10240x128xf32, #tpu.memory_space<vmem_shared>> -> memref<10240x128xf32, #tpu.memory_space<vmem_shared>>
          tpu.wait_indirect_dma semaphore(%run_scoped3A : memref<!tpu.dma_semaphore, #tpu.memory_space<semaphore_mem>>) src(%arg5 : memref<128x128xf32, #tpu.memory_space<vmem>>) dst(%dma_wait3A_101 : memref<10240x128xf32, #tpu.memory_space<vmem_shared>>)
          tpu.yield
        }) : () -> ()
      }
      %scan3A_90 = arith.constant 8 : i32
    }
    %scan3A_40 = arith.constant 10 : i32
    %barrier3A_41 = arith.constant 0 : index
    tpu.barrier barrier_id(%barrier3A_41)
    %mul3A_42 = arith.constant 640 : i32
    %mul3A_43 = arith.muli %arg1, %mul3A_42 : i32
    %add3A_44 = arith.constant 0 : i32
    %add3A_45 = arith.addi %mul3A_43, %add3A_44 : i32
    "tpu.region"() ({
      %run_scoped3A = tpu.sem_alloc : memref<!tpu.dma_semaphore, #tpu.memory_space<semaphore_mem>>
      %dma_start3A = arith.constant 0 : i32
      %dma_start3A_82 = tpu.memref_slice %arg6[%add3A_45, %dma_start3A] : memref<10240x128xf32, #tpu.memory_space<vmem_shared>> -> memref<128x128xf32, #tpu.memory_space<vmem_shared>>
      %dma_start3A_83 = arith.constant 0 : i32
      %dma_start3A_84 = tpu.memref_slice %arg6[%add3A_45, %dma_start3A_83] : memref<10240x128xf32, #tpu.memory_space<vmem_shared>> -> memref<128x128xf32, #tpu.memory_space<vmem_shared>>
      tpu.enqueue_dma source(%dma_start3A_84 : memref<128x128xf32, #tpu.memory_space<vmem_shared>>) target(%arg5 : memref<128x128xf32, #tpu.memory_space<vmem>>) target_semaphore(%run_scoped3A : memref<!tpu.dma_semaphore, #tpu.memory_space<semaphore_mem>>)
      %dma_wait3A = arith.constant 0 : i32
      %dma_wait3A_85 = tpu.memref_slice %arg6[%add3A_45, %dma_wait3A] : memref<10240x128xf32, #tpu.memory_space<vmem_shared>> -> memref<128x128xf32, #tpu.memory_space<vmem_shared>>
      %dma_wait3A_86 = arith.constant 0 : i32
      %dma_wait3A_87 = tpu.memref_slice %arg6[%add3A_45, %dma_wait3A_86] : memref<10240x128xf32, #tpu.memory_space<vmem_shared>> -> memref<128x128xf32, #tpu.memory_space<vmem_shared>>
      tpu.wait_dma2 semaphore(%run_scoped3A : memref<!tpu.dma_semaphore, #tpu.memory_space<semaphore_mem>>) src(%dma_wait3A_87 : memref<128x128xf32, #tpu.memory_space<vmem_shared>>) dst(%arg5 : memref<128x128xf32, #tpu.memory_space<vmem>>)
      tpu.yield
    }) : () -> ()
    %mul3A_46 = arith.constant 640 : i32
    %mul3A_47 = arith.muli %arg1, %mul3A_46 : i32
    %add3A_48 = arith.constant 0 : i32
    %add3A_49 = arith.addi %mul3A_47, %add3A_48 : i32
    "tpu.region"() ({
      %run_scoped3A = tpu.sem_alloc : memref<!tpu.dma_semaphore, #tpu.memory_space<semaphore_mem>>
      %dma_start3A = arith.constant 0 : i32
      %dma_start3A_82 = arith.constant 0 : i32
      %dma_start3A_83 = tpu.memref_slice %arg3[%arg0, %dma_start3A, %dma_start3A_82] : memref<2x10240x128xf32, #tpu.memory_space<hbm>> -> memref<1x10240x128xf32, #tpu.memory_space<hbm>>
      %dma_start3A_84 = tpu.memref_squeeze %dma_start3A_83 : memref<1x10240x128xf32, #tpu.memory_space<hbm>> -> memref<10240x128xf32, #tpu.memory_space<hbm>>
      %dma_start3A_85 = arith.constant 0 : i32
      %dma_start3A_86 = tpu.memref_slice %dma_start3A_84[%add3A_49, %dma_start3A_85] : memref<10240x128xf32, #tpu.memory_space<hbm>> -> memref<128x128xf32, #tpu.memory_space<hbm>>
      %dma_start3A_87 = arith.constant 0 : i32
      %dma_start3A_88 = arith.constant 0 : i32
      %dma_start3A_89 = tpu.memref_slice %arg3[%arg0, %dma_start3A_87, %dma_start3A_88] : memref<2x10240x128xf32, #tpu.memory_space<hbm>> -> memref<1x10240x128xf32, #tpu.memory_space<hbm>>
      %dma_start3A_90 = tpu.memref_squeeze %dma_start3A_89 : memref<1x10240x128xf32, #tpu.memory_space<hbm>> -> memref<10240x128xf32, #tpu.memory_space<hbm>>
      %dma_start3A_91 = arith.constant 0 : i32
      %dma_start3A_92 = tpu.memref_slice %dma_start3A_90[%add3A_49, %dma_start3A_91] : memref<10240x128xf32, #tpu.memory_space<hbm>> -> memref<128x128xf32, #tpu.memory_space<hbm>>
      tpu.enqueue_dma source(%arg5 : memref<128x128xf32, #tpu.memory_space<vmem>>) target(%dma_start3A_92 : memref<128x128xf32, #tpu.memory_space<hbm>>) target_semaphore(%run_scoped3A : memref<!tpu.dma_semaphore, #tpu.memory_space<semaphore_mem>>)
      %dma_wait3A = arith.constant 0 : i32
      %dma_wait3A_93 = arith.constant 0 : i32
      %dma_wait3A_94 = tpu.memref_slice %arg3[%arg0, %dma_wait3A, %dma_wait3A_93] : memref<2x10240x128xf32, #tpu.memory_space<hbm>> -> memref<1x10240x128xf32, #tpu.memory_space<hbm>>
      %dma_wait3A_95 = tpu.memref_squeeze %dma_wait3A_94 : memref<1x10240x128xf32, #tpu.memory_space<hbm>> -> memref<10240x128xf32, #tpu.memory_space<hbm>>
      %dma_wait3A_96 = arith.constant 0 : i32
      %dma_wait3A_97 = tpu.memref_slice %dma_wait3A_95[%add3A_49, %dma_wait3A_96] : memref<10240x128xf32, #tpu.memory_space<hbm>> -> memref<128x128xf32, #tpu.memory_space<hbm>>
      %dma_wait3A_98 = arith.constant 0 : i32
      %dma_wait3A_99 = arith.constant 0 : i32
      %dma_wait3A_100 = tpu.memref_slice %arg3[%arg0, %dma_wait3A_98, %dma_wait3A_99] : memref<2x10240x128xf32, #tpu.memory_space<hbm>> -> memref<1x10240x128xf32, #tpu.memory_space<hbm>>
      %dma_wait3A_101 = tpu.memref_squeeze %dma_wait3A_100 : memref<1x10240x128xf32, #tpu.memory_space<hbm>> -> memref<10240x128xf32, #tpu.memory_space<hbm>>
      %dma_wait3A_102 = arith.constant 0 : i32
      %dma_wait3A_103 = tpu.memref_slice %dma_wait3A_101[%add3A_49, %dma_wait3A_102] : memref<10240x128xf32, #tpu.memory_space<hbm>> -> memref<128x128xf32, #tpu.memory_space<hbm>>
      tpu.wait_dma2 semaphore(%run_scoped3A : memref<!tpu.dma_semaphore, #tpu.memory_space<semaphore_mem>>) src(%arg5 : memref<128x128xf32, #tpu.memory_space<vmem>>) dst(%dma_wait3A_103 : memref<128x128xf32, #tpu.memory_space<hbm>>)
      tpu.yield
    }) : () -> ()
    %mul3A_50 = arith.constant 640 : i32
    %mul3A_51 = arith.muli %arg1, %mul3A_50 : i32
    %add3A_52 = arith.constant 128 : i32
    %add3A_53 = arith.addi %mul3A_51, %add3A_52 : i32
    "tpu.region"() ({
      %run_scoped3A = tpu.sem_alloc : memref<!tpu.dma_semaphore, #tpu.memory_space<semaphore_mem>>
      %dma_start3A = arith.constant 0 : i32
      %dma_start3A_82 = tpu.memref_slice %arg6[%add3A_53, %dma_start3A] : memref<10240x128xf32, #tpu.memory_space<vmem_shared>> -> memref<128x128xf32, #tpu.memory_space<vmem_shared>>
      %dma_start3A_83 = arith.constant 0 : i32
      %dma_start3A_84 = tpu.memref_slice %arg6[%add3A_53, %dma_start3A_83] : memref<10240x128xf32, #tpu.memory_space<vmem_shared>> -> memref<128x128xf32, #tpu.memory_space<vmem_shared>>
      tpu.enqueue_dma source(%dma_start3A_84 : memref<128x128xf32, #tpu.memory_space<vmem_shared>>) target(%arg5 : memref<128x128xf32, #tpu.memory_space<vmem>>) target_semaphore(%run_scoped3A : memref<!tpu.dma_semaphore, #tpu.memory_space<semaphore_mem>>)
      %dma_wait3A = arith.constant 0 : i32
      %dma_wait3A_85 = tpu.memref_slice %arg6[%add3A_53, %dma_wait3A] : memref<10240x128xf32, #tpu.memory_space<vmem_shared>> -> memref<128x128xf32, #tpu.memory_space<vmem_shared>>
      %dma_wait3A_86 = arith.constant 0 : i32
      %dma_wait3A_87 = tpu.memref_slice %arg6[%add3A_53, %dma_wait3A_86] : memref<10240x128xf32, #tpu.memory_space<vmem_shared>> -> memref<128x128xf32, #tpu.memory_space<vmem_shared>>
      tpu.wait_dma2 semaphore(%run_scoped3A : memref<!tpu.dma_semaphore, #tpu.memory_space<semaphore_mem>>) src(%dma_wait3A_87 : memref<128x128xf32, #tpu.memory_space<vmem_shared>>) dst(%arg5 : memref<128x128xf32, #tpu.memory_space<vmem>>)
      tpu.yield
    }) : () -> ()
    %mul3A_54 = arith.constant 640 : i32
    %mul3A_55 = arith.muli %arg1, %mul3A_54 : i32
    %add3A_56 = arith.constant 128 : i32
    %add3A_57 = arith.addi %mul3A_55, %add3A_56 : i32
    "tpu.region"() ({
      %run_scoped3A = tpu.sem_alloc : memref<!tpu.dma_semaphore, #tpu.memory_space<semaphore_mem>>
      %dma_start3A = arith.constant 0 : i32
      %dma_start3A_82 = arith.constant 0 : i32
      %dma_start3A_83 = tpu.memref_slice %arg3[%arg0, %dma_start3A, %dma_start3A_82] : memref<2x10240x128xf32, #tpu.memory_space<hbm>> -> memref<1x10240x128xf32, #tpu.memory_space<hbm>>
      %dma_start3A_84 = tpu.memref_squeeze %dma_start3A_83 : memref<1x10240x128xf32, #tpu.memory_space<hbm>> -> memref<10240x128xf32, #tpu.memory_space<hbm>>
      %dma_start3A_85 = arith.constant 0 : i32
      %dma_start3A_86 = tpu.memref_slice %dma_start3A_84[%add3A_57, %dma_start3A_85] : memref<10240x128xf32, #tpu.memory_space<hbm>> -> memref<128x128xf32, #tpu.memory_space<hbm>>
      %dma_start3A_87 = arith.constant 0 : i32
      %dma_start3A_88 = arith.constant 0 : i32
      %dma_start3A_89 = tpu.memref_slice %arg3[%arg0, %dma_start3A_87, %dma_start3A_88] : memref<2x10240x128xf32, #tpu.memory_space<hbm>> -> memref<1x10240x128xf32, #tpu.memory_space<hbm>>
      %dma_start3A_90 = tpu.memref_squeeze %dma_start3A_89 : memref<1x10240x128xf32, #tpu.memory_space<hbm>> -> memref<10240x128xf32, #tpu.memory_space<hbm>>
      %dma_start3A_91 = arith.constant 0 : i32
      %dma_start3A_92 = tpu.memref_slice %dma_start3A_90[%add3A_57, %dma_start3A_91] : memref<10240x128xf32, #tpu.memory_space<hbm>> -> memref<128x128xf32, #tpu.memory_space<hbm>>
      tpu.enqueue_dma source(%arg5 : memref<128x128xf32, #tpu.memory_space<vmem>>) target(%dma_start3A_92 : memref<128x128xf32, #tpu.memory_space<hbm>>) target_semaphore(%run_scoped3A : memref<!tpu.dma_semaphore, #tpu.memory_space<semaphore_mem>>)
      %dma_wait3A = arith.constant 0 : i32
      %dma_wait3A_93 = arith.constant 0 : i32
      %dma_wait3A_94 = tpu.memref_slice %arg3[%arg0, %dma_wait3A, %dma_wait3A_93] : memref<2x10240x128xf32, #tpu.memory_space<hbm>> -> memref<1x10240x128xf32, #tpu.memory_space<hbm>>
      %dma_wait3A_95 = tpu.memref_squeeze %dma_wait3A_94 : memref<1x10240x128xf32, #tpu.memory_space<hbm>> -> memref<10240x128xf32, #tpu.memory_space<hbm>>
      %dma_wait3A_96 = arith.constant 0 : i32
      %dma_wait3A_97 = tpu.memref_slice %dma_wait3A_95[%add3A_57, %dma_wait3A_96] : memref<10240x128xf32, #tpu.memory_space<hbm>> -> memref<128x128xf32, #tpu.memory_space<hbm>>
      %dma_wait3A_98 = arith.constant 0 : i32
      %dma_wait3A_99 = arith.constant 0 : i32
      %dma_wait3A_100 = tpu.memref_slice %arg3[%arg0, %dma_wait3A_98, %dma_wait3A_99] : memref<2x10240x128xf32, #tpu.memory_space<hbm>> -> memref<1x10240x128xf32, #tpu.memory_space<hbm>>
      %dma_wait3A_101 = tpu.memref_squeeze %dma_wait3A_100 : memref<1x10240x128xf32, #tpu.memory_space<hbm>> -> memref<10240x128xf32, #tpu.memory_space<hbm>>
      %dma_wait3A_102 = arith.constant 0 : i32
      %dma_wait3A_103 = tpu.memref_slice %dma_wait3A_101[%add3A_57, %dma_wait3A_102] : memref<10240x128xf32, #tpu.memory_space<hbm>> -> memref<128x128xf32, #tpu.memory_space<hbm>>
      tpu.wait_dma2 semaphore(%run_scoped3A : memref<!tpu.dma_semaphore, #tpu.memory_space<semaphore_mem>>) src(%arg5 : memref<128x128xf32, #tpu.memory_space<vmem>>) dst(%dma_wait3A_103 : memref<128x128xf32, #tpu.memory_space<hbm>>)
      tpu.yield
    }) : () -> ()
    %mul3A_58 = arith.constant 640 : i32
    %mul3A_59 = arith.muli %arg1, %mul3A_58 : i32
    %add3A_60 = arith.constant 256 : i32
    %add3A_61 = arith.addi %mul3A_59, %add3A_60 : i32
    "tpu.region"() ({
      %run_scoped3A = tpu.sem_alloc : memref<!tpu.dma_semaphore, #tpu.memory_space<semaphore_mem>>
      %dma_start3A = arith.constant 0 : i32
      %dma_start3A_82 = tpu.memref_slice %arg6[%add3A_61, %dma_start3A] : memref<10240x128xf32, #tpu.memory_space<vmem_shared>> -> memref<128x128xf32, #tpu.memory_space<vmem_shared>>
      %dma_start3A_83 = arith.constant 0 : i32
      %dma_start3A_84 = tpu.memref_slice %arg6[%add3A_61, %dma_start3A_83] : memref<10240x128xf32, #tpu.memory_space<vmem_shared>> -> memref<128x128xf32, #tpu.memory_space<vmem_shared>>
      tpu.enqueue_dma source(%dma_start3A_84 : memref<128x128xf32, #tpu.memory_space<vmem_shared>>) target(%arg5 : memref<128x128xf32, #tpu.memory_space<vmem>>) target_semaphore(%run_scoped3A : memref<!tpu.dma_semaphore, #tpu.memory_space<semaphore_mem>>)
      %dma_wait3A = arith.constant 0 : i32
      %dma_wait3A_85 = tpu.memref_slice %arg6[%add3A_61, %dma_wait3A] : memref<10240x128xf32, #tpu.memory_space<vmem_shared>> -> memref<128x128xf32, #tpu.memory_space<vmem_shared>>
      %dma_wait3A_86 = arith.constant 0 : i32
      %dma_wait3A_87 = tpu.memref_slice %arg6[%add3A_61, %dma_wait3A_86] : memref<10240x128xf32, #tpu.memory_space<vmem_shared>> -> memref<128x128xf32, #tpu.memory_space<vmem_shared>>
      tpu.wait_dma2 semaphore(%run_scoped3A : memref<!tpu.dma_semaphore, #tpu.memory_space<semaphore_mem>>) src(%dma_wait3A_87 : memref<128x128xf32, #tpu.memory_space<vmem_shared>>) dst(%arg5 : memref<128x128xf32, #tpu.memory_space<vmem>>)
      tpu.yield
    }) : () -> ()
    %mul3A_62 = arith.constant 640 : i32
    %mul3A_63 = arith.muli %arg1, %mul3A_62 : i32
    %add3A_64 = arith.constant 256 : i32
    %add3A_65 = arith.addi %mul3A_63, %add3A_64 : i32
    "tpu.region"() ({
      %run_scoped3A = tpu.sem_alloc : memref<!tpu.dma_semaphore, #tpu.memory_space<semaphore_mem>>
      %dma_start3A = arith.constant 0 : i32
      %dma_start3A_82 = arith.constant 0 : i32
      %dma_start3A_83 = tpu.memref_slice %arg3[%arg0, %dma_start3A, %dma_start3A_82] : memref<2x10240x128xf32, #tpu.memory_space<hbm>> -> memref<1x10240x128xf32, #tpu.memory_space<hbm>>
      %dma_start3A_84 = tpu.memref_squeeze %dma_start3A_83 : memref<1x10240x128xf32, #tpu.memory_space<hbm>> -> memref<10240x128xf32, #tpu.memory_space<hbm>>
      %dma_start3A_85 = arith.constant 0 : i32
      %dma_start3A_86 = tpu.memref_slice %dma_start3A_84[%add3A_65, %dma_start3A_85] : memref<10240x128xf32, #tpu.memory_space<hbm>> -> memref<128x128xf32, #tpu.memory_space<hbm>>
      %dma_start3A_87 = arith.constant 0 : i32
      %dma_start3A_88 = arith.constant 0 : i32
      %dma_start3A_89 = tpu.memref_slice %arg3[%arg0, %dma_start3A_87, %dma_start3A_88] : memref<2x10240x128xf32, #tpu.memory_space<hbm>> -> memref<1x10240x128xf32, #tpu.memory_space<hbm>>
      %dma_start3A_90 = tpu.memref_squeeze %dma_start3A_89 : memref<1x10240x128xf32, #tpu.memory_space<hbm>> -> memref<10240x128xf32, #tpu.memory_space<hbm>>
      %dma_start3A_91 = arith.constant 0 : i32
      %dma_start3A_92 = tpu.memref_slice %dma_start3A_90[%add3A_65, %dma_start3A_91] : memref<10240x128xf32, #tpu.memory_space<hbm>> -> memref<128x128xf32, #tpu.memory_space<hbm>>
      tpu.enqueue_dma source(%arg5 : memref<128x128xf32, #tpu.memory_space<vmem>>) target(%dma_start3A_92 : memref<128x128xf32, #tpu.memory_space<hbm>>) target_semaphore(%run_scoped3A : memref<!tpu.dma_semaphore, #tpu.memory_space<semaphore_mem>>)
      %dma_wait3A = arith.constant 0 : i32
      %dma_wait3A_93 = arith.constant 0 : i32
      %dma_wait3A_94 = tpu.memref_slice %arg3[%arg0, %dma_wait3A, %dma_wait3A_93] : memref<2x10240x128xf32, #tpu.memory_space<hbm>> -> memref<1x10240x128xf32, #tpu.memory_space<hbm>>
      %dma_wait3A_95 = tpu.memref_squeeze %dma_wait3A_94 : memref<1x10240x128xf32, #tpu.memory_space<hbm>> -> memref<10240x128xf32, #tpu.memory_space<hbm>>
      %dma_wait3A_96 = arith.constant 0 : i32
      %dma_wait3A_97 = tpu.memref_slice %dma_wait3A_95[%add3A_65, %dma_wait3A_96] : memref<10240x128xf32, #tpu.memory_space<hbm>> -> memref<128x128xf32, #tpu.memory_space<hbm>>
      %dma_wait3A_98 = arith.constant 0 : i32
      %dma_wait3A_99 = arith.constant 0 : i32
      %dma_wait3A_100 = tpu.memref_slice %arg3[%arg0, %dma_wait3A_98, %dma_wait3A_99] : memref<2x10240x128xf32, #tpu.memory_space<hbm>> -> memref<1x10240x128xf32, #tpu.memory_space<hbm>>
      %dma_wait3A_101 = tpu.memref_squeeze %dma_wait3A_100 : memref<1x10240x128xf32, #tpu.memory_space<hbm>> -> memref<10240x128xf32, #tpu.memory_space<hbm>>
      %dma_wait3A_102 = arith.constant 0 : i32
      %dma_wait3A_103 = tpu.memref_slice %dma_wait3A_101[%add3A_65, %dma_wait3A_102] : memref<10240x128xf32, #tpu.memory_space<hbm>> -> memref<128x128xf32, #tpu.memory_space<hbm>>
      tpu.wait_dma2 semaphore(%run_scoped3A : memref<!tpu.dma_semaphore, #tpu.memory_space<semaphore_mem>>) src(%arg5 : memref<128x128xf32, #tpu.memory_space<vmem>>) dst(%dma_wait3A_103 : memref<128x128xf32, #tpu.memory_space<hbm>>)
      tpu.yield
    }) : () -> ()
    %mul3A_66 = arith.constant 640 : i32
    %mul3A_67 = arith.muli %arg1, %mul3A_66 : i32
    %add3A_68 = arith.constant 384 : i32
    %add3A_69 = arith.addi %mul3A_67, %add3A_68 : i32
    "tpu.region"() ({
      %run_scoped3A = tpu.sem_alloc : memref<!tpu.dma_semaphore, #tpu.memory_space<semaphore_mem>>
      %dma_start3A = arith.constant 0 : i32
      %dma_start3A_82 = tpu.memref_slice %arg6[%add3A_69, %dma_start3A] : memref<10240x128xf32, #tpu.memory_space<vmem_shared>> -> memref<128x128xf32, #tpu.memory_space<vmem_shared>>
      %dma_start3A_83 = arith.constant 0 : i32
      %dma_start3A_84 = tpu.memref_slice %arg6[%add3A_69, %dma_start3A_83] : memref<10240x128xf32, #tpu.memory_space<vmem_shared>> -> memref<128x128xf32, #tpu.memory_space<vmem_shared>>
      tpu.enqueue_dma source(%dma_start3A_84 : memref<128x128xf32, #tpu.memory_space<vmem_shared>>) target(%arg5 : memref<128x128xf32, #tpu.memory_space<vmem>>) target_semaphore(%run_scoped3A : memref<!tpu.dma_semaphore, #tpu.memory_space<semaphore_mem>>)
      %dma_wait3A = arith.constant 0 : i32
      %dma_wait3A_85 = tpu.memref_slice %arg6[%add3A_69, %dma_wait3A] : memref<10240x128xf32, #tpu.memory_space<vmem_shared>> -> memref<128x128xf32, #tpu.memory_space<vmem_shared>>
      %dma_wait3A_86 = arith.constant 0 : i32
      %dma_wait3A_87 = tpu.memref_slice %arg6[%add3A_69, %dma_wait3A_86] : memref<10240x128xf32, #tpu.memory_space<vmem_shared>> -> memref<128x128xf32, #tpu.memory_space<vmem_shared>>
      tpu.wait_dma2 semaphore(%run_scoped3A : memref<!tpu.dma_semaphore, #tpu.memory_space<semaphore_mem>>) src(%dma_wait3A_87 : memref<128x128xf32, #tpu.memory_space<vmem_shared>>) dst(%arg5 : memref<128x128xf32, #tpu.memory_space<vmem>>)
      tpu.yield
    }) : () -> ()
    %mul3A_70 = arith.constant 640 : i32
    %mul3A_71 = arith.muli %arg1, %mul3A_70 : i32
    %add3A_72 = arith.constant 384 : i32
    %add3A_73 = arith.addi %mul3A_71, %add3A_72 : i32
    "tpu.region"() ({
      %run_scoped3A = tpu.sem_alloc : memref<!tpu.dma_semaphore, #tpu.memory_space<semaphore_mem>>
      %dma_start3A = arith.constant 0 : i32
      %dma_start3A_82 = arith.constant 0 : i32
      %dma_start3A_83 = tpu.memref_slice %arg3[%arg0, %dma_start3A, %dma_start3A_82] : memref<2x10240x128xf32, #tpu.memory_space<hbm>> -> memref<1x10240x128xf32, #tpu.memory_space<hbm>>
      %dma_start3A_84 = tpu.memref_squeeze %dma_start3A_83 : memref<1x10240x128xf32, #tpu.memory_space<hbm>> -> memref<10240x128xf32, #tpu.memory_space<hbm>>
      %dma_start3A_85 = arith.constant 0 : i32
      %dma_start3A_86 = tpu.memref_slice %dma_start3A_84[%add3A_73, %dma_start3A_85] : memref<10240x128xf32, #tpu.memory_space<hbm>> -> memref<128x128xf32, #tpu.memory_space<hbm>>
      %dma_start3A_87 = arith.constant 0 : i32
      %dma_start3A_88 = arith.constant 0 : i32
      %dma_start3A_89 = tpu.memref_slice %arg3[%arg0, %dma_start3A_87, %dma_start3A_88] : memref<2x10240x128xf32, #tpu.memory_space<hbm>> -> memref<1x10240x128xf32, #tpu.memory_space<hbm>>
      %dma_start3A_90 = tpu.memref_squeeze %dma_start3A_89 : memref<1x10240x128xf32, #tpu.memory_space<hbm>> -> memref<10240x128xf32, #tpu.memory_space<hbm>>
      %dma_start3A_91 = arith.constant 0 : i32
      %dma_start3A_92 = tpu.memref_slice %dma_start3A_90[%add3A_73, %dma_start3A_91] : memref<10240x128xf32, #tpu.memory_space<hbm>> -> memref<128x128xf32, #tpu.memory_space<hbm>>
      tpu.enqueue_dma source(%arg5 : memref<128x128xf32, #tpu.memory_space<vmem>>) target(%dma_start3A_92 : memref<128x128xf32, #tpu.memory_space<hbm>>) target_semaphore(%run_scoped3A : memref<!tpu.dma_semaphore, #tpu.memory_space<semaphore_mem>>)
      %dma_wait3A = arith.constant 0 : i32
      %dma_wait3A_93 = arith.constant 0 : i32
      %dma_wait3A_94 = tpu.memref_slice %arg3[%arg0, %dma_wait3A, %dma_wait3A_93] : memref<2x10240x128xf32, #tpu.memory_space<hbm>> -> memref<1x10240x128xf32, #tpu.memory_space<hbm>>
      %dma_wait3A_95 = tpu.memref_squeeze %dma_wait3A_94 : memref<1x10240x128xf32, #tpu.memory_space<hbm>> -> memref<10240x128xf32, #tpu.memory_space<hbm>>
      %dma_wait3A_96 = arith.constant 0 : i32
      %dma_wait3A_97 = tpu.memref_slice %dma_wait3A_95[%add3A_73, %dma_wait3A_96] : memref<10240x128xf32, #tpu.memory_space<hbm>> -> memref<128x128xf32, #tpu.memory_space<hbm>>
      %dma_wait3A_98 = arith.constant 0 : i32
      %dma_wait3A_99 = arith.constant 0 : i32
      %dma_wait3A_100 = tpu.memref_slice %arg3[%arg0, %dma_wait3A_98, %dma_wait3A_99] : memref<2x10240x128xf32, #tpu.memory_space<hbm>> -> memref<1x10240x128xf32, #tpu.memory_space<hbm>>
      %dma_wait3A_101 = tpu.memref_squeeze %dma_wait3A_100 : memref<1x10240x128xf32, #tpu.memory_space<hbm>> -> memref<10240x128xf32, #tpu.memory_space<hbm>>
      %dma_wait3A_102 = arith.constant 0 : i32
      %dma_wait3A_103 = tpu.memref_slice %dma_wait3A_101[%add3A_73, %dma_wait3A_102] : memref<10240x128xf32, #tpu.memory_space<hbm>> -> memref<128x128xf32, #tpu.memory_space<hbm>>
      tpu.wait_dma2 semaphore(%run_scoped3A : memref<!tpu.dma_semaphore, #tpu.memory_space<semaphore_mem>>) src(%arg5 : memref<128x128xf32, #tpu.memory_space<vmem>>) dst(%dma_wait3A_103 : memref<128x128xf32, #tpu.memory_space<hbm>>)
      tpu.yield
    }) : () -> ()
    %mul3A_74 = arith.constant 640 : i32
    %mul3A_75 = arith.muli %arg1, %mul3A_74 : i32
    %add3A_76 = arith.constant 512 : i32
    %add3A_77 = arith.addi %mul3A_75, %add3A_76 : i32
    "tpu.region"() ({
      %run_scoped3A = tpu.sem_alloc : memref<!tpu.dma_semaphore, #tpu.memory_space<semaphore_mem>>
      %dma_start3A = arith.constant 0 : i32
      %dma_start3A_82 = tpu.memref_slice %arg6[%add3A_77, %dma_start3A] : memref<10240x128xf32, #tpu.memory_space<vmem_shared>> -> memref<128x128xf32, #tpu.memory_space<vmem_shared>>
      %dma_start3A_83 = arith.constant 0 : i32
      %dma_start3A_84 = tpu.memref_slice %arg6[%add3A_77, %dma_start3A_83] : memref<10240x128xf32, #tpu.memory_space<vmem_shared>> -> memref<128x128xf32, #tpu.memory_space<vmem_shared>>
      tpu.enqueue_dma source(%dma_start3A_84 : memref<128x128xf32, #tpu.memory_space<vmem_shared>>) target(%arg5 : memref<128x128xf32, #tpu.memory_space<vmem>>) target_semaphore(%run_scoped3A : memref<!tpu.dma_semaphore, #tpu.memory_space<semaphore_mem>>)
      %dma_wait3A = arith.constant 0 : i32
      %dma_wait3A_85 = tpu.memref_slice %arg6[%add3A_77, %dma_wait3A] : memref<10240x128xf32, #tpu.memory_space<vmem_shared>> -> memref<128x128xf32, #tpu.memory_space<vmem_shared>>
      %dma_wait3A_86 = arith.constant 0 : i32
      %dma_wait3A_87 = tpu.memref_slice %arg6[%add3A_77, %dma_wait3A_86] : memref<10240x128xf32, #tpu.memory_space<vmem_shared>> -> memref<128x128xf32, #tpu.memory_space<vmem_shared>>
      tpu.wait_dma2 semaphore(%run_scoped3A : memref<!tpu.dma_semaphore, #tpu.memory_space<semaphore_mem>>) src(%dma_wait3A_87 : memref<128x128xf32, #tpu.memory_space<vmem_shared>>) dst(%arg5 : memref<128x128xf32, #tpu.memory_space<vmem>>)
      tpu.yield
    }) : () -> ()
    %mul3A_78 = arith.constant 640 : i32
    %mul3A_79 = arith.muli %arg1, %mul3A_78 : i32
    %add3A_80 = arith.constant 512 : i32
    %add3A_81 = arith.addi %mul3A_79, %add3A_80 : i32
    "tpu.region"() ({
      %run_scoped3A = tpu.sem_alloc : memref<!tpu.dma_semaphore, #tpu.memory_space<semaphore_mem>>
      %dma_start3A = arith.constant 0 : i32
      %dma_start3A_82 = arith.constant 0 : i32
      %dma_start3A_83 = tpu.memref_slice %arg3[%arg0, %dma_start3A, %dma_start3A_82] : memref<2x10240x128xf32, #tpu.memory_space<hbm>> -> memref<1x10240x128xf32, #tpu.memory_space<hbm>>
      %dma_start3A_84 = tpu.memref_squeeze %dma_start3A_83 : memref<1x10240x128xf32, #tpu.memory_space<hbm>> -> memref<10240x128xf32, #tpu.memory_space<hbm>>
      %dma_start3A_85 = arith.constant 0 : i32
      %dma_start3A_86 = tpu.memref_slice %dma_start3A_84[%add3A_81, %dma_start3A_85] : memref<10240x128xf32, #tpu.memory_space<hbm>> -> memref<128x128xf32, #tpu.memory_space<hbm>>
      %dma_start3A_87 = arith.constant 0 : i32
      %dma_start3A_88 = arith.constant 0 : i32
      %dma_start3A_89 = tpu.memref_slice %arg3[%arg0, %dma_start3A_87, %dma_start3A_88] : memref<2x10240x128xf32, #tpu.memory_space<hbm>> -> memref<1x10240x128xf32, #tpu.memory_space<hbm>>
      %dma_start3A_90 = tpu.memref_squeeze %dma_start3A_89 : memref<1x10240x128xf32, #tpu.memory_space<hbm>> -> memref<10240x128xf32, #tpu.memory_space<hbm>>
      %dma_start3A_91 = arith.constant 0 : i32
      %dma_start3A_92 = tpu.memref_slice %dma_start3A_90[%add3A_81, %dma_start3A_91] : memref<10240x128xf32, #tpu.memory_space<hbm>> -> memref<128x128xf32, #tpu.memory_space<hbm>>
      tpu.enqueue_dma source(%arg5 : memref<128x128xf32, #tpu.memory_space<vmem>>) target(%dma_start3A_92 : memref<128x128xf32, #tpu.memory_space<hbm>>) target_semaphore(%run_scoped3A : memref<!tpu.dma_semaphore, #tpu.memory_space<semaphore_mem>>)
      %dma_wait3A = arith.constant 0 : i32
      %dma_wait3A_93 = arith.constant 0 : i32
      %dma_wait3A_94 = tpu.memref_slice %arg3[%arg0, %dma_wait3A, %dma_wait3A_93] : memref<2x10240x128xf32, #tpu.memory_space<hbm>> -> memref<1x10240x128xf32, #tpu.memory_space<hbm>>
      %dma_wait3A_95 = tpu.memref_squeeze %dma_wait3A_94 : memref<1x10240x128xf32, #tpu.memory_space<hbm>> -> memref<10240x128xf32, #tpu.memory_space<hbm>>
      %dma_wait3A_96 = arith.constant 0 : i32
      %dma_wait3A_97 = tpu.memref_slice %dma_wait3A_95[%add3A_81, %dma_wait3A_96] : memref<10240x128xf32, #tpu.memory_space<hbm>> -> memref<128x128xf32, #tpu.memory_space<hbm>>
      %dma_wait3A_98 = arith.constant 0 : i32
      %dma_wait3A_99 = arith.constant 0 : i32
      %dma_wait3A_100 = tpu.memref_slice %arg3[%arg0, %dma_wait3A_98, %dma_wait3A_99] : memref<2x10240x128xf32, #tpu.memory_space<hbm>> -> memref<1x10240x128xf32, #tpu.memory_space<hbm>>
      %dma_wait3A_101 = tpu.memref_squeeze %dma_wait3A_100 : memref<1x10240x128xf32, #tpu.memory_space<hbm>> -> memref<10240x128xf32, #tpu.memory_space<hbm>>
      %dma_wait3A_102 = arith.constant 0 : i32
      %dma_wait3A_103 = tpu.memref_slice %dma_wait3A_101[%add3A_81, %dma_wait3A_102] : memref<10240x128xf32, #tpu.memory_space<hbm>> -> memref<128x128xf32, #tpu.memory_space<hbm>>
      tpu.wait_dma2 semaphore(%run_scoped3A : memref<!tpu.dma_semaphore, #tpu.memory_space<semaphore_mem>>) src(%arg5 : memref<128x128xf32, #tpu.memory_space<vmem>>) dst(%dma_wait3A_103 : memref<128x128xf32, #tpu.memory_space<hbm>>)
      tpu.yield
    }) : () -> ()
    return
  }
}

module attributes {stable_mosaic.version = 14 : i64} {
  func.func @_tc_dense_body(%arg0: i32, %arg1: memref<2x256x128xf32, #tpu.memory_space<vmem>>, %arg2: memref<2x256x128xf32, #tpu.memory_space<vmem>>, %arg3: memref<256x128xf32, #tpu.memory_space<vmem>>, %arg4: memref<128x128xf32, #tpu.memory_space<vmem>>, %arg5: memref<1x128xf32, #tpu.memory_space<vmem>>, %arg6: memref<128x128xf32, #tpu.memory_space<vmem>>, %arg7: memref<1x128xf32, #tpu.memory_space<vmem>>, %arg8: memref<1x128xf32, #tpu.memory_space<vmem>>, %arg9: memref<256x128xf32, #tpu.memory_space<vmem>>) attributes {dimension_semantics = [#tpu.dimension_semantics<arbitrary>], iteration_bounds = array<i64: 40>, scalar_prefetch = 0 : i64, scratch_operands = 0 : i64, tpu.core_type = #tpu.core_type<tc>, window_params = [{transform_indices = @transform_0, window_bounds = array<i64: 2, 256, 128>}, {transform_indices = @transform_1, window_bounds = array<i64: 2, 256, 128>}, {transform_indices = @transform_2, window_bounds = array<i64: 256, 128>}, {pipeline_mode = #tpu.pipeline_mode<synchronous>, transform_indices = @transform_3, window_bounds = array<i64: 128, 128>}, {pipeline_mode = #tpu.pipeline_mode<synchronous>, transform_indices = @transform_4, window_bounds = array<i64: 1, 128>}, {pipeline_mode = #tpu.pipeline_mode<synchronous>, transform_indices = @transform_5, window_bounds = array<i64: 128, 128>}, {pipeline_mode = #tpu.pipeline_mode<synchronous>, transform_indices = @transform_6, window_bounds = array<i64: 1, 128>}, {pipeline_mode = #tpu.pipeline_mode<synchronous>, transform_indices = @transform_7, window_bounds = array<i64: 1, 128>}, {transform_indices = @transform_8, window_bounds = array<i64: 256, 128>}]} {
    %get3A = arith.constant 0 : index
    %get3A_0 = arith.constant 0 : index
    %get3A_1 = arith.constant 0 : index
    %get3A_2 = vector.load %arg2[%get3A, %get3A_0, %get3A_1] : memref<2x256x128xf32, #tpu.memory_space<vmem>>, vector<1x256x1xf32>
    %get3A_3 = vector.shape_cast %get3A_2 : vector<1x256x1xf32> to vector<256x1xf32>
    %get3A_4 = arith.constant 1 : index
    %get3A_5 = arith.constant 0 : index
    %get3A_6 = arith.constant 0 : index
    %get3A_7 = vector.load %arg2[%get3A_4, %get3A_5, %get3A_6] : memref<2x256x128xf32, #tpu.memory_space<vmem>>, vector<1x256x1xf32>
    %get3A_8 = vector.shape_cast %get3A_7 : vector<1x256x1xf32> to vector<256x1xf32>
    %add3A = arith.addf %get3A_3, %get3A_8 : vector<256x1xf32>
    %max3A = arith.constant 1.000000e+00 : f32
    %max3A_9 = vector.broadcast %max3A : f32 to vector<256x1xf32>
    %max3A_10 = arith.maximumf %add3A, %max3A_9 : vector<256x1xf32>
    %get3A_11 = arith.constant 0 : index
    %get3A_12 = arith.constant 0 : index
    %get3A_13 = arith.constant 0 : index
    %get3A_14 = vector.load %arg1[%get3A_11, %get3A_12, %get3A_13] : memref<2x256x128xf32, #tpu.memory_space<vmem>>, vector<1x256x128xf32>
    %get3A_15 = vector.shape_cast %get3A_14 : vector<1x256x128xf32> to vector<256x128xf32>
    %get3A_16 = arith.constant 1 : index
    %get3A_17 = arith.constant 0 : index
    %get3A_18 = arith.constant 0 : index
    %get3A_19 = vector.load %arg1[%get3A_16, %get3A_17, %get3A_18] : memref<2x256x128xf32, #tpu.memory_space<vmem>>, vector<1x256x128xf32>
    %get3A_20 = vector.shape_cast %get3A_19 : vector<1x256x128xf32> to vector<256x128xf32>
    %add3A_21 = arith.addf %get3A_15, %get3A_20 : vector<256x128xf32>
    %div3A = vector.broadcast %max3A_10 : vector<256x1xf32> to vector<256x128xf32>
    %div3A_22 = arith.divf %add3A_21, %div3A : vector<256x128xf32>
    %get3A_23 = arith.constant 0 : index
    %get3A_24 = arith.constant 0 : index
    %get3A_25 = vector.load %arg4[%get3A_23, %get3A_24] : memref<128x128xf32, #tpu.memory_space<vmem>>, vector<128x128xf32>
    %dot_general3A = arith.constant dense<0.000000e+00> : vector<256x128xf32>
    %dot_general3A_26 = tpu.matmul %div3A_22, %get3A_25, %dot_general3A {dimension_numbers = #tpu.dot_dimension_numbers<[1], [0], [0], [1], [0, 0, 1, 1], [], []>, transpose_lhs_hint = false} : vector<256x128xf32>, vector<128x128xf32>, vector<256x128xf32> -> vector<256x128xf32>
    %get3A_27 = arith.constant 0 : index
    %get3A_28 = arith.constant 0 : index
    %get3A_29 = vector.load %arg3[%get3A_27, %get3A_28] : memref<256x128xf32, #tpu.memory_space<vmem>>, vector<256x128xf32>
    %get3A_30 = arith.constant 0 : index
    %get3A_31 = arith.constant 0 : index
    %get3A_32 = vector.load %arg6[%get3A_30, %get3A_31] : memref<128x128xf32, #tpu.memory_space<vmem>>, vector<128x128xf32>
    %dot_general3A_33 = arith.constant dense<0.000000e+00> : vector<256x128xf32>
    %dot_general3A_34 = tpu.matmul %get3A_29, %get3A_32, %dot_general3A_33 {dimension_numbers = #tpu.dot_dimension_numbers<[1], [0], [0], [1], [0, 0, 1, 1], [], []>, transpose_lhs_hint = false} : vector<256x128xf32>, vector<128x128xf32>, vector<256x128xf32> -> vector<256x128xf32>
    %add3A_35 = arith.addf %dot_general3A_26, %dot_general3A_34 : vector<256x128xf32>
    %get3A_36 = arith.constant 0 : index
    %get3A_37 = arith.constant 0 : index
    %get3A_38 = vector.load %arg5[%get3A_36, %get3A_37] : memref<1x128xf32, #tpu.memory_space<vmem>>, vector<1x128xf32>
    %add3A_39 = vector.broadcast %get3A_38 : vector<1x128xf32> to vector<256x128xf32>
    %add3A_40 = arith.addf %add3A_35, %add3A_39 : vector<256x128xf32>
    %reduce_sum3A = arith.constant dense<0.000000e+00> : vector<256xf32>
    %reduce_sum3A_41 = vector.multi_reduction <add>, %add3A_40, %reduce_sum3A [1] : vector<256x128xf32> to vector<256xf32>
    %broadcast_in_dim3A = vector.shape_cast %reduce_sum3A_41 : vector<256xf32> to vector<256x1xf32>
    %div3A_42 = arith.constant 1.280000e+02 : f32
    %div3A_43 = vector.broadcast %div3A_42 : f32 to vector<256x1xf32>
    %div3A_44 = arith.divf %broadcast_in_dim3A, %div3A_43 : vector<256x1xf32>
    %sub3A = vector.broadcast %div3A_44 : vector<256x1xf32> to vector<256x128xf32>
    %sub3A_45 = arith.subf %add3A_40, %sub3A : vector<256x128xf32>
    %integer_pow3A = arith.mulf %sub3A_45, %sub3A_45 : vector<256x128xf32>
    %reduce_sum3A_46 = arith.constant dense<0.000000e+00> : vector<256xf32>
    %reduce_sum3A_47 = vector.multi_reduction <add>, %integer_pow3A, %reduce_sum3A_46 [1] : vector<256x128xf32> to vector<256xf32>
    %broadcast_in_dim3A_48 = vector.shape_cast %reduce_sum3A_47 : vector<256xf32> to vector<256x1xf32>
    %div3A_49 = arith.constant 1.280000e+02 : f32
    %div3A_50 = vector.broadcast %div3A_49 : f32 to vector<256x1xf32>
    %div3A_51 = arith.divf %broadcast_in_dim3A_48, %div3A_50 : vector<256x1xf32>
    %sub3A_52 = vector.broadcast %div3A_44 : vector<256x1xf32> to vector<256x128xf32>
    %sub3A_53 = arith.subf %add3A_40, %sub3A_52 : vector<256x128xf32>
    %add3A_54 = arith.constant 9.99999974E-6 : f32
    %add3A_55 = vector.broadcast %add3A_54 : f32 to vector<256x1xf32>
    %add3A_56 = arith.addf %div3A_51, %add3A_55 : vector<256x1xf32>
    %rsqrt3A = math.rsqrt %add3A_56 : vector<256x1xf32>
    %mul3A = vector.broadcast %rsqrt3A : vector<256x1xf32> to vector<256x128xf32>
    %mul3A_57 = arith.mulf %sub3A_53, %mul3A : vector<256x128xf32>
    %get3A_58 = arith.constant 0 : index
    %get3A_59 = arith.constant 0 : index
    %get3A_60 = vector.load %arg7[%get3A_58, %get3A_59] : memref<1x128xf32, #tpu.memory_space<vmem>>, vector<1x128xf32>
    %mul3A_61 = vector.broadcast %get3A_60 : vector<1x128xf32> to vector<256x128xf32>
    %mul3A_62 = arith.mulf %mul3A_57, %mul3A_61 : vector<256x128xf32>
    %get3A_63 = arith.constant 0 : index
    %get3A_64 = arith.constant 0 : index
    %get3A_65 = vector.load %arg8[%get3A_63, %get3A_64] : memref<1x128xf32, #tpu.memory_space<vmem>>, vector<1x128xf32>
    %add3A_66 = vector.broadcast %get3A_65 : vector<1x128xf32> to vector<256x128xf32>
    %add3A_67 = arith.addf %mul3A_62, %add3A_66 : vector<256x128xf32>
    %max3A_68 = arith.constant 0.000000e+00 : f32
    %max3A_69 = vector.broadcast %max3A_68 : f32 to vector<256x128xf32>
    %max3A_70 = arith.maximumf %add3A_67, %max3A_69 : vector<256x128xf32>
    %swap3A = arith.constant 0 : index
    %swap3A_71 = arith.constant 0 : index
    %swap3A_72 = vector.load %arg9[%swap3A, %swap3A_71] : memref<256x128xf32, #tpu.memory_space<vmem>>, vector<256x128xf32>
    tpu.vector_store %arg9[%swap3A, %swap3A_71], %max3A_70 {strides = array<i32>} : memref<256x128xf32, #tpu.memory_space<vmem>>, vector<256x128xf32>,
    return
  }
  func.func @transform_0(%arg0: i32) -> (i32, i32, i32) {
    %c0_i32 = arith.constant 0 : i32
    %c0_i32_0 = arith.constant 0 : i32
    %c0_i32_1 = arith.constant 0 : i32
    return %c0_i32, %arg0, %c0_i32_0 : i32, i32, i32
  }
  func.func @transform_1(%arg0: i32) -> (i32, i32, i32) {
    %c0_i32 = arith.constant 0 : i32
    %c0_i32_0 = arith.constant 0 : i32
    %c0_i32_1 = arith.constant 0 : i32
    return %c0_i32, %arg0, %c0_i32_0 : i32, i32, i32
  }
  func.func @transform_2(%arg0: i32) -> (i32, i32) {
    %c0_i32 = arith.constant 0 : i32
    %c0_i32_0 = arith.constant 0 : i32
    return %arg0, %c0_i32 : i32, i32
  }
  func.func @transform_3(%arg0: i32) -> (i32, i32) {
    %c0_i32 = arith.constant 0 : i32
    %c0_i32_0 = arith.constant 0 : i32
    %c0_i32_1 = arith.constant 0 : i32
    return %c0_i32, %c0_i32_0 : i32, i32
  }
  func.func @transform_4(%arg0: i32) -> (i32, i32) {
    %c0_i32 = arith.constant 0 : i32
    %c0_i32_0 = arith.constant 0 : i32
    %c0_i32_1 = arith.constant 0 : i32
    return %c0_i32, %c0_i32_0 : i32, i32
  }
  func.func @transform_5(%arg0: i32) -> (i32, i32) {
    %c0_i32 = arith.constant 0 : i32
    %c0_i32_0 = arith.constant 0 : i32
    %c0_i32_1 = arith.constant 0 : i32
    return %c0_i32, %c0_i32_0 : i32, i32
  }
  func.func @transform_6(%arg0: i32) -> (i32, i32) {
    %c0_i32 = arith.constant 0 : i32
    %c0_i32_0 = arith.constant 0 : i32
    %c0_i32_1 = arith.constant 0 : i32
    return %c0_i32, %c0_i32_0 : i32, i32
  }
  func.func @transform_7(%arg0: i32) -> (i32, i32) {
    %c0_i32 = arith.constant 0 : i32
    %c0_i32_0 = arith.constant 0 : i32
    %c0_i32_1 = arith.constant 0 : i32
    return %c0_i32, %c0_i32_0 : i32, i32
  }
  func.func @transform_8(%arg0: i32) -> (i32, i32) {
    %c0_i32 = arith.constant 0 : i32
    %c0_i32_0 = arith.constant 0 : i32
    return %arg0, %c0_i32 : i32, i32
  }
}

module attributes {stable_mosaic.version = 14 : i64} {
  func.func @_tc_head_body(%arg0: i32, %arg1: memref<256x128xf32, #tpu.memory_space<vmem>>, %arg2: memref<256x16xf32, #tpu.memory_space<vmem>>, %arg3: memref<16x16xf32, #tpu.memory_space<vmem>>, %arg4: memref<1x16xf32, #tpu.memory_space<vmem>>, %arg5: memref<16x128xf32, #tpu.memory_space<vmem>>, %arg6: memref<1x128xf32, #tpu.memory_space<vmem>>, %arg7: memref<128x128xf32, #tpu.memory_space<vmem>>, %arg8: memref<128x128xf32, #tpu.memory_space<vmem>>, %arg9: memref<1x128xf32, #tpu.memory_space<vmem>>, %arg10: memref<128x128xf32, #tpu.memory_space<vmem>>, %arg11: memref<1x128xf32, #tpu.memory_space<vmem>>, %arg12: memref<256x128xf32, #tpu.memory_space<vmem>>) attributes {dimension_semantics = [#tpu.dimension_semantics<arbitrary>], iteration_bounds = array<i64: 40>, scalar_prefetch = 0 : i64, scratch_operands = 0 : i64, tpu.core_type = #tpu.core_type<tc>, window_params = [{transform_indices = @transform_0, window_bounds = array<i64: 256, 128>}, {transform_indices = @transform_1, window_bounds = array<i64: 256, 16>}, {pipeline_mode = #tpu.pipeline_mode<synchronous>, transform_indices = @transform_2, window_bounds = array<i64: 16, 16>}, {pipeline_mode = #tpu.pipeline_mode<synchronous>, transform_indices = @transform_3, window_bounds = array<i64: 1, 16>}, {pipeline_mode = #tpu.pipeline_mode<synchronous>, transform_indices = @transform_4, window_bounds = array<i64: 16, 128>}, {pipeline_mode = #tpu.pipeline_mode<synchronous>, transform_indices = @transform_5, window_bounds = array<i64: 1, 128>}, {pipeline_mode = #tpu.pipeline_mode<synchronous>, transform_indices = @transform_6, window_bounds = array<i64: 128, 128>}, {pipeline_mode = #tpu.pipeline_mode<synchronous>, transform_indices = @transform_7, window_bounds = array<i64: 128, 128>}, {pipeline_mode = #tpu.pipeline_mode<synchronous>, transform_indices = @transform_8, window_bounds = array<i64: 1, 128>}, {pipeline_mode = #tpu.pipeline_mode<synchronous>, transform_indices = @transform_9, window_bounds = array<i64: 128, 128>}, {pipeline_mode = #tpu.pipeline_mode<synchronous>, transform_indices = @transform_10, window_bounds = array<i64: 1, 128>}, {transform_indices = @transform_11, window_bounds = array<i64: 256, 128>}]} {
    %get3A = arith.constant 0 : index
    %get3A_0 = arith.constant 0 : index
    %get3A_1 = vector.load %arg2[%get3A, %get3A_0] : memref<256x16xf32, #tpu.memory_space<vmem>>, vector<256x16xf32>
    %get3A_2 = arith.constant 0 : index
    %get3A_3 = arith.constant 0 : index
    %get3A_4 = vector.load %arg3[%get3A_2, %get3A_3] : memref<16x16xf32, #tpu.memory_space<vmem>>, vector<16x16xf32>
    %dot_general3A = arith.constant dense<0.000000e+00> : vector<256x16xf32>
    %dot_general3A_5 = tpu.matmul %get3A_1, %get3A_4, %dot_general3A {dimension_numbers = #tpu.dot_dimension_numbers<[1], [0], [0], [1], [0, 0, 1, 1], [], []>, transpose_lhs_hint = false} : vector<256x16xf32>, vector<16x16xf32>, vector<256x16xf32> -> vector<256x16xf32>
    %get3A_6 = arith.constant 0 : index
    %get3A_7 = arith.constant 0 : index
    %get3A_8 = vector.load %arg4[%get3A_6, %get3A_7] : memref<1x16xf32, #tpu.memory_space<vmem>>, vector<1x16xf32>
    %add3A = vector.broadcast %get3A_8 : vector<1x16xf32> to vector<256x16xf32>
    %add3A_9 = arith.addf %dot_general3A_5, %add3A : vector<256x16xf32>
    %max3A = arith.constant 0.000000e+00 : f32
    %max3A_10 = vector.broadcast %max3A : f32 to vector<256x16xf32>
    %max3A_11 = arith.maximumf %add3A_9, %max3A_10 : vector<256x16xf32>
    %get3A_12 = arith.constant 0 : index
    %get3A_13 = arith.constant 0 : index
    %get3A_14 = vector.load %arg5[%get3A_12, %get3A_13] : memref<16x128xf32, #tpu.memory_space<vmem>>, vector<16x128xf32>
    %dot_general3A_15 = arith.constant dense<0.000000e+00> : vector<256x128xf32>
    %dot_general3A_16 = tpu.matmul %max3A_11, %get3A_14, %dot_general3A_15 {dimension_numbers = #tpu.dot_dimension_numbers<[1], [0], [0], [1], [0, 0, 1, 1], [], []>, transpose_lhs_hint = false} : vector<256x16xf32>, vector<16x128xf32>, vector<256x128xf32> -> vector<256x128xf32>
    %get3A_17 = arith.constant 0 : index
    %get3A_18 = arith.constant 0 : index
    %get3A_19 = vector.load %arg6[%get3A_17, %get3A_18] : memref<1x128xf32, #tpu.memory_space<vmem>>, vector<1x128xf32>
    %add3A_20 = vector.broadcast %get3A_19 : vector<1x128xf32> to vector<256x128xf32>
    %add3A_21 = arith.addf %dot_general3A_16, %add3A_20 : vector<256x128xf32>
    %get3A_22 = arith.constant 0 : index
    %get3A_23 = arith.constant 0 : index
    %get3A_24 = vector.load %arg1[%get3A_22, %get3A_23] : memref<256x128xf32, #tpu.memory_space<vmem>>, vector<256x128xf32>
    %get3A_25 = arith.constant 0 : index
    %get3A_26 = arith.constant 0 : index
    %get3A_27 = vector.load %arg7[%get3A_25, %get3A_26] : memref<128x128xf32, #tpu.memory_space<vmem>>, vector<128x128xf32>
    %dot_general3A_28 = arith.constant dense<0.000000e+00> : vector<256x128xf32>
    %dot_general3A_29 = tpu.matmul %get3A_24, %get3A_27, %dot_general3A_28 {dimension_numbers = #tpu.dot_dimension_numbers<[1], [0], [0], [1], [0, 0, 1, 1], [], []>, transpose_lhs_hint = false} : vector<256x128xf32>, vector<128x128xf32>, vector<256x128xf32> -> vector<256x128xf32>
    %get3A_30 = arith.constant 0 : index
    %get3A_31 = arith.constant 0 : index
    %get3A_32 = vector.load %arg8[%get3A_30, %get3A_31] : memref<128x128xf32, #tpu.memory_space<vmem>>, vector<128x128xf32>
    %dot_general3A_33 = arith.constant dense<0.000000e+00> : vector<256x128xf32>
    %dot_general3A_34 = tpu.matmul %add3A_21, %get3A_32, %dot_general3A_33 {dimension_numbers = #tpu.dot_dimension_numbers<[1], [0], [0], [1], [0, 0, 1, 1], [], []>, transpose_lhs_hint = false} : vector<256x128xf32>, vector<128x128xf32>, vector<256x128xf32> -> vector<256x128xf32>
    %add3A_35 = arith.addf %dot_general3A_29, %dot_general3A_34 : vector<256x128xf32>
    %get3A_36 = arith.constant 0 : index
    %get3A_37 = arith.constant 0 : index
    %get3A_38 = vector.load %arg9[%get3A_36, %get3A_37] : memref<1x128xf32, #tpu.memory_space<vmem>>, vector<1x128xf32>
    %add3A_39 = vector.broadcast %get3A_38 : vector<1x128xf32> to vector<256x128xf32>
    %add3A_40 = arith.addf %add3A_35, %add3A_39 : vector<256x128xf32>
    %max3A_41 = arith.constant 0.000000e+00 : f32
    %max3A_42 = vector.broadcast %max3A_41 : f32 to vector<256x128xf32>
    %max3A_43 = arith.maximumf %add3A_40, %max3A_42 : vector<256x128xf32>
    %get3A_44 = arith.constant 0 : index
    %get3A_45 = arith.constant 0 : index
    %get3A_46 = vector.load %arg10[%get3A_44, %get3A_45] : memref<128x128xf32, #tpu.memory_space<vmem>>, vector<128x128xf32>
    %dot_general3A_47 = arith.constant dense<0.000000e+00> : vector<256x128xf32>
    %dot_general3A_48 = tpu.matmul %max3A_43, %get3A_46, %dot_general3A_47 {dimension_numbers = #tpu.dot_dimension_numbers<[1], [0], [0], [1], [0, 0, 1, 1], [], []>, transpose_lhs_hint = false} : vector<256x128xf32>, vector<128x128xf32>, vector<256x128xf32> -> vector<256x128xf32>
    %get3A_49 = arith.constant 0 : index
    %get3A_50 = arith.constant 0 : index
    %get3A_51 = vector.load %arg11[%get3A_49, %get3A_50] : memref<1x128xf32, #tpu.memory_space<vmem>>, vector<1x128xf32>
    %add3A_52 = vector.broadcast %get3A_51 : vector<1x128xf32> to vector<256x128xf32>
    %add3A_53 = arith.addf %dot_general3A_48, %add3A_52 : vector<256x128xf32>
    %swap3A = arith.constant 0 : index
    %swap3A_54 = arith.constant 0 : index
    %swap3A_55 = vector.load %arg12[%swap3A, %swap3A_54] : memref<256x128xf32, #tpu.memory_space<vmem>>, vector<256x128xf32>
    tpu.vector_store %arg12[%swap3A, %swap3A_54], %add3A_53 {strides = array<i32>} : memref<256x128xf32, #tpu.memory_space<vmem>>, vector<256x128xf32>,
    return
  }
  func.func @transform_0(%arg0: i32) -> (i32, i32) {
    %c0_i32 = arith.constant 0 : i32
    %c0_i32_0 = arith.constant 0 : i32
    return %arg0, %c0_i32 : i32, i32
  }
  func.func @transform_1(%arg0: i32) -> (i32, i32) {
    %c0_i32 = arith.constant 0 : i32
    %c0_i32_0 = arith.constant 0 : i32
    return %arg0, %c0_i32 : i32, i32
  }
  func.func @transform_2(%arg0: i32) -> (i32, i32) {
    %c0_i32 = arith.constant 0 : i32
    %c0_i32_0 = arith.constant 0 : i32
    %c0_i32_1 = arith.constant 0 : i32
    return %c0_i32, %c0_i32_0 : i32, i32
  }
  func.func @transform_3(%arg0: i32) -> (i32, i32) {
    %c0_i32 = arith.constant 0 : i32
    %c0_i32_0 = arith.constant 0 : i32
    %c0_i32_1 = arith.constant 0 : i32
    return %c0_i32, %c0_i32_0 : i32, i32
  }
  func.func @transform_4(%arg0: i32) -> (i32, i32) {
    %c0_i32 = arith.constant 0 : i32
    %c0_i32_0 = arith.constant 0 : i32
    %c0_i32_1 = arith.constant 0 : i32
    return %c0_i32, %c0_i32_0 : i32, i32
  }
  func.func @transform_5(%arg0: i32) -> (i32, i32) {
    %c0_i32 = arith.constant 0 : i32
    %c0_i32_0 = arith.constant 0 : i32
    %c0_i32_1 = arith.constant 0 : i32
    return %c0_i32, %c0_i32_0 : i32, i32
  }
  func.func @transform_6(%arg0: i32) -> (i32, i32) {
    %c0_i32 = arith.constant 0 : i32
    %c0_i32_0 = arith.constant 0 : i32
    %c0_i32_1 = arith.constant 0 : i32
    return %c0_i32, %c0_i32_0 : i32, i32
  }
  func.func @transform_7(%arg0: i32) -> (i32, i32) {
    %c0_i32 = arith.constant 0 : i32
    %c0_i32_0 = arith.constant 0 : i32
    %c0_i32_1 = arith.constant 0 : i32
    return %c0_i32, %c0_i32_0 : i32, i32
  }
  func.func @transform_8(%arg0: i32) -> (i32, i32) {
    %c0_i32 = arith.constant 0 : i32
    %c0_i32_0 = arith.constant 0 : i32
    %c0_i32_1 = arith.constant 0 : i32
    return %c0_i32, %c0_i32_0 : i32, i32
  }
  func.func @transform_9(%arg0: i32) -> (i32, i32) {
    %c0_i32 = arith.constant 0 : i32
    %c0_i32_0 = arith.constant 0 : i32
    %c0_i32_1 = arith.constant 0 : i32
    return %c0_i32, %c0_i32_0 : i32, i32
  }
  func.func @transform_10(%arg0: i32) -> (i32, i32) {
    %c0_i32 = arith.constant 0 : i32
    %c0_i32_0 = arith.constant 0 : i32
    %c0_i32_1 = arith.constant 0 : i32
    return %c0_i32, %c0_i32_0 : i32, i32
  }
  func.func @transform_11(%arg0: i32) -> (i32, i32) {
    %c0_i32 = arith.constant 0 : i32
    %c0_i32_0 = arith.constant 0 : i32
    return %arg0, %c0_i32 : i32, i32
  }
}

</mosaic_0001>

<sc_bundles>
// kernel: kernel.11.cloned.1.call-start
scs
__scs_entry_jumppad:
0x0: {  	(pc) =	sbr.rel $0x88, $3  }
0x1: {  	(tag) =	ssettag $0x0;
	lr =	simm.s32 $0x1  }
0x2: {  	[smem:$0x3F8C] =	sst lr;
	_ =	strace $0xD0000000  }
0x3: {  	_ = 	snop  }
0x4: {  	_ = 	snop  }
0x5: {  	_ = 	snop  }
0x6: {  	_ = 	snop  }
0x7: {  	_ = 	snop  }
__scs_overlays_trampoline_lowered:
0x8: {  	[smem:$0x3F9B] =	sst s0  }
0x9: {  	[smem:$0x3F9C] =	sst s1  }
0xa: {  	[smem:$0x3F9D] =	sst s2  }
0xb: {  	[smem:$0x3F9E] =	sst s3  }
0xc: {  	[smem:$0x3F9F] =	sst s4  }
0xd: {  	[smem:$0x3FA0] =	sst s5  }
0xe: {  	[smem:$0x3FA1] =	sst s6  }
0xf: {  	[smem:$0x3FA2] =	sst s7  }
0x10: {  	[smem:$0x3FA3] =	sst s8  }
0x11: {  	[smem:$0x3FA4] =	sst s9;
	s0 =	simm.s32 @!p0 $0x0  }
0x12: {  	s1 =	sld [smem:$0x3F8A];
	s0 =	simm.s32 @p0 $0x1  }
0x13: {  	[smem:$0x3FA5] =	sst s0;
	s0 =	simm.s32 @!p1 $0x0  }
0x14: {  	s2 =	sld [smem:$0x3F89];
	s0 =	simm.s32 @p1 $0x1  }
0x15: {  	[smem:$0x3FA6] =	sst s0;
	s0 =	simm.s32 @!p2 $0x0  }
0x16: {  	s3 =	sld [smem:$0x3FDB];
	s0 =	simm.s32 @p2 $0x1  }
0x17: {  	s4 =	simm.s32 $0x1BF5;
	[smem:$0x3FA8] =	sst s0  }
0x18: {  	s0 =	sld [smem:$0x3F8B];
	_ =	swait.ge [sflag:s4], $0x0  }
0x19: {  	s7 =	sld [smem:$0x3F8C]  }
0x1a: {  	s8 =	sadd.s32 $0xFFFFE003, lr  }
0x1b: {  	s9 =	sadd.s32 $0xFFFFFEF7, lr;
	s5 =	simm.s32 $0xFFFFFFFF;
	p2 =	slt.u32 s8, $0xFFFFF086  }
0x1c: {  	p1 =	slt.u32 s9, $0xF7A;
	s5 =	simm.s32 @!p2 $0x0  }
0x1d: {  	s5 =	simm.s32 @p1 $0x1;
	p0 =	seq.s32 s7, s2  }
0x1e: {  	s7 =	smul.u32 @!p0 $0xF7A, s2;
	p2 =	seq.s32 @!p0 s5, $0x0  }
0x1f: {  	s9 =	smul.u32 $0xF7A, s1;
	s8 =	simm.s32 @!p0 $0x1BF5;
	p2 =	por !p2, p0  }
0x20: {  	[sflag:s8] =	ssyncset.s32 @!p0 $0xFFFFF086;
	s6 =	sadd.s32 @!p0 s3, s7;
	s7 =	simm.s32 @!p0 $0x108  }
0x21: {  	s3 =	sadd.s32 s3, s9;
	s6 =	sadd.s32 @!p0 $0x88, s6;
	s7 =	simm.s32 @p2 $0x1082  }
0x22: {  	[simem:s7], [sflag:s8] =	dma.local @!p0 [hbm:s6], $0xF7A  }
0x23: {  	s9 =	sor.u32 $0xD0000000, s2;
	s6 =	simm.s32 $0x108;
	_ =	swait.ge @!p0 [sflag:s8], $0x0  }
0x24: {  	s3 =	sadd.s32 $0x88, s3;
	s6 =	simm.s32 @!p1 $0x1082;
	[sflag:s4] =	ssyncset.s32 $0xFFFFF086  }
0x25: {  	[simem:s6], [sflag:s4] =	dma.local [hbm:s3], $0xF7A  }
0x26: {  	[smem:$0x3F8C] =	sst s1;
	(tag) =	ssettag s2;
	_ =	strace s9  }
0x27: {  	s1 =	sld [smem:$0x3F9C]  }
0x28: {  	s2 =	sld [smem:$0x3F9D]  }
0x29: {  	s4 =	sld [smem:$0x3F9F]  }
0x2a: {  	p0 =	seq.s32 s5, $0x0;
	s5 =	sld [smem:$0x3FA0]  }
0x2b: {  	s6 =	sld [smem:$0x3FA1]  }
0x2c: {  	s7 =	sld [smem:$0x3FA2]  }
0x2d: {  	s3 =	simm.s32 $0x108;
	s8 =	sld [smem:$0x3FA3]  }
0x2e: {  	s3 =	simm.s32 @!p0 $0x1082;
	s9 =	sld [smem:$0x3FA4]  }
0x2f: {  	lr =	sadd.s32 s0, s3;
	s0 =	sld [smem:$0x3F9B]  }
0x30: {  	s3 =	sld [smem:$0x3F9E]  }
0x31: {  	[smem:$0x3FA7] =	sst s10  }
0x32: {  	s10 =	sld [smem:$0x3FA5];
	_ =	sdelay $0x3  }
0x33: {  	p0 =	seq.s32 s10, $0x1;
	s10 =	sld [smem:$0x3FA7];
	_ =	sdelay $0x3  }
0x34: {  	[smem:$0x3FA7] =	sst s10  }
0x35: {  	s10 =	sld [smem:$0x3FA6];
	_ =	sdelay $0x3  }
0x36: {  	p1 =	seq.s32 s10, $0x1;
	s10 =	sld [smem:$0x3FA7];
	_ =	sdelay $0x3  }
0x37: {  	[smem:$0x3FA7] =	sst s10  }
0x38: {  	s10 =	sld [smem:$0x3FA8]  }
0x39: {  	_ = 	snop;
	(pc) =	sbr.ind lr, $3  }
0x3a: {  	_ = 	snop  }
0x3b: {  	_ = 	snop  }
0x3c: {  	p2 =	seq.s32 s10, $0x1;
	s10 =	sld [smem:$0x3FA7]  }
0x3d: {  	_ =	shalt  }
0x3e: {  	_ =	shalt  }
0x3f: {  	_ =	shalt  }
0x40: {  	_ =	shalt  }
0x41: {  	_ =	shalt  }
0x42: {  	_ =	shalt  }
0x43: {  	_ =	shalt  }
0x44: {  	_ =	shalt  }
0x45: {  	_ =	shalt  }
0x46: {  	_ =	shalt  }
0x47: {  	_ =	shalt  }
0x48: {  	_ =	shalt  }
0x49: {  	_ =	shalt  }
0x4a: {  	_ =	shalt  }
0x4b: {  	_ =	shalt  }
0x4c: {  	_ =	shalt  }
0x4d: {  	_ =	shalt  }
0x4e: {  	_ =	shalt  }
0x4f: {  	_ =	shalt  }
0x50: {  	_ =	shalt  }
0x51: {  	_ =	shalt  }
0x52: {  	_ =	shalt  }
0x53: {  	_ =	shalt  }
0x54: {  	_ =	shalt  }
0x55: {  	_ =	shalt  }
0x56: {  	_ =	shalt  }
0x57: {  	_ =	shalt  }
0x58: {  	_ =	shalt  }
0x59: {  	_ =	shalt  }
0x5a: {  	_ =	shalt  }
0x5b: {  	_ =	shalt  }
0x5c: {  	_ =	shalt  }
0x5d: {  	_ =	shalt  }
0x5e: {  	_ =	shalt  }
0x5f: {  	_ =	shalt  }
0x60: {  	_ =	shalt  }
0x61: {  	_ =	shalt  }
0x62: {  	_ =	shalt  }
0x63: {  	_ =	shalt  }
0x64: {  	_ =	shalt  }
0x65: {  	_ =	shalt  }
0x66: {  	_ =	shalt  }
0x67: {  	_ =	shalt  }
0x68: {  	_ =	shalt  }
0x69: {  	_ =	shalt  }
0x6a: {  	_ =	shalt  }
0x6b: {  	_ =	shalt  }
0x6c: {  	_ =	shalt  }
0x6d: {  	_ =	shalt  }
0x6e: {  	_ =	shalt  }
0x6f: {  	_ =	shalt  }
0x70: {  	_ =	shalt  }
0x71: {  	_ =	shalt  }
0x72: {  	_ =	shalt  }
0x73: {  	_ =	shalt  }
0x74: {  	_ =	shalt  }
0x75: {  	_ =	shalt  }
0x76: {  	_ =	shalt  }
0x77: {  	_ =	shalt  }
0x78: {  	_ =	shalt  }
0x79: {  	_ =	shalt  }
0x7a: {  	_ =	shalt  }
0x7b: {  	_ =	shalt  }
0x7c: {  	_ =	shalt  }
0x7d: {  	_ =	shalt  }
0x7e: {  	_ =	shalt  }
0x7f: {  	_ =	shalt  }
0x80: {  	_ =	shalt  }
0x81: {  	_ =	shalt  }
0x82: {  	_ =	shalt  }
0x83: {  	_ =	shalt  }
0x84: {  	_ =	shalt  }
0x85: {  	_ =	shalt  }
0x86: {  	_ =	shalt  }
0x87: {  	_ =	shalt  }
.Lfunc_end0:
.L_simem_size_0:
called_computation.1_lowered:
.L_overlay_start_0:
0x88: {  	s2 =	sld [smem:$0x3FD9]  }
0x89: {  	s3 =	sld [smem:$0x3FFE];
	_ =	sdelay $0x1  }
0x8a: {  	s1 =	srdreg.scid  }
0x8b: {  	s0 =	sand.u32 $0x1, s1  }
0x8c: {  	s17 =	sshll.u32 s0, $0xA;
	s2 =	sadd.s32 s3, s2  }
0x8d: {  	s2 =	sadd.s32 s2, s17  }
0x8e: {  	[smem:$0x3FB3] =	sst s2  }
0x8f: {  	_ = 	snop  }
0x90: {  	s2 =	sld [smem:$0x3FD0];
	(tm) =	ssettm $0x1  }
0x91: {  	s18 =	sld [smem:$0x3FFB];
	_ =	sdelay $0x3  }
0x92: {  	_ =	strace s18  }
0x93: {  	s3 =	sld [smem:$0x3FFC];
	_ =	sdelay $0x3  }
0x94: {  	_ =	strace s3  }
0x95: {  	s3 =	sld [smem:$0x3FFD];
	_ =	sdelay $0x3  }
0x96: {  	_ =	strace s3  }
0x97: {  	_ =	strace $0x8FFFFFFF  }
0x98: {  	s19 =	sld [smem:$0x3FDB];
	_ =	sdelay $0x1  }
0x99: {  	s4 =	simm.s32 $_scs_section_size  }
0x9a: {  	s5 =	simm.s32 $_size__tile_overlayer_lowered;
	s6 =	simm.s32 $_tile_overlayer_lowered  }
0x9b: {  	s22 =	simm.s32 $0x1BFF;
	s21 =	sshll.u32 s6, $0x1;
	s3 =	sadd.s32 s4, s19  }
0x9c: {  	s7 =	simm.s32 $0x0;
	s20 =	sshll.u32 s5, $0x1;
	s5 =	sadd.s32 s21, s3  }
0x9d: {  	[timem:s7], [sflag:s22] =	dma.local [hbm:s5], s20  }
0x9e: {  	_ =	swait.ge [sflag:s22], s20  }
0x9f: {  	s4 =	ssub.s32 $0x0, s20;
	[sflag:s22] =	ssyncset.done $0x0  }
0xa0: {  	[sflag:s22] =	ssyncadd.s32 s4;
	_ =	sdelay $0x1  }
0xa1: {  	s23 =	simm.s32 $0x1B8B  }
0xa2: {  	_ =	swait.ge [sflag:s23], $0x1  }
0xa3: {  	[sflag:s23] =	ssyncset.done $0x0  }
0xa4: {  	s25 =	simm.s32 $0x1B8E;
	s24 =	sld [smem:$0x3FFE];
	[sflag:s23] =	ssyncadd.s32 $0xFFFFFFFF  }
0xa5: {  	s26 =	simm.s32 $execute0_lowered;
	[smem:$0x3FD2] =	sst s25  }
0xa6: {  	s5 =	sshll.u32 s26, $0x1;
	_ =	strace $0x80000046;
	[dreg:$0x1] =	wrdreg $0xFFFFFFFF  }
0xa7: {  	s28 =	simm.s32 $_size_execute0_lowered;
	s3 =	sadd.s32 s3, s5;
	[dreg:$0x0] =	wrdreg $0x0  }
0xa8: {  	s5 =	sshll.u32 s28, $0x1;
	[dreg:$0x2] =	wrdreg s3  }
0xa9: {  	[dreg:$0x3] =	wrdreg s5  }
0xaa: {  	[dreg:$0x4] =	wrdreg $0xC0  }
0xab: {  	_ =	task [dreg:s7], $0x5FFFF  }
0xac: {  	[dreg:$0x1] =	wrdreg $0xFFFFFFFF  }
0xad: {  	[dreg:$0x0] =	wrdreg $0x60  }
0xae: {  	[dreg:$0x2] =	wrdreg s24  }
0xaf: {  	[dreg:$0x3] =	wrdreg s2  }
0xb0: {  	[dreg:$0x4] =	wrdreg $0x88000  }
0xb1: {  	[dreg:$0x5] =	wrdreg $0xA  }
0xb2: {  	_ =	task.clear_ibuf [dreg:s7], $0x6FFFF;
	_ =	strace $0x90000046  }
0xb3: {  	s29 =	simm.s32 $0xA;
	_ =	strace $0x80000048  }
0xb4: {  	_ =	swait.ge [sflag:s29], $0x1  }
0xb5: {  	[sflag:s29] =	ssyncadd.s32 $0xFFFFFFFF  }
0xb6: {  	_ =	strace $0x90000048  }
0xb7: {  	_ =	sfence  }
0xb8: {  	s30 =	sld [smem:$0x0];
	_ =	sdelay $0x2  }
0xb9: {  	s31 =	sshll.u32 s1, $0xD;
	s1 =	sshrl.u32 s1, $0x2  }
0xba: {  	s3 =	sand.u32 $0x4000, s31;
	s1 =	sadd.s32 s1, s30  }
0xbb: {  	s0 =	sor.u32 s3, s0;
	s1 =	sshll.u32 s1, $0x11  }
0xbc: {  	s0 =	sor.u32 s1, s0  }
0xbd: {  	s0 =	sadd.s32 $0x8F2B, s0  }
0xbe: {  	[sflag:s0] =	ssyncadd.remote.s32 $0x1  }
0xbf: {  	_ =	sfence.sel $0xFFFF  }
0xc0: {  	[dreg:$0x0] =	wrdreg $0xFFFFFFFF;
	(pc) =	sbr.abs _section_cstart, $3  }
0xc1: {  	[dreg:$0x1] =	wrdreg $0xFFFFFFFF  }
0xc2: {  	_ =	task.clear_ibuf [dreg:s7], $0x2FFFF;
	_ =	strace $0x9FFFFFFF  }
0xc3: {  	(tm) =	ssettm $0x7FFFFFFF  }
tec
execute0_lowered:
.L_overlay_start_1:
0x0: {  	(tag) =	ssettag $0x1  }
0x1: {  	s0 =	rddreg [dreg:$0x0];
	s1 =	srdreg.scid  }
0x2: {  	s16 =	stileid.u32;
	s5 =	rddreg [dreg:$0x1]  }
0x3: {  	s2 =	rddreg [dreg:$0x2];
	s17 =	simm.s32 $0x1;
	s18 =	simm.s32 $0x4800  }
0x4: {  	s19 =	simm.s32 $0x100;
	s28 =	simm.s32 $0x500;
	s29 =	simm.s32 $0x200  }
0x5: {  	s30 =	simm.s32 $0x580;
	s31 =	simm.s32 $0x280;
	s8 =	smul.u32 $0x280, s16  }
0x6: {  	s1 =	sand.u32 $0x1, s1;
	s3 =	sshll.u32 s16, $0x1;
	s9 =	smul.u32 $0x50000, s16  }
0x7: {  	s4 =	sor.u32 s1, s3;
	s3 =	simm.s32 $0x0;
	s7 =	smul.u32 $0x28000, s1  }
0x8: {  	s1 =	ssub.s32 $0x2, s1;
	s6 =	smul.u32 $0x500, s4;
	[smem:$0x7FF] =	sst s3  }
0x9: {  	s4 =	sadd.s32 $0xEA00, s0;
	s20 =	sshrl.u32 s1, $0x1;
	s12 =	sadd.s32 $0x80, s8  }
0xa: {  	s21 =	sshrl.u32 s9, $0x2;
	s13 =	sadd.s32 $0x100, s8;
	s14 =	sadd.s32 $0x180, s8  }
0xb: {  	s15 =	sadd.s32 $0x200, s8;
	_ =	strace $0x80000047;
	s1 =	ssub.s32 s1, s20  }
0xc: {  	s22 =	sshll.u32 s12, $0x7;
	s24 =	sshll.u32 s13, $0x7;
	s25 =	sshll.u32 s14, $0x7  }
0xd: {  	s26 =	sshll.u32 s15, $0x7;
	s12 =	sshll.u32 s12, $0x4;
	s20 =	sshll.u32 s14, $0x4  }
0xe: {  	s14 =	simm.s32 $0x2;
	s11 =	sadd.s32 s6, s0;
	s0 =	sadd.s32 s7, s0  }
0xf: {  	s7 =	sadd.s32 s21, s2;
	s23 =	sadd.s32 s22, s2;
	s8 =	sadd.s32 s25, s2  }
0x10: {  	s9 =	sadd.s32 s26, s2;
	s10 =	sadd.s32 s5, s6;
	s22 =	sshll.u32 s13, $0x4  }
0x11: {  	s21 =	sshll.u32 s15, $0x4;
	s1 =	smax.u32 s1, $0x1;
	[dreg:$0x4] =	wrdreg s7  }
0x12: {  	s13 =	simm.s32 $0x800;
	s15 =	simm.s32 $0x400;
	[dreg:$0x5] =	wrdreg s23  }
0x13: {  	s7 =	sadd.s32 s24, s2;
	[dreg:$0x7] =	wrdreg s9;
	s11 =	sadd.s32 $0x4A00, s11  }
0x14: {  	s0 =	sadd.s32 $0x36A00, s0;
	s9 =	smul.u32 $0x2800, s16;
	[dreg:$0x8] =	wrdreg s1  }
0x15: {  	s16 =	simm.s32 $0x80;
	s1 =	simm.s32 $0x600;
	[dreg:$0x6] =	wrdreg s8  }
0x16: {  	s24 =	sadd.s32 s12, s0;
	s25 =	sadd.s32 s22, s0;
	s26 =	sadd.s32 s20, s0  }
0x17: {  	s12 =	simm.s32 $0x680;
	s20 =	simm.s32 $0x380;
	[dreg:$0xa] =	wrdreg s24  }
0x18: {  	s22 =	simm.s32 $0x780;
	s23 =	sadd.s32 s9, s0;
	[dreg:$0xb] =	wrdreg s25  }
0x19: {  	[dreg:$0xc] =	wrdreg s26;
	s0 =	sadd.s32 s21, s0;
	s25 =	simm.s32 $0x480  }
0x1a: {  	s26 =	simm.s32 $0x180;
	s21 =	simm.s32 $0x700;
	[dreg:$0x9] =	wrdreg s23  }
0x1b: {  	v0 =	vimm.f32 $0.0e+00;
	[dreg:$0xd] =	wrdreg s0;
	s0 =	simm.s32 $0x300;
	s23 =	simm.s32 $0x0  }
.LBB2_1:
0x1c: {  	s5 =	simm.s32 $0x0;
	s24 =	simm.s32 $0x200  }
.LBB2_2:
0x1d: {  	p0 =	sne.s32 s24, $0xFE00;
	[tilespmem:s5+$0x870] =	vst v0  }
0x1e: {  	[tilespmem:s5+$0x800] =	vst v0  }
0x1f: {  	[tilespmem:s5+$0x810] =	vst v0  }
.Ltmp0:
0x20: {  	[tilespmem:s5+$0x820] =	vst v0;
	(pc) =	sbr.rel @p0 .LBB2_2-.Ltmp0, $4  }
0x21: {  	[tilespmem:s5+$0x830] =	vst v0  }
0x22: {  	[tilespmem:s5+$0x840] =	vst v0  }
0x23: {  	[tilespmem:s5+$0x850] =	vst v0  }
0x24: {  	[tilespmem:s5+$0x860] =	vst v0;
	s5 =	sshra.s32 s24, $0x2;
	s24 =	sadd.s32 $0x200, s24  }
0x25: {  	[tilespmem:s5+$0x870] =	vst v0  }
0x26: {  	[tilespmem:s5+$0x800] =	vst v0  }
0x27: {  	[tilespmem:s5+$0x810] =	vst v0  }
0x28: {  	[tilespmem:s5+$0x820] =	vst v0  }
0x29: {  	[tilespmem:s5+$0x830] =	vst v0  }
0x2a: {  	[tilespmem:s5+$0x840] =	vst v0  }
0x2b: {  	[tilespmem:s5+$0x850] =	vst v0  }
0x2c: {  	[tilespmem:s5+$0x860] =	vst v0;
	s24 =	rddreg [dreg:$0x4]  }
0x2d: {  	[spmem:s24] =	stream.linear.scatter [tilespmem:s13], [sflag:$0x2], $0x4000, $0x38;
	[tilespmem:$0x1C800] =	vst v63  }
0x2e: {  	_ =	swait.ge [sflag:s14], $0x4000  }
0x2f: {  	[sflag:s14] =	ssyncset.done $0x0  }
0x30: {  	s6 =	rddreg [dreg:$0x5];
	[sflag:s14] =	ssyncadd.s32 $0xFFFFC000  }
0x31: {  	[spmem:s6] =	stream.linear.scatter [tilespmem:s13], [sflag:$0x2], $0x4000, $0x38;
	[tilespmem:$0x1C800] =	vst v63  }
0x32: {  	_ =	swait.ge [sflag:s14], $0x4000  }
0x33: {  	[sflag:s14] =	ssyncset.done $0x0  }
0x34: {  	[sflag:s14] =	ssyncadd.s32 $0xFFFFC000  }
0x35: {  	[spmem:s7] =	stream.linear.scatter [tilespmem:s13], [sflag:$0x2], $0x4000, $0x38;
	[tilespmem:$0x1C800] =	vst v63  }
0x36: {  	_ =	swait.ge [sflag:s14], $0x4000  }
0x37: {  	[sflag:s14] =	ssyncset.done $0x0  }
0x38: {  	[sflag:s14] =	ssyncadd.s32 $0xFFFFC000  }
0x39: {  	[spmem:s8] =	stream.linear.scatter [tilespmem:s13], [sflag:$0x2], $0x4000, $0x38;
	[tilespmem:$0x1C800] =	vst v63  }
0x3a: {  	_ =	swait.ge [sflag:s14], $0x4000  }
0x3b: {  	[sflag:s14] =	ssyncset.done $0x0  }
0x3c: {  	s9 =	smov.u32 s7;
	s7 =	rddreg [dreg:$0x7];
	[sflag:s14] =	ssyncadd.s32 $0xFFFFC000  }
0x3d: {  	[spmem:s7] =	stream.linear.scatter [tilespmem:s13], [sflag:$0x2], $0x4000, $0x38;
	[tilespmem:$0x1C800] =	vst v63  }
0x3e: {  	_ =	swait.ge [sflag:s14], $0x4000  }
0x3f: {  	[sflag:s14] =	ssyncset.done $0x0  }
0x40: {  	[sflag:s14] =	ssyncadd.s32 $0xFFFFC000  }
0x41: {  	s8 =	sadd.s32 $0x0, s10;
	[bflag:$0x0] =	sbarrier.arrive $0xFFFF  }
0x42: {  	[tilespmem:s3], [sflag:$0x2] =	stream.linear.gather [hbm4b:s8+s3], $0x400, $0x38;
	[tilespmem:$0x1C800] =	vst v63  }
0x43: {  	_ =	swait.ge [sflag:s14], $0x400  }
0x44: {  	[sflag:s14] =	ssyncset.done $0x0  }
0x45: {  	s24 =	sadd.s32 $0x0, s11;
	[sflag:s14] =	ssyncadd.s32 $0xFFFFFC00  }
0x46: {  	[tilespmem:s15], [sflag:$0x2] =	stream.linear.gather [hbm4b:s24+s3], $0x400, $0x38;
	[tilespmem:$0x1C800] =	vst v63  }
0x47: {  	_ =	swait.ge [sflag:s14], $0x400  }
0x48: {  	[sflag:s14] =	ssyncset.done $0x0  }
0x49: {  	[sflag:s14] =	ssyncadd.s32 $0xFFFFFC00  }
0x4a: {  	[tilespmem:s13], [sflag:$0x1] =	stream.indirect.gather [hbm4b:s4+s16], $0x80, s3, s16, $0xb8;
	[tilespmem:$0x1C800] =	vst v63  }
0x4b: {  	_ =	swait.ge [sflag:s17], $0x4000  }
0x4c: {  	[sflag:s17] =	ssyncset.done $0x0  }
0x4d: {  	[sflag:s17] =	ssyncadd.s32 $0xFFFFC000  }
0x4e: {  	[tilespmem:s18], [sflag:$0x1] =	stream.indirect.gather [hbm4b:s4+s16], $0x80, s16, s16, $0xb8;
	[tilespmem:$0x1C800] =	vst v63  }
0x4f: {  	_ = 	snop  }
0x50: {  	[spmem:s2] =	stream.indirect.scatter.add.f32 [tilespmem:s13], [sflag:$0x2], $0x80, s15, s16, $0xb8;
	[tilespmem:$0x1C800] =	vst v63  }
0x51: {  	_ =	swait.ge [sflag:s14], $0x4000  }
0x52: {  	[sflag:s14] =	ssyncset.done $0x0  }
0x53: {  	[sflag:s14] =	ssyncadd.s32 $0xFFFFC000  }
0x54: {  	[tilespmem:s13], [sflag:$0x1] =	stream.indirect.gather [hbm4b:s4+s16], $0x80, s19, s16, $0xb8;
	[tilespmem:$0x1C800] =	vst v63  }
0x55: {  	_ =	swait.ge [sflag:s17], $0x4000  }
0x56: {  	[sflag:s17] =	ssyncset.done $0x0  }
0x57: {  	[sflag:s17] =	ssyncadd.s32 $0xFFFFC000  }
0x58: {  	[spmem:s2] =	stream.indirect.scatter.add.f32 [tilespmem:s18], [sflag:$0x2], $0x80, s25, s16, $0xb8;
	[tilespmem:$0x1C800] =	vst v63  }
0x59: {  	_ =	swait.ge [sflag:s14], $0x4000  }
0x5a: {  	[sflag:s14] =	ssyncset.done $0x0  }
0x5b: {  	[sflag:s14] =	ssyncadd.s32 $0xFFFFC000  }
0x5c: {  	_ =	swait.ge [sflag:s17], $0x4000  }
0x5d: {  	[sflag:s17] =	ssyncset.done $0x0  }
0x5e: {  	[sflag:s17] =	ssyncadd.s32 $0xFFFFC000  }
0x5f: {  	[tilespmem:s18], [sflag:$0x1] =	stream.indirect.gather [hbm4b:s4+s16], $0x80, s26, s16, $0xb8;
	[tilespmem:$0x1C800] =	vst v63  }
0x60: {  	_ = 	snop  }
0x61: {  	[spmem:s2] =	stream.indirect.scatter.add.f32 [tilespmem:s13], [sflag:$0x2], $0x80, s28, s16, $0xb8;
	[tilespmem:$0x1C800] =	vst v63  }
0x62: {  	_ =	swait.ge [sflag:s14], $0x4000  }
0x63: {  	[sflag:s14] =	ssyncset.done $0x0  }
0x64: {  	[sflag:s14] =	ssyncadd.s32 $0xFFFFC000  }
0x65: {  	[tilespmem:s13], [sflag:$0x1] =	stream.indirect.gather [hbm4b:s4+s16], $0x80, s29, s16, $0xb8;
	[tilespmem:$0x1C800] =	vst v63  }
0x66: {  	_ =	swait.ge [sflag:s17], $0x4000  }
0x67: {  	[sflag:s17] =	ssyncset.done $0x0  }
0x68: {  	[sflag:s17] =	ssyncadd.s32 $0xFFFFC000  }
0x69: {  	[spmem:s2] =	stream.indirect.scatter.add.f32 [tilespmem:s18], [sflag:$0x2], $0x80, s30, s16, $0xb8;
	[tilespmem:$0x1C800] =	vst v63  }
0x6a: {  	_ =	swait.ge [sflag:s14], $0x4000  }
0x6b: {  	[sflag:s14] =	ssyncset.done $0x0  }
0x6c: {  	[sflag:s14] =	ssyncadd.s32 $0xFFFFC000  }
0x6d: {  	_ =	swait.ge [sflag:s17], $0x4000  }
0x6e: {  	[sflag:s17] =	ssyncset.done $0x0  }
0x6f: {  	[sflag:s17] =	ssyncadd.s32 $0xFFFFC000  }
0x70: {  	[tilespmem:s18], [sflag:$0x1] =	stream.indirect.gather [hbm4b:s4+s16], $0x80, s31, s16, $0xb8;
	[tilespmem:$0x1C800] =	vst v63  }
0x71: {  	_ = 	snop  }
0x72: {  	[spmem:s2] =	stream.indirect.scatter.add.f32 [tilespmem:s13], [sflag:$0x2], $0x80, s1, s16, $0xb8;
	[tilespmem:$0x1C800] =	vst v63  }
0x73: {  	_ =	swait.ge [sflag:s14], $0x4000  }
0x74: {  	[sflag:s14] =	ssyncset.done $0x0  }
0x75: {  	[sflag:s14] =	ssyncadd.s32 $0xFFFFC000  }
0x76: {  	[tilespmem:s13], [sflag:$0x1] =	stream.indirect.gather [hbm4b:s4+s16], $0x80, s0, s16, $0xb8;
	[tilespmem:$0x1C800] =	vst v63  }
0x77: {  	_ =	swait.ge [sflag:s17], $0x4000  }
0x78: {  	[sflag:s17] =	ssyncset.done $0x0  }
0x79: {  	[sflag:s17] =	ssyncadd.s32 $0xFFFFC000  }
0x7a: {  	[spmem:s2] =	stream.indirect.scatter.add.f32 [tilespmem:s18], [sflag:$0x2], $0x80, s12, s16, $0xb8;
	[tilespmem:$0x1C800] =	vst v63  }
0x7b: {  	_ =	swait.ge [sflag:s14], $0x4000  }
0x7c: {  	[sflag:s14] =	ssyncset.done $0x0  }
0x7d: {  	[sflag:s14] =	ssyncadd.s32 $0xFFFFC000  }
0x7e: {  	_ =	swait.ge [sflag:s17], $0x4000  }
0x7f: {  	[sflag:s17] =	ssyncset.done $0x0  }
0x80: {  	[sflag:s17] =	ssyncadd.s32 $0xFFFFC000  }
0x81: {  	[tilespmem:s18], [sflag:$0x1] =	stream.indirect.gather [hbm4b:s4+s16], $0x80, s20, s16, $0xb8;
	[tilespmem:$0x1C800] =	vst v63  }
0x82: {  	_ = 	snop  }
0x83: {  	[spmem:s2] =	stream.indirect.scatter.add.f32 [tilespmem:s13], [sflag:$0x2], $0x80, s21, s16, $0xb8;
	[tilespmem:$0x1C800] =	vst v63  }
0x84: {  	_ =	swait.ge [sflag:s14], $0x4000  }
0x85: {  	[sflag:s14] =	ssyncset.done $0x0  }
0x86: {  	[sflag:s14] =	ssyncadd.s32 $0xFFFFC000  }
0x87: {  	_ =	swait.ge [sflag:s17], $0x4000  }
0x88: {  	[sflag:s17] =	ssyncset.done $0x0  }
0x89: {  	[sflag:s17] =	ssyncadd.s32 $0xFFFFC000  }
0x8a: {  	[spmem:s2] =	stream.indirect.scatter.add.f32 [tilespmem:s18], [sflag:$0x2], $0x80, s22, s16, $0xb8;
	[tilespmem:$0x1C800] =	vst v63  }
0x8b: {  	_ =	swait.ge [sflag:s14], $0x4000  }
0x8c: {  	s5 =	simm.s32 $0x100;
	s24 =	simm.s32 $0x80;
	[sflag:s14] =	ssyncset.done $0x0  }
.LBB2_4:
0x8d: {  	s7 =	sadd.s32 s24, s10  }
0x8e: {  	[sflag:s14] =	ssyncadd.s32 $0xFFFFC000;
	s8 =	smov.u32 s5;
	s6 =	sadd.s32 $0x80, s5  }
0x8f: {  	[tilespmem:s3], [sflag:$0x2] =	stream.linear.gather [hbm4b:s7+s3], $0x400, $0x38;
	[tilespmem:$0x1C800] =	vst v63  }
0x90: {  	p0 =	sne.s32 s5, $0x480;
	_ =	swait.ge [sflag:s14], $0x400  }
0x91: {  	[sflag:s14] =	ssyncset.done $0x0  }
0x92: {  	s5 =	sadd.s32 s24, s11;
	s24 =	smov.u32 s8;
	[sflag:s14] =	ssyncadd.s32 $0xFFFFFC00  }
0x93: {  	[tilespmem:s15], [sflag:$0x2] =	stream.linear.gather [hbm4b:s5+s3], $0x400, $0x38;
	[tilespmem:$0x1C800] =	vst v63  }
0x94: {  	_ =	swait.ge [sflag:s14], $0x400  }
0x95: {  	[sflag:s14] =	ssyncset.done $0x0  }
0x96: {  	[sflag:s14] =	ssyncadd.s32 $0xFFFFFC00  }
0x97: {  	[tilespmem:s13], [sflag:$0x1] =	stream.indirect.gather [hbm4b:s4+s16], $0x80, s3, s16, $0xb8;
	[tilespmem:$0x1C800] =	vst v63  }
0x98: {  	_ =	swait.ge [sflag:s17], $0x4000  }
0x99: {  	[sflag:s17] =	ssyncset.done $0x0  }
0x9a: {  	[sflag:s17] =	ssyncadd.s32 $0xFFFFC000  }
0x9b: {  	[tilespmem:s18], [sflag:$0x1] =	stream.indirect.gather [hbm4b:s4+s16], $0x80, s16, s16, $0xb8;
	[tilespmem:$0x1C800] =	vst v63  }
0x9c: {  	_ = 	snop  }
0x9d: {  	[spmem:s2] =	stream.indirect.scatter.add.f32 [tilespmem:s13], [sflag:$0x2], $0x80, s15, s16, $0xb8;
	[tilespmem:$0x1C800] =	vst v63  }
0x9e: {  	_ =	swait.ge [sflag:s14], $0x4000  }
0x9f: {  	[sflag:s14] =	ssyncset.done $0x0  }
0xa0: {  	[sflag:s14] =	ssyncadd.s32 $0xFFFFC000  }
0xa1: {  	[tilespmem:s13], [sflag:$0x1] =	stream.indirect.gather [hbm4b:s4+s16], $0x80, s19, s16, $0xb8;
	[tilespmem:$0x1C800] =	vst v63  }
0xa2: {  	_ =	swait.ge [sflag:s17], $0x4000  }
0xa3: {  	[sflag:s17] =	ssyncset.done $0x0  }
0xa4: {  	[sflag:s17] =	ssyncadd.s32 $0xFFFFC000  }
0xa5: {  	[spmem:s2] =	stream.indirect.scatter.add.f32 [tilespmem:s18], [sflag:$0x2], $0x80, s25, s16, $0xb8;
	[tilespmem:$0x1C800] =	vst v63  }
0xa6: {  	_ =	swait.ge [sflag:s14], $0x4000  }
0xa7: {  	[sflag:s14] =	ssyncset.done $0x0  }
0xa8: {  	[sflag:s14] =	ssyncadd.s32 $0xFFFFC000  }
0xa9: {  	_ =	swait.ge [sflag:s17], $0x4000  }
0xaa: {  	[sflag:s17] =	ssyncset.done $0x0  }
0xab: {  	[sflag:s17] =	ssyncadd.s32 $0xFFFFC000  }
0xac: {  	[tilespmem:s18], [sflag:$0x1] =	stream.indirect.gather [hbm4b:s4+s16], $0x80, s26, s16, $0xb8;
	[tilespmem:$0x1C800] =	vst v63  }
0xad: {  	_ = 	snop  }
0xae: {  	[spmem:s2] =	stream.indirect.scatter.add.f32 [tilespmem:s13], [sflag:$0x2], $0x80, s28, s16, $0xb8;
	[tilespmem:$0x1C800] =	vst v63  }
0xaf: {  	_ =	swait.ge [sflag:s14], $0x4000  }
0xb0: {  	[sflag:s14] =	ssyncset.done $0x0  }
0xb1: {  	[sflag:s14] =	ssyncadd.s32 $0xFFFFC000  }
0xb2: {  	[tilespmem:s13], [sflag:$0x1] =	stream.indirect.gather [hbm4b:s4+s16], $0x80, s29, s16, $0xb8;
	[tilespmem:$0x1C800] =	vst v63  }
0xb3: {  	_ =	swait.ge [sflag:s17], $0x4000  }
0xb4: {  	[sflag:s17] =	ssyncset.done $0x0  }
0xb5: {  	[sflag:s17] =	ssyncadd.s32 $0xFFFFC000  }
0xb6: {  	[spmem:s2] =	stream.indirect.scatter.add.f32 [tilespmem:s18], [sflag:$0x2], $0x80, s30, s16, $0xb8;
	[tilespmem:$0x1C800] =	vst v63  }
0xb7: {  	_ =	swait.ge [sflag:s14], $0x4000  }
0xb8: {  	[sflag:s14] =	ssyncset.done $0x0  }
0xb9: {  	[sflag:s14] =	ssyncadd.s32 $0xFFFFC000  }
0xba: {  	_ =	swait.ge [sflag:s17], $0x4000  }
0xbb: {  	[sflag:s17] =	ssyncset.done $0x0  }
0xbc: {  	[sflag:s17] =	ssyncadd.s32 $0xFFFFC000  }
0xbd: {  	[tilespmem:s18], [sflag:$0x1] =	stream.indirect.gather [hbm4b:s4+s16], $0x80, s31, s16, $0xb8;
	[tilespmem:$0x1C800] =	vst v63  }
0xbe: {  	_ = 	snop  }
0xbf: {  	[spmem:s2] =	stream.indirect.scatter.add.f32 [tilespmem:s13], [sflag:$0x2], $0x80, s1, s16, $0xb8;
	[tilespmem:$0x1C800] =	vst v63  }
0xc0: {  	_ =	swait.ge [sflag:s14], $0x4000  }
0xc1: {  	[sflag:s14] =	ssyncset.done $0x0  }
0xc2: {  	[sflag:s14] =	ssyncadd.s32 $0xFFFFC000  }
0xc3: {  	[tilespmem:s13], [sflag:$0x1] =	stream.indirect.gather [hbm4b:s4+s16], $0x80, s0, s16, $0xb8;
	[tilespmem:$0x1C800] =	vst v63  }
0xc4: {  	_ =	swait.ge [sflag:s17], $0x4000  }
0xc5: {  	[sflag:s17] =	ssyncset.done $0x0  }
0xc6: {  	[sflag:s17] =	ssyncadd.s32 $0xFFFFC000  }
0xc7: {  	[spmem:s2] =	stream.indirect.scatter.add.f32 [tilespmem:s18], [sflag:$0x2], $0x80, s12, s16, $0xb8;
	[tilespmem:$0x1C800] =	vst v63  }
0xc8: {  	_ =	swait.ge [sflag:s14], $0x4000  }
0xc9: {  	[sflag:s14] =	ssyncset.done $0x0  }
0xca: {  	[sflag:s14] =	ssyncadd.s32 $0xFFFFC000  }
0xcb: {  	_ =	swait.ge [sflag:s17], $0x4000  }
0xcc: {  	[sflag:s17] =	ssyncset.done $0x0  }
0xcd: {  	[sflag:s17] =	ssyncadd.s32 $0xFFFFC000  }
0xce: {  	[tilespmem:s18], [sflag:$0x1] =	stream.indirect.gather [hbm4b:s4+s16], $0x80, s20, s16, $0xb8;
	[tilespmem:$0x1C800] =	vst v63  }
0xcf: {  	_ = 	snop  }
0xd0: {  	[spmem:s2] =	stream.indirect.scatter.add.f32 [tilespmem:s13], [sflag:$0x2], $0x80, s21, s16, $0xb8;
	[tilespmem:$0x1C800] =	vst v63  }
0xd1: {  	_ =	swait.ge [sflag:s14], $0x4000  }
0xd2: {  	[sflag:s14] =	ssyncset.done $0x0  }
0xd3: {  	[sflag:s14] =	ssyncadd.s32 $0xFFFFC000  }
0xd4: {  	_ =	swait.ge [sflag:s17], $0x4000  }
.Ltmp1:
0xd5: {  	[sflag:s17] =	ssyncset.done $0x0;
	(pc) =	sbr.rel @p0 .LBB2_4-.Ltmp1, $4  }
0xd6: {  	[sflag:s17] =	ssyncadd.s32 $0xFFFFC000  }
0xd7: {  	[spmem:s2] =	stream.indirect.scatter.add.f32 [tilespmem:s18], [sflag:$0x2], $0x80, s22, s16, $0xb8;
	[tilespmem:$0x1C800] =	vst v63  }
0xd8: {  	_ =	swait.ge [sflag:s14], $0x4000  }
0xd9: {  	s5 =	smov.u32 s6;
	[sflag:s14] =	ssyncset.done $0x0  }
0xda: {  	s5 =	sadd.s32 s24, s10;
	[sflag:s14] =	ssyncadd.s32 $0xFFFFC000  }
0xdb: {  	[tilespmem:s3], [sflag:$0x2] =	stream.linear.gather [hbm4b:s5+s3], $0x400, $0x38;
	[tilespmem:$0x1C800] =	vst v63  }
0xdc: {  	_ =	swait.ge [sflag:s14], $0x400  }
0xdd: {  	[sflag:s14] =	ssyncset.done $0x0  }
0xde: {  	s8 =	sadd.s32 s24, s11;
	[sflag:s14] =	ssyncadd.s32 $0xFFFFFC00  }
0xdf: {  	[tilespmem:s15], [sflag:$0x2] =	stream.linear.gather [hbm4b:s8+s3], $0x400, $0x38;
	[tilespmem:$0x1C800] =	vst v63  }
0xe0: {  	_ =	swait.ge [sflag:s14], $0x400  }
0xe1: {  	[sflag:s14] =	ssyncset.done $0x0  }
0xe2: {  	[sflag:s14] =	ssyncadd.s32 $0xFFFFFC00  }
0xe3: {  	[tilespmem:s13], [sflag:$0x1] =	stream.indirect.gather [hbm4b:s4+s16], $0x80, s3, s16, $0xb8;
	[tilespmem:$0x1C800] =	vst v63  }
0xe4: {  	_ =	swait.ge [sflag:s17], $0x4000  }
0xe5: {  	[sflag:s17] =	ssyncset.done $0x0  }
0xe6: {  	[sflag:s17] =	ssyncadd.s32 $0xFFFFC000  }
0xe7: {  	[tilespmem:s18], [sflag:$0x1] =	stream.indirect.gather [hbm4b:s4+s16], $0x80, s16, s16, $0xb8;
	[tilespmem:$0x1C800] =	vst v63  }
0xe8: {  	_ = 	snop  }
0xe9: {  	[spmem:s2] =	stream.indirect.scatter.add.f32 [tilespmem:s13], [sflag:$0x2], $0x80, s15, s16, $0xb8;
	[tilespmem:$0x1C800] =	vst v63  }
0xea: {  	_ =	swait.ge [sflag:s14], $0x4000  }
0xeb: {  	[sflag:s14] =	ssyncset.done $0x0  }
0xec: {  	[sflag:s14] =	ssyncadd.s32 $0xFFFFC000  }
0xed: {  	[tilespmem:s13], [sflag:$0x1] =	stream.indirect.gather [hbm4b:s4+s16], $0x80, s19, s16, $0xb8;
	[tilespmem:$0x1C800] =	vst v63  }
0xee: {  	_ =	swait.ge [sflag:s17], $0x4000  }
0xef: {  	[sflag:s17] =	ssyncset.done $0x0  }
0xf0: {  	[sflag:s17] =	ssyncadd.s32 $0xFFFFC000  }
0xf1: {  	[spmem:s2] =	stream.indirect.scatter.add.f32 [tilespmem:s18], [sflag:$0x2], $0x80, s25, s16, $0xb8;
	[tilespmem:$0x1C800] =	vst v63  }
0xf2: {  	_ =	swait.ge [sflag:s14], $0x4000  }
0xf3: {  	[sflag:s14] =	ssyncset.done $0x0  }
0xf4: {  	[sflag:s14] =	ssyncadd.s32 $0xFFFFC000  }
0xf5: {  	_ =	swait.ge [sflag:s17], $0x4000  }
0xf6: {  	[sflag:s17] =	ssyncset.done $0x0  }
0xf7: {  	[sflag:s17] =	ssyncadd.s32 $0xFFFFC000  }
0xf8: {  	[tilespmem:s18], [sflag:$0x1] =	stream.indirect.gather [hbm4b:s4+s16], $0x80, s26, s16, $0xb8;
	[tilespmem:$0x1C800] =	vst v63  }
0xf9: {  	_ = 	snop  }
0xfa: {  	[spmem:s2] =	stream.indirect.scatter.add.f32 [tilespmem:s13], [sflag:$0x2], $0x80, s28, s16, $0xb8;
	[tilespmem:$0x1C800] =	vst v63  }
0xfb: {  	_ =	swait.ge [sflag:s14], $0x4000  }
0xfc: {  	[sflag:s14] =	ssyncset.done $0x0  }
0xfd: {  	[sflag:s14] =	ssyncadd.s32 $0xFFFFC000  }
0xfe: {  	[tilespmem:s13], [sflag:$0x1] =	stream.indirect.gather [hbm4b:s4+s16], $0x80, s29, s16, $0xb8;
	[tilespmem:$0x1C800] =	vst v63  }
0xff: {  	_ =	swait.ge [sflag:s17], $0x4000  }
0x100: {  	[sflag:s17] =	ssyncset.done $0x0  }
0x101: {  	[sflag:s17] =	ssyncadd.s32 $0xFFFFC000  }
0x102: {  	[spmem:s2] =	stream.indirect.scatter.add.f32 [tilespmem:s18], [sflag:$0x2], $0x80, s30, s16, $0xb8;
	[tilespmem:$0x1C800] =	vst v63  }
0x103: {  	_ =	swait.ge [sflag:s14], $0x4000  }
0x104: {  	[sflag:s14] =	ssyncset.done $0x0  }
0x105: {  	[sflag:s14] =	ssyncadd.s32 $0xFFFFC000  }
0x106: {  	_ =	swait.ge [sflag:s17], $0x4000  }
0x107: {  	[sflag:s17] =	ssyncset.done $0x0  }
0x108: {  	[sflag:s17] =	ssyncadd.s32 $0xFFFFC000  }
0x109: {  	[tilespmem:s18], [sflag:$0x1] =	stream.indirect.gather [hbm4b:s4+s16], $0x80, s31, s16, $0xb8;
	[tilespmem:$0x1C800] =	vst v63  }
0x10a: {  	_ = 	snop  }
0x10b: {  	[spmem:s2] =	stream.indirect.scatter.add.f32 [tilespmem:s13], [sflag:$0x2], $0x80, s1, s16, $0xb8;
	[tilespmem:$0x1C800] =	vst v63  }
0x10c: {  	_ =	swait.ge [sflag:s14], $0x4000  }
0x10d: {  	[sflag:s14] =	ssyncset.done $0x0  }
0x10e: {  	[sflag:s14] =	ssyncadd.s32 $0xFFFFC000  }
0x10f: {  	[tilespmem:s13], [sflag:$0x1] =	stream.indirect.gather [hbm4b:s4+s16], $0x80, s0, s16, $0xb8;
	[tilespmem:$0x1C800] =	vst v63  }
0x110: {  	_ =	swait.ge [sflag:s17], $0x4000  }
0x111: {  	[sflag:s17] =	ssyncset.done $0x0  }
0x112: {  	[sflag:s17] =	ssyncadd.s32 $0xFFFFC000  }
0x113: {  	[spmem:s2] =	stream.indirect.scatter.add.f32 [tilespmem:s18], [sflag:$0x2], $0x80, s12, s16, $0xb8;
	[tilespmem:$0x1C800] =	vst v63  }
0x114: {  	_ =	swait.ge [sflag:s14], $0x4000  }
0x115: {  	[sflag:s14] =	ssyncset.done $0x0  }
0x116: {  	[sflag:s14] =	ssyncadd.s32 $0xFFFFC000  }
0x117: {  	_ =	swait.ge [sflag:s17], $0x4000  }
0x118: {  	[sflag:s17] =	ssyncset.done $0x0  }
0x119: {  	[sflag:s17] =	ssyncadd.s32 $0xFFFFC000  }
0x11a: {  	[tilespmem:s18], [sflag:$0x1] =	stream.indirect.gather [hbm4b:s4+s16], $0x80, s20, s16, $0xb8;
	[tilespmem:$0x1C800] =	vst v63  }
0x11b: {  	_ = 	snop  }
0x11c: {  	[spmem:s2] =	stream.indirect.scatter.add.f32 [tilespmem:s13], [sflag:$0x2], $0x80, s21, s16, $0xb8;
	[tilespmem:$0x1C800] =	vst v63  }
0x11d: {  	_ =	swait.ge [sflag:s14], $0x4000  }
0x11e: {  	[sflag:s14] =	ssyncset.done $0x0  }
0x11f: {  	[sflag:s14] =	ssyncadd.s32 $0xFFFFC000  }
0x120: {  	_ =	swait.ge [sflag:s17], $0x4000  }
0x121: {  	[sflag:s17] =	ssyncset.done $0x0  }
0x122: {  	[sflag:s17] =	ssyncadd.s32 $0xFFFFC000  }
0x123: {  	[spmem:s2] =	stream.indirect.scatter.add.f32 [tilespmem:s18], [sflag:$0x2], $0x80, s22, s16, $0xb8;
	[tilespmem:$0x1C800] =	vst v63  }
0x124: {  	_ =	swait.ge [sflag:s14], $0x4000  }
0x125: {  	[sflag:s14] =	ssyncset.done $0x0  }
0x126: {  	[sflag:s14] =	ssyncadd.s32 $0xFFFFC000  }
0x127: {  	[bflag:$0x0] =	sbarrier.arrive $0xFFFF  }
0x128: {  	s24 =	rddreg [dreg:$0x4]  }
0x129: {  	[tilespmem:s13], [sflag:$0x2] =	stream.linear.gather [spmem:s24], $0x4000, $0x38;
	[tilespmem:$0x1C800] =	vst v63  }
0x12a: {  	_ =	swait.ge [sflag:s14], $0x4000  }
0x12b: {  	[sflag:s14] =	ssyncset.done $0x0  }
0x12c: {  	s6 =	rddreg [dreg:$0x9];
	[sflag:s14] =	ssyncadd.s32 $0xFFFFC000  }
0x12d: {  	[hbm4b:s6+s3] =	stream.linear.scatter [tilespmem:s13], [sflag:$0x2], $0x4000, $0x38;
	[tilespmem:$0x1C800] =	vst v63  }
0x12e: {  	_ =	swait.ge [sflag:s14], $0x4000  }
0x12f: {  	[sflag:s14] =	ssyncset.done $0x0  }
0x130: {  	s7 =	rddreg [dreg:$0x5];
	[sflag:s14] =	ssyncadd.s32 $0xFFFFC000  }
0x131: {  	[tilespmem:s13], [sflag:$0x2] =	stream.linear.gather [spmem:s7], $0x4000, $0x38;
	[tilespmem:$0x1C800] =	vst v63  }
0x132: {  	_ =	swait.ge [sflag:s14], $0x4000  }
0x133: {  	[sflag:s14] =	ssyncset.done $0x0  }
0x134: {  	s8 =	rddreg [dreg:$0xa];
	[sflag:s14] =	ssyncadd.s32 $0xFFFFC000  }
0x135: {  	[hbm4b:s8+s3] =	stream.linear.scatter [tilespmem:s13], [sflag:$0x2], $0x4000, $0x38;
	[tilespmem:$0x1C800] =	vst v63  }
0x136: {  	_ =	swait.ge [sflag:s14], $0x4000  }
0x137: {  	[sflag:s14] =	ssyncset.done $0x0  }
0x138: {  	[sflag:s14] =	ssyncadd.s32 $0xFFFFC000  }
0x139: {  	[tilespmem:s13], [sflag:$0x2] =	stream.linear.gather [spmem:s9], $0x4000, $0x38;
	[tilespmem:$0x1C800] =	vst v63  }
0x13a: {  	_ =	swait.ge [sflag:s14], $0x4000  }
0x13b: {  	[sflag:s14] =	ssyncset.done $0x0  }
0x13c: {  	s7 =	smov.u32 s9;
	s9 =	rddreg [dreg:$0xb];
	[sflag:s14] =	ssyncadd.s32 $0xFFFFC000  }
0x13d: {  	[hbm4b:s9+s3] =	stream.linear.scatter [tilespmem:s13], [sflag:$0x2], $0x4000, $0x38;
	[tilespmem:$0x1C800] =	vst v63  }
0x13e: {  	_ =	swait.ge [sflag:s14], $0x4000  }
0x13f: {  	[sflag:s14] =	ssyncset.done $0x0  }
0x140: {  	s8 =	rddreg [dreg:$0x6];
	[sflag:s14] =	ssyncadd.s32 $0xFFFFC000  }
0x141: {  	[tilespmem:s13], [sflag:$0x2] =	stream.linear.gather [spmem:s8], $0x4000, $0x38;
	[tilespmem:$0x1C800] =	vst v63  }
0x142: {  	_ =	swait.ge [sflag:s14], $0x4000  }
0x143: {  	[sflag:s14] =	ssyncset.done $0x0  }
0x144: {  	s24 =	rddreg [dreg:$0xc];
	[sflag:s14] =	ssyncadd.s32 $0xFFFFC000  }
0x145: {  	[hbm4b:s24+s3] =	stream.linear.scatter [tilespmem:s13], [sflag:$0x2], $0x4000, $0x38;
	[tilespmem:$0x1C800] =	vst v63  }
0x146: {  	_ =	swait.ge [sflag:s14], $0x4000  }
0x147: {  	[sflag:s14] =	ssyncset.done $0x0  }
0x148: {  	s6 =	rddreg [dreg:$0x7];
	[sflag:s14] =	ssyncadd.s32 $0xFFFFC000  }
0x149: {  	[tilespmem:s13], [sflag:$0x2] =	stream.linear.gather [spmem:s6], $0x4000, $0x38;
	[tilespmem:$0x1C800] =	vst v63  }
0x14a: {  	_ =	swait.ge [sflag:s14], $0x4000  }
0x14b: {  	[sflag:s14] =	ssyncset.done $0x0  }
0x14c: {  	s9 =	rddreg [dreg:$0xd];
	[sflag:s14] =	ssyncadd.s32 $0xFFFFC000  }
0x14d: {  	[hbm4b:s9+s3] =	stream.linear.scatter [tilespmem:s13], [sflag:$0x2], $0x4000, $0x38;
	[tilespmem:$0x1C800] =	vst v63  }
0x14e: {  	_ =	swait.ge [sflag:s14], $0x4000  }
0x14f: {  	s23 =	sadd.s32 $0x1, s23;
	s24 =	rddreg [dreg:$0x8]  }
0x150: {  	p0 =	sne.s32 s23, s24  }
.Ltmp2:
0x151: {  	_ = 	snop;
	(pc) =	sbr.rel @p0 .LBB2_1-.Ltmp2, $3  }
0x152: {  	_ =	sdelay $0x1  }
0x153: {  	[sflag:s14] =	ssyncset.done $0x0  }
0x154: {  	[sflag:s14] =	ssyncadd.s32 $0xFFFFC000  }
0x155: {  	_ =	sfence.sel $0x180000  }
0x156: {  	[bflag:$0x0] =	sbarrier.arrive $0xFFFF  }
0x157: {  	_ =	strace $0x90000047  }
0x158: {  	s0 =	stileid.u32;
	[bflag:$0x2] =	sbarrier.arrive $0xFFFF  }
0x159: {  	p0 =	sne.s32 s0, $0x0;
	s0 =	rddreg [dreg:$0x3]  }
0x15a: {  	s0 =	sadd.s32 @!p0 $0x100000, s0  }
0x15b: {  	[sflag:s0] =	ssyncadd.tile.s32 @!p0 $0x1;
	_ =	shalt  }
.Lfunc_end2:
_tile_overlayer_lowered:
.L_overlay_start_2:
0x15c: {  	(tag) =	ssettag $0x2  }
0x15d: {  	s0 =	rddreg [dreg:$0x0];
	s2 =	stileid.u32  }
0x15e: {  	s1 =	rddreg [dreg:$0x1];
	p0 =	sne.s32 s2, $0x0  }
0x15f: {  	s3 =	rddreg [dreg:$0x2];
	[bflag:$0x3] =	sbarrier.arrive $0xFFFF;
	s2 =	simm.s32 @!p0 $0x1C02  }
0x160: {  	[timem:s3], [sflag:s2] =	dma.local @!p0 [hbm:s0], s1  }
0x161: {  	s0 =	simm.s32 @!p0 $0x2  }
0x162: {  	_ =	swait.ge @!p0 [sflag:s0], s1  }
0x163: {  	s1 =	ssub.s32 @!p0 $0x0, s1;
	[sflag:s0] =	ssyncset.done @!p0 $0x0  }
0x164: {  	[sflag:s0] =	ssyncadd.s32 @!p0 s1  }
0x165: {  	[bflag:$0x3] =	sbarrier.arrive $0xFFFF  }
0x166: {  	_ =	shalt  }

// kernel: kernel.14.cloned.1.call-start
scs
__scs_entry_jumppad:
0x0: {  	(pc) =	sbr.rel $0x88, $3  }
0x1: {  	(tag) =	ssettag $0x0;
	lr =	simm.s32 $0x1  }
0x2: {  	[smem:$0x3F8C] =	sst lr;
	_ =	strace $0xD0000000  }
0x3: {  	_ = 	snop  }
0x4: {  	_ = 	snop  }
0x5: {  	_ = 	snop  }
0x6: {  	_ = 	snop  }
0x7: {  	_ = 	snop  }
__scs_overlays_trampoline_lowered:
0x8: {  	[smem:$0x3F9B] =	sst s0  }
0x9: {  	[smem:$0x3F9C] =	sst s1  }
0xa: {  	[smem:$0x3F9D] =	sst s2  }
0xb: {  	[smem:$0x3F9E] =	sst s3  }
0xc: {  	[smem:$0x3F9F] =	sst s4  }
0xd: {  	[smem:$0x3FA0] =	sst s5  }
0xe: {  	[smem:$0x3FA1] =	sst s6  }
0xf: {  	[smem:$0x3FA2] =	sst s7  }
0x10: {  	[smem:$0x3FA3] =	sst s8  }
0x11: {  	[smem:$0x3FA4] =	sst s9;
	s0 =	simm.s32 @!p0 $0x0  }
0x12: {  	s1 =	sld [smem:$0x3F8A];
	s0 =	simm.s32 @p0 $0x1  }
0x13: {  	[smem:$0x3FA5] =	sst s0;
	s0 =	simm.s32 @!p1 $0x0  }
0x14: {  	s2 =	sld [smem:$0x3F89];
	s0 =	simm.s32 @p1 $0x1  }
0x15: {  	[smem:$0x3FA6] =	sst s0;
	s0 =	simm.s32 @!p2 $0x0  }
0x16: {  	s3 =	sld [smem:$0x3FDB];
	s0 =	simm.s32 @p2 $0x1  }
0x17: {  	s4 =	simm.s32 $0x1BF5;
	[smem:$0x3FA8] =	sst s0  }
0x18: {  	s0 =	sld [smem:$0x3F8B];
	_ =	swait.ge [sflag:s4], $0x0  }
0x19: {  	s7 =	sld [smem:$0x3F8C]  }
0x1a: {  	s8 =	sadd.s32 $0xFFFFE003, lr  }
0x1b: {  	s9 =	sadd.s32 $0xFFFFFEF7, lr;
	s5 =	simm.s32 $0xFFFFFFFF;
	p2 =	slt.u32 s8, $0xFFFFF086  }
0x1c: {  	p1 =	slt.u32 s9, $0xF7A;
	s5 =	simm.s32 @!p2 $0x0  }
0x1d: {  	s5 =	simm.s32 @p1 $0x1;
	p0 =	seq.s32 s7, s2  }
0x1e: {  	s7 =	smul.u32 @!p0 $0xF7A, s2;
	p2 =	seq.s32 @!p0 s5, $0x0  }
0x1f: {  	s9 =	smul.u32 $0xF7A, s1;
	s8 =	simm.s32 @!p0 $0x1BF5;
	p2 =	por !p2, p0  }
0x20: {  	[sflag:s8] =	ssyncset.s32 @!p0 $0xFFFFF086;
	s6 =	sadd.s32 @!p0 s3, s7;
	s7 =	simm.s32 @!p0 $0x108  }
0x21: {  	s3 =	sadd.s32 s3, s9;
	s6 =	sadd.s32 @!p0 $0x88, s6;
	s7 =	simm.s32 @p2 $0x1082  }
0x22: {  	[simem:s7], [sflag:s8] =	dma.local @!p0 [hbm:s6], $0xF7A  }
0x23: {  	s9 =	sor.u32 $0xD0000000, s2;
	s6 =	simm.s32 $0x108;
	_ =	swait.ge @!p0 [sflag:s8], $0x0  }
0x24: {  	s3 =	sadd.s32 $0x88, s3;
	s6 =	simm.s32 @!p1 $0x1082;
	[sflag:s4] =	ssyncset.s32 $0xFFFFF086  }
0x25: {  	[simem:s6], [sflag:s4] =	dma.local [hbm:s3], $0xF7A  }
0x26: {  	[smem:$0x3F8C] =	sst s1;
	(tag) =	ssettag s2;
	_ =	strace s9  }
0x27: {  	s1 =	sld [smem:$0x3F9C]  }
0x28: {  	s2 =	sld [smem:$0x3F9D]  }
0x29: {  	s4 =	sld [smem:$0x3F9F]  }
0x2a: {  	p0 =	seq.s32 s5, $0x0;
	s5 =	sld [smem:$0x3FA0]  }
0x2b: {  	s6 =	sld [smem:$0x3FA1]  }
0x2c: {  	s7 =	sld [smem:$0x3FA2]  }
0x2d: {  	s3 =	simm.s32 $0x108;
	s8 =	sld [smem:$0x3FA3]  }
0x2e: {  	s3 =	simm.s32 @!p0 $0x1082;
	s9 =	sld [smem:$0x3FA4]  }
0x2f: {  	lr =	sadd.s32 s0, s3;
	s0 =	sld [smem:$0x3F9B]  }
0x30: {  	s3 =	sld [smem:$0x3F9E]  }
0x31: {  	[smem:$0x3FA7] =	sst s10  }
0x32: {  	s10 =	sld [smem:$0x3FA5];
	_ =	sdelay $0x3  }
0x33: {  	p0 =	seq.s32 s10, $0x1;
	s10 =	sld [smem:$0x3FA7];
	_ =	sdelay $0x3  }
0x34: {  	[smem:$0x3FA7] =	sst s10  }
0x35: {  	s10 =	sld [smem:$0x3FA6];
	_ =	sdelay $0x3  }
0x36: {  	p1 =	seq.s32 s10, $0x1;
	s10 =	sld [smem:$0x3FA7];
	_ =	sdelay $0x3  }
0x37: {  	[smem:$0x3FA7] =	sst s10  }
0x38: {  	s10 =	sld [smem:$0x3FA8]  }
0x39: {  	_ = 	snop;
	(pc) =	sbr.ind lr, $3  }
0x3a: {  	_ = 	snop  }
0x3b: {  	_ = 	snop  }
0x3c: {  	p2 =	seq.s32 s10, $0x1;
	s10 =	sld [smem:$0x3FA7]  }
0x3d: {  	_ =	shalt  }
0x3e: {  	_ =	shalt  }
0x3f: {  	_ =	shalt  }
0x40: {  	_ =	shalt  }
0x41: {  	_ =	shalt  }
0x42: {  	_ =	shalt  }
0x43: {  	_ =	shalt  }
0x44: {  	_ =	shalt  }
0x45: {  	_ =	shalt  }
0x46: {  	_ =	shalt  }
0x47: {  	_ =	shalt  }
0x48: {  	_ =	shalt  }
0x49: {  	_ =	shalt  }
0x4a: {  	_ =	shalt  }
0x4b: {  	_ =	shalt  }
0x4c: {  	_ =	shalt  }
0x4d: {  	_ =	shalt  }
0x4e: {  	_ =	shalt  }
0x4f: {  	_ =	shalt  }
0x50: {  	_ =	shalt  }
0x51: {  	_ =	shalt  }
0x52: {  	_ =	shalt  }
0x53: {  	_ =	shalt  }
0x54: {  	_ =	shalt  }
0x55: {  	_ =	shalt  }
0x56: {  	_ =	shalt  }
0x57: {  	_ =	shalt  }
0x58: {  	_ =	shalt  }
0x59: {  	_ =	shalt  }
0x5a: {  	_ =	shalt  }
0x5b: {  	_ =	shalt  }
0x5c: {  	_ =	shalt  }
0x5d: {  	_ =	shalt  }
0x5e: {  	_ =	shalt  }
0x5f: {  	_ =	shalt  }
0x60: {  	_ =	shalt  }
0x61: {  	_ =	shalt  }
0x62: {  	_ =	shalt  }
0x63: {  	_ =	shalt  }
0x64: {  	_ =	shalt  }
0x65: {  	_ =	shalt  }
0x66: {  	_ =	shalt  }
0x67: {  	_ =	shalt  }
0x68: {  	_ =	shalt  }
0x69: {  	_ =	shalt  }
0x6a: {  	_ =	shalt  }
0x6b: {  	_ =	shalt  }
0x6c: {  	_ =	shalt  }
0x6d: {  	_ =	shalt  }
0x6e: {  	_ =	shalt  }
0x6f: {  	_ =	shalt  }
0x70: {  	_ =	shalt  }
0x71: {  	_ =	shalt  }
0x72: {  	_ =	shalt  }
0x73: {  	_ =	shalt  }
0x74: {  	_ =	shalt  }
0x75: {  	_ =	shalt  }
0x76: {  	_ =	shalt  }
0x77: {  	_ =	shalt  }
0x78: {  	_ =	shalt  }
0x79: {  	_ =	shalt  }
0x7a: {  	_ =	shalt  }
0x7b: {  	_ =	shalt  }
0x7c: {  	_ =	shalt  }
0x7d: {  	_ =	shalt  }
0x7e: {  	_ =	shalt  }
0x7f: {  	_ =	shalt  }
0x80: {  	_ =	shalt  }
0x81: {  	_ =	shalt  }
0x82: {  	_ =	shalt  }
0x83: {  	_ =	shalt  }
0x84: {  	_ =	shalt  }
0x85: {  	_ =	shalt  }
0x86: {  	_ =	shalt  }
0x87: {  	_ =	shalt  }
.Lfunc_end0:
.L_simem_size_0:
called_computation.2_lowered:
.L_overlay_start_0:
0x88: {  	s2 =	sld [smem:$0x3FD9]  }
0x89: {  	s3 =	sld [smem:$0x3FFE];
	_ =	sdelay $0x1  }
0x8a: {  	s1 =	srdreg.scid  }
0x8b: {  	s0 =	sand.u32 $0x1, s1  }
0x8c: {  	s17 =	sshll.u32 s0, $0xA;
	s2 =	sadd.s32 s3, s2  }
0x8d: {  	s2 =	sadd.s32 s2, s17  }
0x8e: {  	[smem:$0x3FB3] =	sst s2  }
0x8f: {  	_ = 	snop  }
0x90: {  	s2 =	sld [smem:$0x3FD0];
	(tm) =	ssettm $0x1  }
0x91: {  	s18 =	sld [smem:$0x3FFB];
	_ =	sdelay $0x3  }
0x92: {  	_ =	strace s18  }
0x93: {  	s3 =	sld [smem:$0x3FFC];
	_ =	sdelay $0x3  }
0x94: {  	_ =	strace s3  }
0x95: {  	s3 =	sld [smem:$0x3FFD];
	_ =	sdelay $0x3  }
0x96: {  	_ =	strace s3  }
0x97: {  	_ =	strace $0x8FFFFFFF  }
0x98: {  	s19 =	sld [smem:$0x3FDB];
	_ =	sdelay $0x1  }
0x99: {  	s4 =	simm.s32 $_scs_section_size  }
0x9a: {  	s5 =	simm.s32 $_size__tile_overlayer_lowered;
	s6 =	simm.s32 $_tile_overlayer_lowered  }
0x9b: {  	s22 =	simm.s32 $0x1BFF;
	s21 =	sshll.u32 s6, $0x1;
	s3 =	sadd.s32 s4, s19  }
0x9c: {  	s7 =	simm.s32 $0x0;
	s20 =	sshll.u32 s5, $0x1;
	s5 =	sadd.s32 s21, s3  }
0x9d: {  	[timem:s7], [sflag:s22] =	dma.local [hbm:s5], s20  }
0x9e: {  	_ =	swait.ge [sflag:s22], s20  }
0x9f: {  	s4 =	ssub.s32 $0x0, s20;
	[sflag:s22] =	ssyncset.done $0x0  }
0xa0: {  	[sflag:s22] =	ssyncadd.s32 s4;
	_ =	sdelay $0x1  }
0xa1: {  	s23 =	simm.s32 $0x1B8B  }
0xa2: {  	_ =	swait.ge [sflag:s23], $0x1  }
0xa3: {  	[sflag:s23] =	ssyncset.done $0x0  }
0xa4: {  	s25 =	simm.s32 $0x1B8E;
	s24 =	sld [smem:$0x3FFE];
	[sflag:s23] =	ssyncadd.s32 $0xFFFFFFFF  }
0xa5: {  	s26 =	simm.s32 $execute0_lowered;
	[smem:$0x3FD2] =	sst s25  }
0xa6: {  	s5 =	sshll.u32 s26, $0x1;
	_ =	strace $0x8000004C;
	[dreg:$0x1] =	wrdreg $0xFFFFFFFF  }
0xa7: {  	s28 =	simm.s32 $_size_execute0_lowered;
	s3 =	sadd.s32 s3, s5;
	[dreg:$0x0] =	wrdreg $0x0  }
0xa8: {  	s5 =	sshll.u32 s28, $0x1;
	[dreg:$0x2] =	wrdreg s3  }
0xa9: {  	[dreg:$0x3] =	wrdreg s5  }
0xaa: {  	[dreg:$0x4] =	wrdreg $0xC0  }
0xab: {  	_ =	task [dreg:s7], $0x5FFFF  }
0xac: {  	[dreg:$0x1] =	wrdreg $0xFFFFFFFF  }
0xad: {  	[dreg:$0x0] =	wrdreg $0x60  }
0xae: {  	[dreg:$0x2] =	wrdreg s24  }
0xaf: {  	[dreg:$0x3] =	wrdreg s2  }
0xb0: {  	[dreg:$0x4] =	wrdreg $0x88000  }
0xb1: {  	[dreg:$0x5] =	wrdreg $0x9  }
0xb2: {  	_ =	task.clear_ibuf [dreg:s7], $0x6FFFF;
	_ =	strace $0x9000004C  }
0xb3: {  	s29 =	simm.s32 $0x9;
	_ =	strace $0x8000004E  }
0xb4: {  	_ =	swait.ge [sflag:s29], $0x1  }
0xb5: {  	[sflag:s29] =	ssyncadd.s32 $0xFFFFFFFF  }
0xb6: {  	_ =	strace $0x9000004E  }
0xb7: {  	_ =	sfence  }
0xb8: {  	s30 =	sld [smem:$0x0];
	_ =	sdelay $0x2  }
0xb9: {  	s31 =	sshll.u32 s1, $0xD;
	s1 =	sshrl.u32 s1, $0x2  }
0xba: {  	s3 =	sand.u32 $0x4000, s31;
	s1 =	sadd.s32 s1, s30  }
0xbb: {  	s0 =	sor.u32 s3, s0;
	s1 =	sshll.u32 s1, $0x11  }
0xbc: {  	s0 =	sor.u32 s1, s0  }
0xbd: {  	s0 =	sadd.s32 $0x8F2B, s0  }
0xbe: {  	[sflag:s0] =	ssyncadd.remote.s32 $0x1  }
0xbf: {  	_ =	sfence.sel $0xFFFF  }
0xc0: {  	[dreg:$0x0] =	wrdreg $0xFFFFFFFF;
	(pc) =	sbr.abs _section_cstart, $3  }
0xc1: {  	[dreg:$0x1] =	wrdreg $0xFFFFFFFF  }
0xc2: {  	_ =	task.clear_ibuf [dreg:s7], $0x2FFFF;
	_ =	strace $0x9FFFFFFF  }
0xc3: {  	(tm) =	ssettm $0x7FFFFFFF  }
tec
execute0_lowered:
.L_overlay_start_1:
0x0: {  	(tag) =	ssettag $0x1  }
0x1: {  	s0 =	rddreg [dreg:$0x0];
	s1 =	srdreg.scid  }
0x2: {  	s16 =	stileid.u32;
	s5 =	rddreg [dreg:$0x1]  }
0x3: {  	s2 =	rddreg [dreg:$0x2];
	s17 =	simm.s32 $0x1;
	s18 =	simm.s32 $0x4800  }
0x4: {  	s19 =	simm.s32 $0x100;
	s28 =	simm.s32 $0x500;
	s29 =	simm.s32 $0x200  }
0x5: {  	s30 =	simm.s32 $0x580;
	s31 =	simm.s32 $0x280;
	s8 =	smul.u32 $0x280, s16  }
0x6: {  	s1 =	sand.u32 $0x1, s1;
	s3 =	sshll.u32 s16, $0x1;
	s9 =	smul.u32 $0x50000, s16  }
0x7: {  	s4 =	sor.u32 s1, s3;
	s3 =	simm.s32 $0x0;
	s7 =	smul.u32 $0x28000, s1  }
0x8: {  	s1 =	ssub.s32 $0x2, s1;
	s6 =	smul.u32 $0x500, s4;
	[smem:$0x7FF] =	sst s3  }
0x9: {  	s4 =	sadd.s32 $0xEA00, s0;
	s20 =	sshrl.u32 s1, $0x1;
	s12 =	sadd.s32 $0x80, s8  }
0xa: {  	s21 =	sshrl.u32 s9, $0x2;
	s13 =	sadd.s32 $0x100, s8;
	s14 =	sadd.s32 $0x180, s8  }
0xb: {  	s15 =	sadd.s32 $0x200, s8;
	_ =	strace $0x8000004D;
	s1 =	ssub.s32 s1, s20  }
0xc: {  	s22 =	sshll.u32 s12, $0x7;
	s24 =	sshll.u32 s13, $0x7;
	s25 =	sshll.u32 s14, $0x7  }
0xd: {  	s26 =	sshll.u32 s15, $0x7;
	s12 =	sshll.u32 s12, $0x4;
	s20 =	sshll.u32 s14, $0x4  }
0xe: {  	s14 =	simm.s32 $0x2;
	s11 =	sadd.s32 s6, s0;
	s0 =	sadd.s32 s7, s0  }
0xf: {  	s7 =	sadd.s32 s21, s2;
	s23 =	sadd.s32 s22, s2;
	s8 =	sadd.s32 s25, s2  }
0x10: {  	s9 =	sadd.s32 s26, s2;
	s10 =	sadd.s32 s5, s6;
	s22 =	sshll.u32 s13, $0x4  }
0x11: {  	s21 =	sshll.u32 s15, $0x4;
	s1 =	smax.u32 s1, $0x1;
	[dreg:$0x4] =	wrdreg s7  }
0x12: {  	s13 =	simm.s32 $0x800;
	s15 =	simm.s32 $0x400;
	[dreg:$0x5] =	wrdreg s23  }
0x13: {  	s7 =	sadd.s32 s24, s2;
	[dreg:$0x7] =	wrdreg s9;
	s11 =	sadd.s32 $0x4A00, s11  }
0x14: {  	s0 =	sadd.s32 $0x36A00, s0;
	s9 =	smul.u32 $0x2800, s16;
	[dreg:$0x8] =	wrdreg s1  }
0x15: {  	s16 =	simm.s32 $0x80;
	s1 =	simm.s32 $0x600;
	[dreg:$0x6] =	wrdreg s8  }
0x16: {  	s24 =	sadd.s32 s12, s0;
	s25 =	sadd.s32 s22, s0;
	s26 =	sadd.s32 s20, s0  }
0x17: {  	s12 =	simm.s32 $0x680;
	s20 =	simm.s32 $0x380;
	[dreg:$0xa] =	wrdreg s24  }
0x18: {  	s22 =	simm.s32 $0x780;
	s23 =	sadd.s32 s9, s0;
	[dreg:$0xb] =	wrdreg s25  }
0x19: {  	[dreg:$0xc] =	wrdreg s26;
	s0 =	sadd.s32 s21, s0;
	s25 =	simm.s32 $0x480  }
0x1a: {  	s26 =	simm.s32 $0x180;
	s21 =	simm.s32 $0x700;
	[dreg:$0x9] =	wrdreg s23  }
0x1b: {  	v0 =	vimm.f32 $0.0e+00;
	[dreg:$0xd] =	wrdreg s0;
	s0 =	simm.s32 $0x300;
	s23 =	simm.s32 $0x0  }
.LBB2_1:
0x1c: {  	s5 =	simm.s32 $0x0;
	s24 =	simm.s32 $0x200  }
.LBB2_2:
0x1d: {  	p0 =	sne.s32 s24, $0xFE00;
	[tilespmem:s5+$0x870] =	vst v0  }
0x1e: {  	[tilespmem:s5+$0x800] =	vst v0  }
0x1f: {  	[tilespmem:s5+$0x810] =	vst v0  }
.Ltmp0:
0x20: {  	[tilespmem:s5+$0x820] =	vst v0;
	(pc) =	sbr.rel @p0 .LBB2_2-.Ltmp0, $4  }
0x21: {  	[tilespmem:s5+$0x830] =	vst v0  }
0x22: {  	[tilespmem:s5+$0x840] =	vst v0  }
0x23: {  	[tilespmem:s5+$0x850] =	vst v0  }
0x24: {  	[tilespmem:s5+$0x860] =	vst v0;
	s5 =	sshra.s32 s24, $0x2;
	s24 =	sadd.s32 $0x200, s24  }
0x25: {  	[tilespmem:s5+$0x870] =	vst v0  }
0x26: {  	[tilespmem:s5+$0x800] =	vst v0  }
0x27: {  	[tilespmem:s5+$0x810] =	vst v0  }
0x28: {  	[tilespmem:s5+$0x820] =	vst v0  }
0x29: {  	[tilespmem:s5+$0x830] =	vst v0  }
0x2a: {  	[tilespmem:s5+$0x840] =	vst v0  }
0x2b: {  	[tilespmem:s5+$0x850] =	vst v0  }
0x2c: {  	[tilespmem:s5+$0x860] =	vst v0;
	s24 =	rddreg [dreg:$0x4]  }
0x2d: {  	[spmem:s24] =	stream.linear.scatter [tilespmem:s13], [sflag:$0x2], $0x4000, $0x38;
	[tilespmem:$0x1C800] =	vst v63  }
0x2e: {  	_ =	swait.ge [sflag:s14], $0x4000  }
0x2f: {  	[sflag:s14] =	ssyncset.done $0x0  }
0x30: {  	s6 =	rddreg [dreg:$0x5];
	[sflag:s14] =	ssyncadd.s32 $0xFFFFC000  }
0x31: {  	[spmem:s6] =	stream.linear.scatter [tilespmem:s13], [sflag:$0x2], $0x4000, $0x38;
	[tilespmem:$0x1C800] =	vst v63  }
0x32: {  	_ =	swait.ge [sflag:s14], $0x4000  }
0x33: {  	[sflag:s14] =	ssyncset.done $0x0  }
0x34: {  	[sflag:s14] =	ssyncadd.s32 $0xFFFFC000  }
0x35: {  	[spmem:s7] =	stream.linear.scatter [tilespmem:s13], [sflag:$0x2], $0x4000, $0x38;
	[tilespmem:$0x1C800] =	vst v63  }
0x36: {  	_ =	swait.ge [sflag:s14], $0x4000  }
0x37: {  	[sflag:s14] =	ssyncset.done $0x0  }
0x38: {  	[sflag:s14] =	ssyncadd.s32 $0xFFFFC000  }
0x39: {  	[spmem:s8] =	stream.linear.scatter [tilespmem:s13], [sflag:$0x2], $0x4000, $0x38;
	[tilespmem:$0x1C800] =	vst v63  }
0x3a: {  	_ =	swait.ge [sflag:s14], $0x4000  }
0x3b: {  	[sflag:s14] =	ssyncset.done $0x0  }
0x3c: {  	s9 =	smov.u32 s7;
	s7 =	rddreg [dreg:$0x7];
	[sflag:s14] =	ssyncadd.s32 $0xFFFFC000  }
0x3d: {  	[spmem:s7] =	stream.linear.scatter [tilespmem:s13], [sflag:$0x2], $0x4000, $0x38;
	[tilespmem:$0x1C800] =	vst v63  }
0x3e: {  	_ =	swait.ge [sflag:s14], $0x4000  }
0x3f: {  	[sflag:s14] =	ssyncset.done $0x0  }
0x40: {  	[sflag:s14] =	ssyncadd.s32 $0xFFFFC000  }
0x41: {  	s8 =	sadd.s32 $0x0, s10;
	[bflag:$0x0] =	sbarrier.arrive $0xFFFF  }
0x42: {  	[tilespmem:s3], [sflag:$0x2] =	stream.linear.gather [hbm4b:s8+s3], $0x400, $0x38;
	[tilespmem:$0x1C800] =	vst v63  }
0x43: {  	_ =	swait.ge [sflag:s14], $0x400  }
0x44: {  	[sflag:s14] =	ssyncset.done $0x0  }
0x45: {  	s24 =	sadd.s32 $0x0, s11;
	[sflag:s14] =	ssyncadd.s32 $0xFFFFFC00  }
0x46: {  	[tilespmem:s15], [sflag:$0x2] =	stream.linear.gather [hbm4b:s24+s3], $0x400, $0x38;
	[tilespmem:$0x1C800] =	vst v63  }
0x47: {  	_ =	swait.ge [sflag:s14], $0x400  }
0x48: {  	[sflag:s14] =	ssyncset.done $0x0  }
0x49: {  	[sflag:s14] =	ssyncadd.s32 $0xFFFFFC00  }
0x4a: {  	[tilespmem:s13], [sflag:$0x1] =	stream.indirect.gather [hbm4b:s4+s16], $0x80, s3, s16, $0xb8;
	[tilespmem:$0x1C800] =	vst v63  }
0x4b: {  	_ =	swait.ge [sflag:s17], $0x4000  }
0x4c: {  	[sflag:s17] =	ssyncset.done $0x0  }
0x4d: {  	[sflag:s17] =	ssyncadd.s32 $0xFFFFC000  }
0x4e: {  	[tilespmem:s18], [sflag:$0x1] =	stream.indirect.gather [hbm4b:s4+s16], $0x80, s16, s16, $0xb8;
	[tilespmem:$0x1C800] =	vst v63  }
0x4f: {  	_ = 	snop  }
0x50: {  	[spmem:s2] =	stream.indirect.scatter.add.f32 [tilespmem:s13], [sflag:$0x2], $0x80, s15, s16, $0xb8;
	[tilespmem:$0x1C800] =	vst v63  }
0x51: {  	_ =	swait.ge [sflag:s14], $0x4000  }
0x52: {  	[sflag:s14] =	ssyncset.done $0x0  }
0x53: {  	[sflag:s14] =	ssyncadd.s32 $0xFFFFC000  }
0x54: {  	[tilespmem:s13], [sflag:$0x1] =	stream.indirect.gather [hbm4b:s4+s16], $0x80, s19, s16, $0xb8;
	[tilespmem:$0x1C800] =	vst v63  }
0x55: {  	_ =	swait.ge [sflag:s17], $0x4000  }
0x56: {  	[sflag:s17] =	ssyncset.done $0x0  }
0x57: {  	[sflag:s17] =	ssyncadd.s32 $0xFFFFC000  }
0x58: {  	[spmem:s2] =	stream.indirect.scatter.add.f32 [tilespmem:s18], [sflag:$0x2], $0x80, s25, s16, $0xb8;
	[tilespmem:$0x1C800] =	vst v63  }
0x59: {  	_ =	swait.ge [sflag:s14], $0x4000  }
0x5a: {  	[sflag:s14] =	ssyncset.done $0x0  }
0x5b: {  	[sflag:s14] =	ssyncadd.s32 $0xFFFFC000  }
0x5c: {  	_ =	swait.ge [sflag:s17], $0x4000  }
0x5d: {  	[sflag:s17] =	ssyncset.done $0x0  }
0x5e: {  	[sflag:s17] =	ssyncadd.s32 $0xFFFFC000  }
0x5f: {  	[tilespmem:s18], [sflag:$0x1] =	stream.indirect.gather [hbm4b:s4+s16], $0x80, s26, s16, $0xb8;
	[tilespmem:$0x1C800] =	vst v63  }
0x60: {  	_ = 	snop  }
0x61: {  	[spmem:s2] =	stream.indirect.scatter.add.f32 [tilespmem:s13], [sflag:$0x2], $0x80, s28, s16, $0xb8;
	[tilespmem:$0x1C800] =	vst v63  }
0x62: {  	_ =	swait.ge [sflag:s14], $0x4000  }
0x63: {  	[sflag:s14] =	ssyncset.done $0x0  }
0x64: {  	[sflag:s14] =	ssyncadd.s32 $0xFFFFC000  }
0x65: {  	[tilespmem:s13], [sflag:$0x1] =	stream.indirect.gather [hbm4b:s4+s16], $0x80, s29, s16, $0xb8;
	[tilespmem:$0x1C800] =	vst v63  }
0x66: {  	_ =	swait.ge [sflag:s17], $0x4000  }
0x67: {  	[sflag:s17] =	ssyncset.done $0x0  }
0x68: {  	[sflag:s17] =	ssyncadd.s32 $0xFFFFC000  }
0x69: {  	[spmem:s2] =	stream.indirect.scatter.add.f32 [tilespmem:s18], [sflag:$0x2], $0x80, s30, s16, $0xb8;
	[tilespmem:$0x1C800] =	vst v63  }
0x6a: {  	_ =	swait.ge [sflag:s14], $0x4000  }
0x6b: {  	[sflag:s14] =	ssyncset.done $0x0  }
0x6c: {  	[sflag:s14] =	ssyncadd.s32 $0xFFFFC000  }
0x6d: {  	_ =	swait.ge [sflag:s17], $0x4000  }
0x6e: {  	[sflag:s17] =	ssyncset.done $0x0  }
0x6f: {  	[sflag:s17] =	ssyncadd.s32 $0xFFFFC000  }
0x70: {  	[tilespmem:s18], [sflag:$0x1] =	stream.indirect.gather [hbm4b:s4+s16], $0x80, s31, s16, $0xb8;
	[tilespmem:$0x1C800] =	vst v63  }
0x71: {  	_ = 	snop  }
0x72: {  	[spmem:s2] =	stream.indirect.scatter.add.f32 [tilespmem:s13], [sflag:$0x2], $0x80, s1, s16, $0xb8;
	[tilespmem:$0x1C800] =	vst v63  }
0x73: {  	_ =	swait.ge [sflag:s14], $0x4000  }
0x74: {  	[sflag:s14] =	ssyncset.done $0x0  }
0x75: {  	[sflag:s14] =	ssyncadd.s32 $0xFFFFC000  }
0x76: {  	[tilespmem:s13], [sflag:$0x1] =	stream.indirect.gather [hbm4b:s4+s16], $0x80, s0, s16, $0xb8;
	[tilespmem:$0x1C800] =	vst v63  }
0x77: {  	_ =	swait.ge [sflag:s17], $0x4000  }
0x78: {  	[sflag:s17] =	ssyncset.done $0x0  }
0x79: {  	[sflag:s17] =	ssyncadd.s32 $0xFFFFC000  }
0x7a: {  	[spmem:s2] =	stream.indirect.scatter.add.f32 [tilespmem:s18], [sflag:$0x2], $0x80, s12, s16, $0xb8;
	[tilespmem:$0x1C800] =	vst v63  }
0x7b: {  	_ =	swait.ge [sflag:s14], $0x4000  }
0x7c: {  	[sflag:s14] =	ssyncset.done $0x0  }
0x7d: {  	[sflag:s14] =	ssyncadd.s32 $0xFFFFC000  }
0x7e: {  	_ =	swait.ge [sflag:s17], $0x4000  }
0x7f: {  	[sflag:s17] =	ssyncset.done $0x0  }
0x80: {  	[sflag:s17] =	ssyncadd.s32 $0xFFFFC000  }
0x81: {  	[tilespmem:s18], [sflag:$0x1] =	stream.indirect.gather [hbm4b:s4+s16], $0x80, s20, s16, $0xb8;
	[tilespmem:$0x1C800] =	vst v63  }
0x82: {  	_ = 	snop  }
0x83: {  	[spmem:s2] =	stream.indirect.scatter.add.f32 [tilespmem:s13], [sflag:$0x2], $0x80, s21, s16, $0xb8;
	[tilespmem:$0x1C800] =	vst v63  }
0x84: {  	_ =	swait.ge [sflag:s14], $0x4000  }
0x85: {  	[sflag:s14] =	ssyncset.done $0x0  }
0x86: {  	[sflag:s14] =	ssyncadd.s32 $0xFFFFC000  }
0x87: {  	_ =	swait.ge [sflag:s17], $0x4000  }
0x88: {  	[sflag:s17] =	ssyncset.done $0x0  }
0x89: {  	[sflag:s17] =	ssyncadd.s32 $0xFFFFC000  }
0x8a: {  	[spmem:s2] =	stream.indirect.scatter.add.f32 [tilespmem:s18], [sflag:$0x2], $0x80, s22, s16, $0xb8;
	[tilespmem:$0x1C800] =	vst v63  }
0x8b: {  	_ =	swait.ge [sflag:s14], $0x4000  }
0x8c: {  	s5 =	simm.s32 $0x100;
	s24 =	simm.s32 $0x80;
	[sflag:s14] =	ssyncset.done $0x0  }
.LBB2_4:
0x8d: {  	s7 =	sadd.s32 s24, s10  }
0x8e: {  	[sflag:s14] =	ssyncadd.s32 $0xFFFFC000;
	s8 =	smov.u32 s5;
	s6 =	sadd.s32 $0x80, s5  }
0x8f: {  	[tilespmem:s3], [sflag:$0x2] =	stream.linear.gather [hbm4b:s7+s3], $0x400, $0x38;
	[tilespmem:$0x1C800] =	vst v63  }
0x90: {  	p0 =	sne.s32 s5, $0x480;
	_ =	swait.ge [sflag:s14], $0x400  }
0x91: {  	[sflag:s14] =	ssyncset.done $0x0  }
0x92: {  	s5 =	sadd.s32 s24, s11;
	s24 =	smov.u32 s8;
	[sflag:s14] =	ssyncadd.s32 $0xFFFFFC00  }
0x93: {  	[tilespmem:s15], [sflag:$0x2] =	stream.linear.gather [hbm4b:s5+s3], $0x400, $0x38;
	[tilespmem:$0x1C800] =	vst v63  }
0x94: {  	_ =	swait.ge [sflag:s14], $0x400  }
0x95: {  	[sflag:s14] =	ssyncset.done $0x0  }
0x96: {  	[sflag:s14] =	ssyncadd.s32 $0xFFFFFC00  }
0x97: {  	[tilespmem:s13], [sflag:$0x1] =	stream.indirect.gather [hbm4b:s4+s16], $0x80, s3, s16, $0xb8;
	[tilespmem:$0x1C800] =	vst v63  }
0x98: {  	_ =	swait.ge [sflag:s17], $0x4000  }
0x99: {  	[sflag:s17] =	ssyncset.done $0x0  }
0x9a: {  	[sflag:s17] =	ssyncadd.s32 $0xFFFFC000  }
0x9b: {  	[tilespmem:s18], [sflag:$0x1] =	stream.indirect.gather [hbm4b:s4+s16], $0x80, s16, s16, $0xb8;
	[tilespmem:$0x1C800] =	vst v63  }
0x9c: {  	_ = 	snop  }
0x9d: {  	[spmem:s2] =	stream.indirect.scatter.add.f32 [tilespmem:s13], [sflag:$0x2], $0x80, s15, s16, $0xb8;
	[tilespmem:$0x1C800] =	vst v63  }
0x9e: {  	_ =	swait.ge [sflag:s14], $0x4000  }
0x9f: {  	[sflag:s14] =	ssyncset.done $0x0  }
0xa0: {  	[sflag:s14] =	ssyncadd.s32 $0xFFFFC000  }
0xa1: {  	[tilespmem:s13], [sflag:$0x1] =	stream.indirect.gather [hbm4b:s4+s16], $0x80, s19, s16, $0xb8;
	[tilespmem:$0x1C800] =	vst v63  }
0xa2: {  	_ =	swait.ge [sflag:s17], $0x4000  }
0xa3: {  	[sflag:s17] =	ssyncset.done $0x0  }
0xa4: {  	[sflag:s17] =	ssyncadd.s32 $0xFFFFC000  }
0xa5: {  	[spmem:s2] =	stream.indirect.scatter.add.f32 [tilespmem:s18], [sflag:$0x2], $0x80, s25, s16, $0xb8;
	[tilespmem:$0x1C800] =	vst v63  }
0xa6: {  	_ =	swait.ge [sflag:s14], $0x4000  }
0xa7: {  	[sflag:s14] =	ssyncset.done $0x0  }
0xa8: {  	[sflag:s14] =	ssyncadd.s32 $0xFFFFC000  }
0xa9: {  	_ =	swait.ge [sflag:s17], $0x4000  }
0xaa: {  	[sflag:s17] =	ssyncset.done $0x0  }
0xab: {  	[sflag:s17] =	ssyncadd.s32 $0xFFFFC000  }
0xac: {  	[tilespmem:s18], [sflag:$0x1] =	stream.indirect.gather [hbm4b:s4+s16], $0x80, s26, s16, $0xb8;
	[tilespmem:$0x1C800] =	vst v63  }
0xad: {  	_ = 	snop  }
0xae: {  	[spmem:s2] =	stream.indirect.scatter.add.f32 [tilespmem:s13], [sflag:$0x2], $0x80, s28, s16, $0xb8;
	[tilespmem:$0x1C800] =	vst v63  }
0xaf: {  	_ =	swait.ge [sflag:s14], $0x4000  }
0xb0: {  	[sflag:s14] =	ssyncset.done $0x0  }
0xb1: {  	[sflag:s14] =	ssyncadd.s32 $0xFFFFC000  }
0xb2: {  	[tilespmem:s13], [sflag:$0x1] =	stream.indirect.gather [hbm4b:s4+s16], $0x80, s29, s16, $0xb8;
	[tilespmem:$0x1C800] =	vst v63  }
0xb3: {  	_ =	swait.ge [sflag:s17], $0x4000  }
0xb4: {  	[sflag:s17] =	ssyncset.done $0x0  }
0xb5: {  	[sflag:s17] =	ssyncadd.s32 $0xFFFFC000  }
0xb6: {  	[spmem:s2] =	stream.indirect.scatter.add.f32 [tilespmem:s18], [sflag:$0x2], $0x80, s30, s16, $0xb8;
	[tilespmem:$0x1C800] =	vst v63  }
0xb7: {  	_ =	swait.ge [sflag:s14], $0x4000  }
0xb8: {  	[sflag:s14] =	ssyncset.done $0x0  }
0xb9: {  	[sflag:s14] =	ssyncadd.s32 $0xFFFFC000  }
0xba: {  	_ =	swait.ge [sflag:s17], $0x4000  }
0xbb: {  	[sflag:s17] =	ssyncset.done $0x0  }
0xbc: {  	[sflag:s17] =	ssyncadd.s32 $0xFFFFC000  }
0xbd: {  	[tilespmem:s18], [sflag:$0x1] =	stream.indirect.gather [hbm4b:s4+s16], $0x80, s31, s16, $0xb8;
	[tilespmem:$0x1C800] =	vst v63  }
0xbe: {  	_ = 	snop  }
0xbf: {  	[spmem:s2] =	stream.indirect.scatter.add.f32 [tilespmem:s13], [sflag:$0x2], $0x80, s1, s16, $0xb8;
	[tilespmem:$0x1C800] =	vst v63  }
0xc0: {  	_ =	swait.ge [sflag:s14], $0x4000  }
0xc1: {  	[sflag:s14] =	ssyncset.done $0x0  }
0xc2: {  	[sflag:s14] =	ssyncadd.s32 $0xFFFFC000  }
0xc3: {  	[tilespmem:s13], [sflag:$0x1] =	stream.indirect.gather [hbm4b:s4+s16], $0x80, s0, s16, $0xb8;
	[tilespmem:$0x1C800] =	vst v63  }
0xc4: {  	_ =	swait.ge [sflag:s17], $0x4000  }
0xc5: {  	[sflag:s17] =	ssyncset.done $0x0  }
0xc6: {  	[sflag:s17] =	ssyncadd.s32 $0xFFFFC000  }
0xc7: {  	[spmem:s2] =	stream.indirect.scatter.add.f32 [tilespmem:s18], [sflag:$0x2], $0x80, s12, s16, $0xb8;
	[tilespmem:$0x1C800] =	vst v63  }
0xc8: {  	_ =	swait.ge [sflag:s14], $0x4000  }
0xc9: {  	[sflag:s14] =	ssyncset.done $0x0  }
0xca: {  	[sflag:s14] =	ssyncadd.s32 $0xFFFFC000  }
0xcb: {  	_ =	swait.ge [sflag:s17], $0x4000  }
0xcc: {  	[sflag:s17] =	ssyncset.done $0x0  }
0xcd: {  	[sflag:s17] =	ssyncadd.s32 $0xFFFFC000  }
0xce: {  	[tilespmem:s18], [sflag:$0x1] =	stream.indirect.gather [hbm4b:s4+s16], $0x80, s20, s16, $0xb8;
	[tilespmem:$0x1C800] =	vst v63  }
0xcf: {  	_ = 	snop  }
0xd0: {  	[spmem:s2] =	stream.indirect.scatter.add.f32 [tilespmem:s13], [sflag:$0x2], $0x80, s21, s16, $0xb8;
	[tilespmem:$0x1C800] =	vst v63  }
0xd1: {  	_ =	swait.ge [sflag:s14], $0x4000  }
0xd2: {  	[sflag:s14] =	ssyncset.done $0x0  }
0xd3: {  	[sflag:s14] =	ssyncadd.s32 $0xFFFFC000  }
0xd4: {  	_ =	swait.ge [sflag:s17], $0x4000  }
.Ltmp1:
0xd5: {  	[sflag:s17] =	ssyncset.done $0x0;
	(pc) =	sbr.rel @p0 .LBB2_4-.Ltmp1, $4  }
0xd6: {  	[sflag:s17] =	ssyncadd.s32 $0xFFFFC000  }
0xd7: {  	[spmem:s2] =	stream.indirect.scatter.add.f32 [tilespmem:s18], [sflag:$0x2], $0x80, s22, s16, $0xb8;
	[tilespmem:$0x1C800] =	vst v63  }
0xd8: {  	_ =	swait.ge [sflag:s14], $0x4000  }
0xd9: {  	s5 =	smov.u32 s6;
	[sflag:s14] =	ssyncset.done $0x0  }
0xda: {  	s5 =	sadd.s32 s24, s10;
	[sflag:s14] =	ssyncadd.s32 $0xFFFFC000  }
0xdb: {  	[tilespmem:s3], [sflag:$0x2] =	stream.linear.gather [hbm4b:s5+s3], $0x400, $0x38;
	[tilespmem:$0x1C800] =	vst v63  }
0xdc: {  	_ =	swait.ge [sflag:s14], $0x400  }
0xdd: {  	[sflag:s14] =	ssyncset.done $0x0  }
0xde: {  	s8 =	sadd.s32 s24, s11;
	[sflag:s14] =	ssyncadd.s32 $0xFFFFFC00  }
0xdf: {  	[tilespmem:s15], [sflag:$0x2] =	stream.linear.gather [hbm4b:s8+s3], $0x400, $0x38;
	[tilespmem:$0x1C800] =	vst v63  }
0xe0: {  	_ =	swait.ge [sflag:s14], $0x400  }
0xe1: {  	[sflag:s14] =	ssyncset.done $0x0  }
0xe2: {  	[sflag:s14] =	ssyncadd.s32 $0xFFFFFC00  }
0xe3: {  	[tilespmem:s13], [sflag:$0x1] =	stream.indirect.gather [hbm4b:s4+s16], $0x80, s3, s16, $0xb8;
	[tilespmem:$0x1C800] =	vst v63  }
0xe4: {  	_ =	swait.ge [sflag:s17], $0x4000  }
0xe5: {  	[sflag:s17] =	ssyncset.done $0x0  }
0xe6: {  	[sflag:s17] =	ssyncadd.s32 $0xFFFFC000  }
0xe7: {  	[tilespmem:s18], [sflag:$0x1] =	stream.indirect.gather [hbm4b:s4+s16], $0x80, s16, s16, $0xb8;
	[tilespmem:$0x1C800] =	vst v63  }
0xe8: {  	_ = 	snop  }
0xe9: {  	[spmem:s2] =	stream.indirect.scatter.add.f32 [tilespmem:s13], [sflag:$0x2], $0x80, s15, s16, $0xb8;
	[tilespmem:$0x1C800] =	vst v63  }
0xea: {  	_ =	swait.ge [sflag:s14], $0x4000  }
0xeb: {  	[sflag:s14] =	ssyncset.done $0x0  }
0xec: {  	[sflag:s14] =	ssyncadd.s32 $0xFFFFC000  }
0xed: {  	[tilespmem:s13], [sflag:$0x1] =	stream.indirect.gather [hbm4b:s4+s16], $0x80, s19, s16, $0xb8;
	[tilespmem:$0x1C800] =	vst v63  }
0xee: {  	_ =	swait.ge [sflag:s17], $0x4000  }
0xef: {  	[sflag:s17] =	ssyncset.done $0x0  }
0xf0: {  	[sflag:s17] =	ssyncadd.s32 $0xFFFFC000  }
0xf1: {  	[spmem:s2] =	stream.indirect.scatter.add.f32 [tilespmem:s18], [sflag:$0x2], $0x80, s25, s16, $0xb8;
	[tilespmem:$0x1C800] =	vst v63  }
0xf2: {  	_ =	swait.ge [sflag:s14], $0x4000  }
0xf3: {  	[sflag:s14] =	ssyncset.done $0x0  }
0xf4: {  	[sflag:s14] =	ssyncadd.s32 $0xFFFFC000  }
0xf5: {  	_ =	swait.ge [sflag:s17], $0x4000  }
0xf6: {  	[sflag:s17] =	ssyncset.done $0x0  }
0xf7: {  	[sflag:s17] =	ssyncadd.s32 $0xFFFFC000  }
0xf8: {  	[tilespmem:s18], [sflag:$0x1] =	stream.indirect.gather [hbm4b:s4+s16], $0x80, s26, s16, $0xb8;
	[tilespmem:$0x1C800] =	vst v63  }
0xf9: {  	_ = 	snop  }
0xfa: {  	[spmem:s2] =	stream.indirect.scatter.add.f32 [tilespmem:s13], [sflag:$0x2], $0x80, s28, s16, $0xb8;
	[tilespmem:$0x1C800] =	vst v63  }
0xfb: {  	_ =	swait.ge [sflag:s14], $0x4000  }
0xfc: {  	[sflag:s14] =	ssyncset.done $0x0  }
0xfd: {  	[sflag:s14] =	ssyncadd.s32 $0xFFFFC000  }
0xfe: {  	[tilespmem:s13], [sflag:$0x1] =	stream.indirect.gather [hbm4b:s4+s16], $0x80, s29, s16, $0xb8;
	[tilespmem:$0x1C800] =	vst v63  }
0xff: {  	_ =	swait.ge [sflag:s17], $0x4000  }
0x100: {  	[sflag:s17] =	ssyncset.done $0x0  }
0x101: {  	[sflag:s17] =	ssyncadd.s32 $0xFFFFC000  }
0x102: {  	[spmem:s2] =	stream.indirect.scatter.add.f32 [tilespmem:s18], [sflag:$0x2], $0x80, s30, s16, $0xb8;
	[tilespmem:$0x1C800] =	vst v63  }
0x103: {  	_ =	swait.ge [sflag:s14], $0x4000  }
0x104: {  	[sflag:s14] =	ssyncset.done $0x0  }
0x105: {  	[sflag:s14] =	ssyncadd.s32 $0xFFFFC000  }
0x106: {  	_ =	swait.ge [sflag:s17], $0x4000  }
0x107: {  	[sflag:s17] =	ssyncset.done $0x0  }
0x108: {  	[sflag:s17] =	ssyncadd.s32 $0xFFFFC000  }
0x109: {  	[tilespmem:s18], [sflag:$0x1] =	stream.indirect.gather [hbm4b:s4+s16], $0x80, s31, s16, $0xb8;
	[tilespmem:$0x1C800] =	vst v63  }
0x10a: {  	_ = 	snop  }
0x10b: {  	[spmem:s2] =	stream.indirect.scatter.add.f32 [tilespmem:s13], [sflag:$0x2], $0x80, s1, s16, $0xb8;
	[tilespmem:$0x1C800] =	vst v63  }
0x10c: {  	_ =	swait.ge [sflag:s14], $0x4000  }
0x10d: {  	[sflag:s14] =	ssyncset.done $0x0  }
0x10e: {  	[sflag:s14] =	ssyncadd.s32 $0xFFFFC000  }
0x10f: {  	[tilespmem:s13], [sflag:$0x1] =	stream.indirect.gather [hbm4b:s4+s16], $0x80, s0, s16, $0xb8;
	[tilespmem:$0x1C800] =	vst v63  }
0x110: {  	_ =	swait.ge [sflag:s17], $0x4000  }
0x111: {  	[sflag:s17] =	ssyncset.done $0x0  }
0x112: {  	[sflag:s17] =	ssyncadd.s32 $0xFFFFC000  }
0x113: {  	[spmem:s2] =	stream.indirect.scatter.add.f32 [tilespmem:s18], [sflag:$0x2], $0x80, s12, s16, $0xb8;
	[tilespmem:$0x1C800] =	vst v63  }
0x114: {  	_ =	swait.ge [sflag:s14], $0x4000  }
0x115: {  	[sflag:s14] =	ssyncset.done $0x0  }
0x116: {  	[sflag:s14] =	ssyncadd.s32 $0xFFFFC000  }
0x117: {  	_ =	swait.ge [sflag:s17], $0x4000  }
0x118: {  	[sflag:s17] =	ssyncset.done $0x0  }
0x119: {  	[sflag:s17] =	ssyncadd.s32 $0xFFFFC000  }
0x11a: {  	[tilespmem:s18], [sflag:$0x1] =	stream.indirect.gather [hbm4b:s4+s16], $0x80, s20, s16, $0xb8;
	[tilespmem:$0x1C800] =	vst v63  }
0x11b: {  	_ = 	snop  }
0x11c: {  	[spmem:s2] =	stream.indirect.scatter.add.f32 [tilespmem:s13], [sflag:$0x2], $0x80, s21, s16, $0xb8;
	[tilespmem:$0x1C800] =	vst v63  }
0x11d: {  	_ =	swait.ge [sflag:s14], $0x4000  }
0x11e: {  	[sflag:s14] =	ssyncset.done $0x0  }
0x11f: {  	[sflag:s14] =	ssyncadd.s32 $0xFFFFC000  }
0x120: {  	_ =	swait.ge [sflag:s17], $0x4000  }
0x121: {  	[sflag:s17] =	ssyncset.done $0x0  }
0x122: {  	[sflag:s17] =	ssyncadd.s32 $0xFFFFC000  }
0x123: {  	[spmem:s2] =	stream.indirect.scatter.add.f32 [tilespmem:s18], [sflag:$0x2], $0x80, s22, s16, $0xb8;
	[tilespmem:$0x1C800] =	vst v63  }
0x124: {  	_ =	swait.ge [sflag:s14], $0x4000  }
0x125: {  	[sflag:s14] =	ssyncset.done $0x0  }
0x126: {  	[sflag:s14] =	ssyncadd.s32 $0xFFFFC000  }
0x127: {  	[bflag:$0x0] =	sbarrier.arrive $0xFFFF  }
0x128: {  	s24 =	rddreg [dreg:$0x4]  }
0x129: {  	[tilespmem:s13], [sflag:$0x2] =	stream.linear.gather [spmem:s24], $0x4000, $0x38;
	[tilespmem:$0x1C800] =	vst v63  }
0x12a: {  	_ =	swait.ge [sflag:s14], $0x4000  }
0x12b: {  	[sflag:s14] =	ssyncset.done $0x0  }
0x12c: {  	s6 =	rddreg [dreg:$0x9];
	[sflag:s14] =	ssyncadd.s32 $0xFFFFC000  }
0x12d: {  	[hbm4b:s6+s3] =	stream.linear.scatter [tilespmem:s13], [sflag:$0x2], $0x4000, $0x38;
	[tilespmem:$0x1C800] =	vst v63  }
0x12e: {  	_ =	swait.ge [sflag:s14], $0x4000  }
0x12f: {  	[sflag:s14] =	ssyncset.done $0x0  }
0x130: {  	s7 =	rddreg [dreg:$0x5];
	[sflag:s14] =	ssyncadd.s32 $0xFFFFC000  }
0x131: {  	[tilespmem:s13], [sflag:$0x2] =	stream.linear.gather [spmem:s7], $0x4000, $0x38;
	[tilespmem:$0x1C800] =	vst v63  }
0x132: {  	_ =	swait.ge [sflag:s14], $0x4000  }
0x133: {  	[sflag:s14] =	ssyncset.done $0x0  }
0x134: {  	s8 =	rddreg [dreg:$0xa];
	[sflag:s14] =	ssyncadd.s32 $0xFFFFC000  }
0x135: {  	[hbm4b:s8+s3] =	stream.linear.scatter [tilespmem:s13], [sflag:$0x2], $0x4000, $0x38;
	[tilespmem:$0x1C800] =	vst v63  }
0x136: {  	_ =	swait.ge [sflag:s14], $0x4000  }
0x137: {  	[sflag:s14] =	ssyncset.done $0x0  }
0x138: {  	[sflag:s14] =	ssyncadd.s32 $0xFFFFC000  }
0x139: {  	[tilespmem:s13], [sflag:$0x2] =	stream.linear.gather [spmem:s9], $0x4000, $0x38;
	[tilespmem:$0x1C800] =	vst v63  }
0x13a: {  	_ =	swait.ge [sflag:s14], $0x4000  }
0x13b: {  	[sflag:s14] =	ssyncset.done $0x0  }
0x13c: {  	s7 =	smov.u32 s9;
	s9 =	rddreg [dreg:$0xb];
	[sflag:s14] =	ssyncadd.s32 $0xFFFFC000  }
0x13d: {  	[hbm4b:s9+s3] =	stream.linear.scatter [tilespmem:s13], [sflag:$0x2], $0x4000, $0x38;
	[tilespmem:$0x1C800] =	vst v63  }
0x13e: {  	_ =	swait.ge [sflag:s14], $0x4000  }
0x13f: {  	[sflag:s14] =	ssyncset.done $0x0  }
0x140: {  	s8 =	rddreg [dreg:$0x6];
	[sflag:s14] =	ssyncadd.s32 $0xFFFFC000  }
0x141: {  	[tilespmem:s13], [sflag:$0x2] =	stream.linear.gather [spmem:s8], $0x4000, $0x38;
	[tilespmem:$0x1C800] =	vst v63  }
0x142: {  	_ =	swait.ge [sflag:s14], $0x4000  }
0x143: {  	[sflag:s14] =	ssyncset.done $0x0  }
0x144: {  	s24 =	rddreg [dreg:$0xc];
	[sflag:s14] =	ssyncadd.s32 $0xFFFFC000  }
0x145: {  	[hbm4b:s24+s3] =	stream.linear.scatter [tilespmem:s13], [sflag:$0x2], $0x4000, $0x38;
	[tilespmem:$0x1C800] =	vst v63  }
0x146: {  	_ =	swait.ge [sflag:s14], $0x4000  }
0x147: {  	[sflag:s14] =	ssyncset.done $0x0  }
0x148: {  	s6 =	rddreg [dreg:$0x7];
	[sflag:s14] =	ssyncadd.s32 $0xFFFFC000  }
0x149: {  	[tilespmem:s13], [sflag:$0x2] =	stream.linear.gather [spmem:s6], $0x4000, $0x38;
	[tilespmem:$0x1C800] =	vst v63  }
0x14a: {  	_ =	swait.ge [sflag:s14], $0x4000  }
0x14b: {  	[sflag:s14] =	ssyncset.done $0x0  }
0x14c: {  	s9 =	rddreg [dreg:$0xd];
	[sflag:s14] =	ssyncadd.s32 $0xFFFFC000  }
0x14d: {  	[hbm4b:s9+s3] =	stream.linear.scatter [tilespmem:s13], [sflag:$0x2], $0x4000, $0x38;
	[tilespmem:$0x1C800] =	vst v63  }
0x14e: {  	_ =	swait.ge [sflag:s14], $0x4000  }
0x14f: {  	s23 =	sadd.s32 $0x1, s23;
	s24 =	rddreg [dreg:$0x8]  }
0x150: {  	p0 =	sne.s32 s23, s24  }
.Ltmp2:
0x151: {  	_ = 	snop;
	(pc) =	sbr.rel @p0 .LBB2_1-.Ltmp2, $3  }
0x152: {  	_ =	sdelay $0x1  }
0x153: {  	[sflag:s14] =	ssyncset.done $0x0  }
0x154: {  	[sflag:s14] =	ssyncadd.s32 $0xFFFFC000  }
0x155: {  	_ =	sfence.sel $0x180000  }
0x156: {  	[bflag:$0x0] =	sbarrier.arrive $0xFFFF  }
0x157: {  	_ =	strace $0x9000004D  }
0x158: {  	s0 =	stileid.u32;
	[bflag:$0x2] =	sbarrier.arrive $0xFFFF  }
0x159: {  	p0 =	sne.s32 s0, $0x0;
	s0 =	rddreg [dreg:$0x3]  }
0x15a: {  	s0 =	sadd.s32 @!p0 $0x100000, s0  }
0x15b: {  	[sflag:s0] =	ssyncadd.tile.s32 @!p0 $0x1;
	_ =	shalt  }
.Lfunc_end2:
_tile_overlayer_lowered:
.L_overlay_start_2:
0x15c: {  	(tag) =	ssettag $0x2  }
0x15d: {  	s0 =	rddreg [dreg:$0x0];
	s2 =	stileid.u32  }
0x15e: {  	s1 =	rddreg [dreg:$0x1];
	p0 =	sne.s32 s2, $0x0  }
0x15f: {  	s3 =	rddreg [dreg:$0x2];
	[bflag:$0x3] =	sbarrier.arrive $0xFFFF;
	s2 =	simm.s32 @!p0 $0x1C02  }
0x160: {  	[timem:s3], [sflag:s2] =	dma.local @!p0 [hbm:s0], s1  }
0x161: {  	s0 =	simm.s32 @!p0 $0x2  }
0x162: {  	_ =	swait.ge @!p0 [sflag:s0], s1  }
0x163: {  	s1 =	ssub.s32 @!p0 $0x0, s1;
	[sflag:s0] =	ssyncset.done @!p0 $0x0  }
0x164: {  	[sflag:s0] =	ssyncadd.s32 @!p0 s1  }
0x165: {  	[bflag:$0x3] =	sbarrier.arrive $0xFFFF  }
0x166: {  	_ =	shalt  }

// kernel: kernel.8.cloned.1.call-start
scs
__scs_entry_jumppad:
0x0: {  	(pc) =	sbr.rel $0x88, $3  }
0x1: {  	(tag) =	ssettag $0x0;
	lr =	simm.s32 $0x1  }
0x2: {  	[smem:$0x3F8C] =	sst lr;
	_ =	strace $0xD0000000  }
0x3: {  	_ = 	snop  }
0x4: {  	_ = 	snop  }
0x5: {  	_ = 	snop  }
0x6: {  	_ = 	snop  }
0x7: {  	_ = 	snop  }
__scs_overlays_trampoline_lowered:
0x8: {  	[smem:$0x3F9B] =	sst s0  }
0x9: {  	[smem:$0x3F9C] =	sst s1  }
0xa: {  	[smem:$0x3F9D] =	sst s2  }
0xb: {  	[smem:$0x3F9E] =	sst s3  }
0xc: {  	[smem:$0x3F9F] =	sst s4  }
0xd: {  	[smem:$0x3FA0] =	sst s5  }
0xe: {  	[smem:$0x3FA1] =	sst s6  }
0xf: {  	[smem:$0x3FA2] =	sst s7  }
0x10: {  	[smem:$0x3FA3] =	sst s8  }
0x11: {  	[smem:$0x3FA4] =	sst s9;
	s0 =	simm.s32 @!p0 $0x0  }
0x12: {  	s1 =	sld [smem:$0x3F8A];
	s0 =	simm.s32 @p0 $0x1  }
0x13: {  	[smem:$0x3FA5] =	sst s0;
	s0 =	simm.s32 @!p1 $0x0  }
0x14: {  	s2 =	sld [smem:$0x3F89];
	s0 =	simm.s32 @p1 $0x1  }
0x15: {  	[smem:$0x3FA6] =	sst s0;
	s0 =	simm.s32 @!p2 $0x0  }
0x16: {  	s3 =	sld [smem:$0x3FDB];
	s0 =	simm.s32 @p2 $0x1  }
0x17: {  	s4 =	simm.s32 $0x1BF5;
	[smem:$0x3FA8] =	sst s0  }
0x18: {  	s0 =	sld [smem:$0x3F8B];
	_ =	swait.ge [sflag:s4], $0x0  }
0x19: {  	s7 =	sld [smem:$0x3F8C]  }
0x1a: {  	s8 =	sadd.s32 $0xFFFFE003, lr  }
0x1b: {  	s9 =	sadd.s32 $0xFFFFFEF7, lr;
	s5 =	simm.s32 $0xFFFFFFFF;
	p2 =	slt.u32 s8, $0xFFFFF086  }
0x1c: {  	p1 =	slt.u32 s9, $0xF7A;
	s5 =	simm.s32 @!p2 $0x0  }
0x1d: {  	s5 =	simm.s32 @p1 $0x1;
	p0 =	seq.s32 s7, s2  }
0x1e: {  	s7 =	smul.u32 @!p0 $0xF7A, s2;
	p2 =	seq.s32 @!p0 s5, $0x0  }
0x1f: {  	s9 =	smul.u32 $0xF7A, s1;
	s8 =	simm.s32 @!p0 $0x1BF5;
	p2 =	por !p2, p0  }
0x20: {  	[sflag:s8] =	ssyncset.s32 @!p0 $0xFFFFF086;
	s6 =	sadd.s32 @!p0 s3, s7;
	s7 =	simm.s32 @!p0 $0x108  }
0x21: {  	s3 =	sadd.s32 s3, s9;
	s6 =	sadd.s32 @!p0 $0x88, s6;
	s7 =	simm.s32 @p2 $0x1082  }
0x22: {  	[simem:s7], [sflag:s8] =	dma.local @!p0 [hbm:s6], $0xF7A  }
0x23: {  	s9 =	sor.u32 $0xD0000000, s2;
	s6 =	simm.s32 $0x108;
	_ =	swait.ge @!p0 [sflag:s8], $0x0  }
0x24: {  	s3 =	sadd.s32 $0x88, s3;
	s6 =	simm.s32 @!p1 $0x1082;
	[sflag:s4] =	ssyncset.s32 $0xFFFFF086  }
0x25: {  	[simem:s6], [sflag:s4] =	dma.local [hbm:s3], $0xF7A  }
0x26: {  	[smem:$0x3F8C] =	sst s1;
	(tag) =	ssettag s2;
	_ =	strace s9  }
0x27: {  	s1 =	sld [smem:$0x3F9C]  }
0x28: {  	s2 =	sld [smem:$0x3F9D]  }
0x29: {  	s4 =	sld [smem:$0x3F9F]  }
0x2a: {  	p0 =	seq.s32 s5, $0x0;
	s5 =	sld [smem:$0x3FA0]  }
0x2b: {  	s6 =	sld [smem:$0x3FA1]  }
0x2c: {  	s7 =	sld [smem:$0x3FA2]  }
0x2d: {  	s3 =	simm.s32 $0x108;
	s8 =	sld [smem:$0x3FA3]  }
0x2e: {  	s3 =	simm.s32 @!p0 $0x1082;
	s9 =	sld [smem:$0x3FA4]  }
0x2f: {  	lr =	sadd.s32 s0, s3;
	s0 =	sld [smem:$0x3F9B]  }
0x30: {  	s3 =	sld [smem:$0x3F9E]  }
0x31: {  	[smem:$0x3FA7] =	sst s10  }
0x32: {  	s10 =	sld [smem:$0x3FA5];
	_ =	sdelay $0x3  }
0x33: {  	p0 =	seq.s32 s10, $0x1;
	s10 =	sld [smem:$0x3FA7];
	_ =	sdelay $0x3  }
0x34: {  	[smem:$0x3FA7] =	sst s10  }
0x35: {  	s10 =	sld [smem:$0x3FA6];
	_ =	sdelay $0x3  }
0x36: {  	p1 =	seq.s32 s10, $0x1;
	s10 =	sld [smem:$0x3FA7];
	_ =	sdelay $0x3  }
0x37: {  	[smem:$0x3FA7] =	sst s10  }
0x38: {  	s10 =	sld [smem:$0x3FA8]  }
0x39: {  	_ = 	snop;
	(pc) =	sbr.ind lr, $3  }
0x3a: {  	_ = 	snop  }
0x3b: {  	_ = 	snop  }
0x3c: {  	p2 =	seq.s32 s10, $0x1;
	s10 =	sld [smem:$0x3FA7]  }
0x3d: {  	_ =	shalt  }
0x3e: {  	_ =	shalt  }
0x3f: {  	_ =	shalt  }
0x40: {  	_ =	shalt  }
0x41: {  	_ =	shalt  }
0x42: {  	_ =	shalt  }
0x43: {  	_ =	shalt  }
0x44: {  	_ =	shalt  }
0x45: {  	_ =	shalt  }
0x46: {  	_ =	shalt  }
0x47: {  	_ =	shalt  }
0x48: {  	_ =	shalt  }
0x49: {  	_ =	shalt  }
0x4a: {  	_ =	shalt  }
0x4b: {  	_ =	shalt  }
0x4c: {  	_ =	shalt  }
0x4d: {  	_ =	shalt  }
0x4e: {  	_ =	shalt  }
0x4f: {  	_ =	shalt  }
0x50: {  	_ =	shalt  }
0x51: {  	_ =	shalt  }
0x52: {  	_ =	shalt  }
0x53: {  	_ =	shalt  }
0x54: {  	_ =	shalt  }
0x55: {  	_ =	shalt  }
0x56: {  	_ =	shalt  }
0x57: {  	_ =	shalt  }
0x58: {  	_ =	shalt  }
0x59: {  	_ =	shalt  }
0x5a: {  	_ =	shalt  }
0x5b: {  	_ =	shalt  }
0x5c: {  	_ =	shalt  }
0x5d: {  	_ =	shalt  }
0x5e: {  	_ =	shalt  }
0x5f: {  	_ =	shalt  }
0x60: {  	_ =	shalt  }
0x61: {  	_ =	shalt  }
0x62: {  	_ =	shalt  }
0x63: {  	_ =	shalt  }
0x64: {  	_ =	shalt  }
0x65: {  	_ =	shalt  }
0x66: {  	_ =	shalt  }
0x67: {  	_ =	shalt  }
0x68: {  	_ =	shalt  }
0x69: {  	_ =	shalt  }
0x6a: {  	_ =	shalt  }
0x6b: {  	_ =	shalt  }
0x6c: {  	_ =	shalt  }
0x6d: {  	_ =	shalt  }
0x6e: {  	_ =	shalt  }
0x6f: {  	_ =	shalt  }
0x70: {  	_ =	shalt  }
0x71: {  	_ =	shalt  }
0x72: {  	_ =	shalt  }
0x73: {  	_ =	shalt  }
0x74: {  	_ =	shalt  }
0x75: {  	_ =	shalt  }
0x76: {  	_ =	shalt  }
0x77: {  	_ =	shalt  }
0x78: {  	_ =	shalt  }
0x79: {  	_ =	shalt  }
0x7a: {  	_ =	shalt  }
0x7b: {  	_ =	shalt  }
0x7c: {  	_ =	shalt  }
0x7d: {  	_ =	shalt  }
0x7e: {  	_ =	shalt  }
0x7f: {  	_ =	shalt  }
0x80: {  	_ =	shalt  }
0x81: {  	_ =	shalt  }
0x82: {  	_ =	shalt  }
0x83: {  	_ =	shalt  }
0x84: {  	_ =	shalt  }
0x85: {  	_ =	shalt  }
0x86: {  	_ =	shalt  }
0x87: {  	_ =	shalt  }
.Lfunc_end0:
.L_simem_size_0:
called_computation_lowered:
.L_overlay_start_0:
0x88: {  	s2 =	sld [smem:$0x3FD9]  }
0x89: {  	s3 =	sld [smem:$0x3FFE];
	_ =	sdelay $0x1  }
0x8a: {  	s1 =	srdreg.scid  }
0x8b: {  	s0 =	sand.u32 $0x1, s1  }
0x8c: {  	s17 =	sshll.u32 s0, $0xA;
	s2 =	sadd.s32 s3, s2  }
0x8d: {  	s2 =	sadd.s32 s2, s17  }
0x8e: {  	[smem:$0x3FB3] =	sst s2  }
0x8f: {  	_ = 	snop  }
0x90: {  	(tm) =	ssettm $0x1  }
0x91: {  	s18 =	sld [smem:$0x3FFB];
	_ =	sdelay $0x3  }
0x92: {  	_ =	strace s18  }
0x93: {  	s2 =	sld [smem:$0x3FFC];
	_ =	sdelay $0x3  }
0x94: {  	_ =	strace s2  }
0x95: {  	s2 =	sld [smem:$0x3FFD];
	_ =	sdelay $0x3  }
0x96: {  	_ =	strace s2  }
0x97: {  	_ =	strace $0x8FFFFFFF  }
0x98: {  	s19 =	sld [smem:$0x3FDB];
	_ =	sdelay $0x1  }
0x99: {  	s20 =	simm.s32 $_scs_section_size  }
0x9a: {  	s4 =	simm.s32 $_size__tile_overlayer_lowered;
	s5 =	simm.s32 $_tile_overlayer_lowered  }
0x9b: {  	s6 =	simm.s32 $0x1BFF;
	s21 =	sshll.u32 s5, $0x1;
	s3 =	sadd.s32 s20, s19  }
0x9c: {  	s22 =	simm.s32 $0x0;
	s4 =	sshll.u32 s4, $0x1;
	s5 =	sadd.s32 s21, s3  }
0x9d: {  	[timem:s22], [sflag:s6] =	dma.local [hbm:s5], s4  }
0x9e: {  	_ =	swait.ge [sflag:s6], s4  }
0x9f: {  	s4 =	ssub.s32 $0x0, s4;
	[sflag:s6] =	ssyncset.done $0x0  }
0xa0: {  	[sflag:s6] =	ssyncadd.s32 s4;
	_ =	sdelay $0x1  }
0xa1: {  	s23 =	simm.s32 $0x1B8B  }
0xa2: {  	_ =	swait.ge [sflag:s23], $0x1  }
0xa3: {  	[sflag:s23] =	ssyncset.done $0x0  }
0xa4: {  	[sflag:s23] =	ssyncadd.s32 $0xFFFFFFFF  }
0xa5: {  	s4 =	sld [smem:$0x0]  }
0xa6: {  	s5 =	sand.u32 $0xFFFFFFFE, s1  }
0xa7: {  	p0 =	sne.s32 s1, s5  }
0xa8: {  	s5 =	sshll.u32 @p0 s5, $0xE  }
0xa9: {  	s5 =	sadd.s32 @p0 $0x11B8D, s5;
	s6 =	sshll.u32 @p0 s4, $0x11  }
0xaa: {  	s5 =	sor.u32 @p0 s6, s5  }
0xab: {  	[sflag:s5] =	ssyncadd.remote.s32 @p0 $0x1;
	_ =	sdelay $0x1  }
0xac: {  	s5 =	simm.s32 @p0 $0x1B8D  }
0xad: {  	_ =	swait.eq @p0 [sflag:s5], $0x1  }
0xae: {  	[sflag:s5] =	ssyncadd.s32 @p0 $0xFFFFFFFF  }
0xaf: {  	s6 =	sshll.u32 @!p0 s1, $0xE  }
0xb0: {  	s6 =	sor.u32 @!p0 $0x4000, s6;
	s5 =	simm.s32 @!p0 $0x1B8D  }
0xb1: {  	s4 =	sshll.u32 @!p0 s4, $0x11;
	s6 =	sadd.s32 @!p0 $0x11B8D, s6;
	_ =	swait.eq @!p0 [sflag:s5], $0x1  }
0xb2: {  	s4 =	sor.u32 @!p0 s4, s6;
	[sflag:s5] =	ssyncadd.s32 @!p0 $0xFFFFFFFF  }
0xb3: {  	s25 =	simm.s32 $0x1B8E;
	s24 =	sld [smem:$0x3FFE];
	[sflag:s4] =	ssyncadd.remote.s32 @!p0 $0x1  }
0xb4: {  	s26 =	simm.s32 $execute0_lowered;
	[smem:$0x3FD2] =	sst s25  }
0xb5: {  	s5 =	sshll.u32 s26, $0x1;
	_ =	strace $0x80000049;
	[dreg:$0x1] =	wrdreg $0xFFFFFFFF  }
0xb6: {  	s28 =	simm.s32 $_size_execute0_lowered;
	s3 =	sadd.s32 s3, s5;
	[dreg:$0x0] =	wrdreg $0x0  }
0xb7: {  	s5 =	sshll.u32 s28, $0x1;
	[dreg:$0x2] =	wrdreg s3  }
0xb8: {  	[dreg:$0x3] =	wrdreg s5  }
0xb9: {  	[dreg:$0x4] =	wrdreg $0xC0  }
0xba: {  	_ =	task [dreg:s22], $0x5FFFF  }
0xbb: {  	[dreg:$0x1] =	wrdreg $0xFFFFFFFF  }
0xbc: {  	[dreg:$0x0] =	wrdreg $0x60  }
0xbd: {  	[dreg:$0x2] =	wrdreg s24  }
0xbe: {  	[dreg:$0x3] =	wrdreg $0x44000  }
0xbf: {  	[dreg:$0x4] =	wrdreg $0x9  }
0xc0: {  	_ =	task.clear_ibuf [dreg:s22], $0x5FFFF;
	_ =	strace $0x90000049  }
0xc1: {  	s29 =	simm.s32 $0x9;
	_ =	strace $0x8000004B  }
0xc2: {  	_ =	swait.ge [sflag:s29], $0x1  }
0xc3: {  	[sflag:s29] =	ssyncadd.s32 $0xFFFFFFFF  }
0xc4: {  	_ =	strace $0x9000004B  }
0xc5: {  	_ =	sfence  }
0xc6: {  	s30 =	sld [smem:$0x0];
	_ =	sdelay $0x2  }
0xc7: {  	s31 =	sshll.u32 s1, $0xD;
	s1 =	sshrl.u32 s1, $0x2  }
0xc8: {  	s4 =	sand.u32 $0x4000, s31;
	s1 =	sadd.s32 s1, s30  }
0xc9: {  	s0 =	sor.u32 s4, s0;
	s1 =	sshll.u32 s1, $0x11  }
0xca: {  	s0 =	sor.u32 s1, s0  }
0xcb: {  	s0 =	sadd.s32 $0x8F2B, s0  }
0xcc: {  	[sflag:s0] =	ssyncadd.remote.s32 $0x1  }
0xcd: {  	_ =	sfence.sel $0xFFFF  }
0xce: {  	[dreg:$0x0] =	wrdreg $0xFFFFFFFF;
	(pc) =	sbr.abs _section_cstart, $3  }
0xcf: {  	[dreg:$0x1] =	wrdreg $0xFFFFFFFF  }
0xd0: {  	_ =	task.clear_ibuf [dreg:s22], $0x2FFFF;
	_ =	strace $0x9FFFFFFF  }
0xd1: {  	(tm) =	ssettm $0x7FFFFFFF  }
tec
execute0_lowered:
.L_overlay_start_1:
0x0: {  	(tag) =	ssettag $0x1  }
0x1: {  	s1 =	srdreg.scid  }
0x2: {  	s0 =	stileid.u32;
	s5 =	rddreg [dreg:$0x0]  }
0x3: {  	s2 =	rddreg [dreg:$0x1];
	s3 =	simm.s32 $0x0;
	s8 =	smul.u32 $0x280, s0  }
0x4: {  	s17 =	simm.s32 $0x280;
	s18 =	simm.s32 $0x300;
	s9 =	smul.u32 $0x50000, s0  }
0x5: {  	s4 =	sand.u32 $0x1, s1;
	s25 =	sshll.u32 s0, $0x1;
	s20 =	smul.u32 $0x2800, s0  }
0x6: {  	s19 =	simm.s32 $0x380;
	s1 =	sor.u32 s4, s25;
	s7 =	smul.u32 $0x28000, s4  }
0x7: {  	[smem:$0x7FF] =	sst s3;
	s4 =	ssub.s32 $0x2, s4;
	s6 =	smul.u32 $0x500, s1  }
0x8: {  	s1 =	rddreg [dreg:$0x2];
	_ =	strace $0x8000004A;
	s26 =	sshrl.u32 s4, $0x1  }
0x9: {  	s28 =	sshrl.u32 s9, $0x2;
	s12 =	sadd.s32 $0x80, s8;
	s14 =	sadd.s32 $0x100, s8  }
0xa: {  	s15 =	sadd.s32 $0x180, s8;
	s16 =	sadd.s32 $0x200, s8;
	s11 =	sadd.s32 s7, s5  }
0xb: {  	s13 =	ssub.s32 s4, s26;
	s4 =	sadd.s32 s28, s2;
	s29 =	sshll.u32 s12, $0x7  }
0xc: {  	s30 =	sshll.u32 s14, $0x7;
	s31 =	sshll.u32 s15, $0x7;
	s8 =	sshll.u32 s16, $0x7  }
0xd: {  	s21 =	sshll.u32 s12, $0x4;
	s22 =	sshll.u32 s14, $0x4;
	s23 =	sshll.u32 s15, $0x4  }
0xe: {  	s25 =	sshll.u32 s16, $0x4;
	s12 =	simm.s32 $0x1;
	s14 =	simm.s32 $0x100  }
0xf: {  	s15 =	simm.s32 $0x180;
	s16 =	simm.s32 $0x200;
	s10 =	sadd.s32 s6, s5  }
0x10: {  	s5 =	sadd.s32 s29, s2;
	s6 =	sadd.s32 s30, s2;
	s7 =	sadd.s32 s31, s2  }
0x11: {  	s8 =	sadd.s32 s8, s2;
	s24 =	sadd.s32 $0x86A00, s11;
	s11 =	simm.s32 $0x400  }
0x12: {  	s9 =	sadd.s32 $0x4A00, s10;
	s10 =	smax.u32 s13, $0x1;
	s13 =	simm.s32 $0x80  }
0x13: {  	s20 =	sadd.s32 s20, s24;
	s21 =	sadd.s32 s21, s24;
	s22 =	sadd.s32 s22, s24  }
0x14: {  	v0 =	vimm.f32 $0.0e+00;
	v1 =	vimm.f32 $1.000000000e+00;
	s23 =	sadd.s32 s23, s24;
	s24 =	sadd.s32 s25, s24;
	s25 =	simm.s32 $0x0  }
.LBB2_1:
0x15: {  	s26 =	simm.s32 $0x0;
	s28 =	simm.s32 $0x200  }
.LBB2_2:
0x16: {  	p0 =	sne.s32 s28, $0xFE00;
	[tilespmem:s26+$0x470] =	vst v0  }
0x17: {  	[tilespmem:s26+$0x400] =	vst v0  }
0x18: {  	[tilespmem:s26+$0x410] =	vst v0  }
.Ltmp0:
0x19: {  	[tilespmem:s26+$0x420] =	vst v0;
	(pc) =	sbr.rel @p0 .LBB2_2-.Ltmp0, $4  }
0x1a: {  	[tilespmem:s26+$0x430] =	vst v0  }
0x1b: {  	[tilespmem:s26+$0x440] =	vst v0  }
0x1c: {  	[tilespmem:s26+$0x450] =	vst v0  }
0x1d: {  	[tilespmem:s26+$0x460] =	vst v0;
	s26 =	sshra.s32 s28, $0x2;
	s28 =	sadd.s32 $0x200, s28  }
0x1e: {  	[tilespmem:s26+$0x470] =	vst v0  }
0x1f: {  	[tilespmem:s26+$0x400] =	vst v0  }
0x20: {  	[tilespmem:s26+$0x410] =	vst v0  }
0x21: {  	[tilespmem:s26+$0x420] =	vst v0  }
0x22: {  	[tilespmem:s26+$0x430] =	vst v0  }
0x23: {  	[tilespmem:s26+$0x440] =	vst v0  }
0x24: {  	[tilespmem:s26+$0x450] =	vst v0  }
0x25: {  	[tilespmem:s26+$0x460] =	vst v0  }
0x26: {  	[spmem:s4] =	stream.linear.scatter [tilespmem:s11], [sflag:$0x1], $0x4000, $0x38;
	[tilespmem:$0x18400] =	vst v63  }
0x27: {  	_ =	swait.ge [sflag:s12], $0x4000  }
0x28: {  	[sflag:s12] =	ssyncset.done $0x0  }
0x29: {  	[sflag:s12] =	ssyncadd.s32 $0xFFFFC000  }
0x2a: {  	[spmem:s5] =	stream.linear.scatter [tilespmem:s11], [sflag:$0x1], $0x4000, $0x38;
	[tilespmem:$0x18400] =	vst v63  }
0x2b: {  	_ =	swait.ge [sflag:s12], $0x4000  }
0x2c: {  	[sflag:s12] =	ssyncset.done $0x0  }
0x2d: {  	[sflag:s12] =	ssyncadd.s32 $0xFFFFC000  }
0x2e: {  	[spmem:s6] =	stream.linear.scatter [tilespmem:s11], [sflag:$0x1], $0x4000, $0x38;
	[tilespmem:$0x18400] =	vst v63  }
0x2f: {  	_ =	swait.ge [sflag:s12], $0x4000  }
0x30: {  	[sflag:s12] =	ssyncset.done $0x0  }
0x31: {  	[sflag:s12] =	ssyncadd.s32 $0xFFFFC000  }
0x32: {  	[spmem:s7] =	stream.linear.scatter [tilespmem:s11], [sflag:$0x1], $0x4000, $0x38;
	[tilespmem:$0x18400] =	vst v63  }
0x33: {  	_ =	swait.ge [sflag:s12], $0x4000  }
0x34: {  	[sflag:s12] =	ssyncset.done $0x0  }
0x35: {  	[sflag:s12] =	ssyncadd.s32 $0xFFFFC000  }
0x36: {  	[spmem:s8] =	stream.linear.scatter [tilespmem:s11], [sflag:$0x1], $0x4000, $0x38;
	[tilespmem:$0x18400] =	vst v63  }
0x37: {  	_ =	swait.ge [sflag:s12], $0x4000  }
0x38: {  	[sflag:s12] =	ssyncset.done $0x0  }
0x39: {  	s26 =	simm.s32 $0x0;
	s28 =	simm.s32 $0x200;
	[sflag:s12] =	ssyncadd.s32 $0xFFFFC000  }
.LBB2_4:
0x3a: {  	p0 =	sne.s32 s28, $0xFE00;
	[tilespmem:s26+$0x470] =	vst v1  }
0x3b: {  	[tilespmem:s26+$0x400] =	vst v1  }
0x3c: {  	[tilespmem:s26+$0x410] =	vst v1  }
.Ltmp1:
0x3d: {  	[tilespmem:s26+$0x420] =	vst v1;
	(pc) =	sbr.rel @p0 .LBB2_4-.Ltmp1, $4  }
0x3e: {  	[tilespmem:s26+$0x430] =	vst v1  }
0x3f: {  	[tilespmem:s26+$0x440] =	vst v1  }
0x40: {  	[tilespmem:s26+$0x450] =	vst v1  }
0x41: {  	[tilespmem:s26+$0x460] =	vst v1;
	s26 =	sshra.s32 s28, $0x2;
	s28 =	sadd.s32 $0x200, s28  }
0x42: {  	[tilespmem:s26+$0x470] =	vst v1  }
0x43: {  	[tilespmem:s26+$0x400] =	vst v1  }
0x44: {  	[tilespmem:s26+$0x410] =	vst v1  }
0x45: {  	[tilespmem:s26+$0x420] =	vst v1  }
0x46: {  	[tilespmem:s26+$0x430] =	vst v1  }
0x47: {  	[tilespmem:s26+$0x440] =	vst v1  }
0x48: {  	[tilespmem:s26+$0x450] =	vst v1  }
0x49: {  	[tilespmem:s26+$0x460] =	vst v1  }
0x4a: {  	s31 =	sadd.s32 $0x0, s9;
	[bflag:$0x0] =	sbarrier.arrive $0xFFFF  }
0x4b: {  	[tilespmem:s3], [sflag:$0x1] =	stream.linear.gather [hbm4b:s31+s3], $0x400, $0x38;
	[tilespmem:$0x18400] =	vst v63  }
0x4c: {  	_ =	swait.ge [sflag:s12], $0x400  }
0x4d: {  	[sflag:s12] =	ssyncset.done $0x0  }
0x4e: {  	[sflag:s12] =	ssyncadd.s32 $0xFFFFFC00  }
0x4f: {  	[spmem:s2] =	stream.indirect.scatter.add.f32 [tilespmem:s11], [sflag:$0x1], $0x80, s3, s13, $0xb8;
	[tilespmem:$0x18400] =	vst v63  }
0x50: {  	_ =	swait.ge [sflag:s12], $0x4000  }
0x51: {  	[sflag:s12] =	ssyncset.done $0x0  }
0x52: {  	[sflag:s12] =	ssyncadd.s32 $0xFFFFC000  }
0x53: {  	[spmem:s2] =	stream.indirect.scatter.add.f32 [tilespmem:s11], [sflag:$0x1], $0x80, s13, s13, $0xb8;
	[tilespmem:$0x18400] =	vst v63  }
0x54: {  	_ =	swait.ge [sflag:s12], $0x4000  }
0x55: {  	[sflag:s12] =	ssyncset.done $0x0  }
0x56: {  	[sflag:s12] =	ssyncadd.s32 $0xFFFFC000  }
0x57: {  	[spmem:s2] =	stream.indirect.scatter.add.f32 [tilespmem:s11], [sflag:$0x1], $0x80, s14, s13, $0xb8;
	[tilespmem:$0x18400] =	vst v63  }
0x58: {  	_ =	swait.ge [sflag:s12], $0x4000  }
0x59: {  	[sflag:s12] =	ssyncset.done $0x0  }
0x5a: {  	[sflag:s12] =	ssyncadd.s32 $0xFFFFC000  }
0x5b: {  	[spmem:s2] =	stream.indirect.scatter.add.f32 [tilespmem:s11], [sflag:$0x1], $0x80, s15, s13, $0xb8;
	[tilespmem:$0x18400] =	vst v63  }
0x5c: {  	_ =	swait.ge [sflag:s12], $0x4000  }
0x5d: {  	[sflag:s12] =	ssyncset.done $0x0  }
0x5e: {  	[sflag:s12] =	ssyncadd.s32 $0xFFFFC000  }
0x5f: {  	[spmem:s2] =	stream.indirect.scatter.add.f32 [tilespmem:s11], [sflag:$0x1], $0x80, s16, s13, $0xb8;
	[tilespmem:$0x18400] =	vst v63  }
0x60: {  	_ =	swait.ge [sflag:s12], $0x4000  }
0x61: {  	[sflag:s12] =	ssyncset.done $0x0  }
0x62: {  	[sflag:s12] =	ssyncadd.s32 $0xFFFFC000  }
0x63: {  	[spmem:s2] =	stream.indirect.scatter.add.f32 [tilespmem:s11], [sflag:$0x1], $0x80, s17, s13, $0xb8;
	[tilespmem:$0x18400] =	vst v63  }
0x64: {  	_ =	swait.ge [sflag:s12], $0x4000  }
0x65: {  	[sflag:s12] =	ssyncset.done $0x0  }
0x66: {  	[sflag:s12] =	ssyncadd.s32 $0xFFFFC000  }
0x67: {  	[spmem:s2] =	stream.indirect.scatter.add.f32 [tilespmem:s11], [sflag:$0x1], $0x80, s18, s13, $0xb8;
	[tilespmem:$0x18400] =	vst v63  }
0x68: {  	_ =	swait.ge [sflag:s12], $0x4000  }
0x69: {  	[sflag:s12] =	ssyncset.done $0x0  }
0x6a: {  	[sflag:s12] =	ssyncadd.s32 $0xFFFFC000  }
0x6b: {  	[spmem:s2] =	stream.indirect.scatter.add.f32 [tilespmem:s11], [sflag:$0x1], $0x80, s19, s13, $0xb8;
	[tilespmem:$0x18400] =	vst v63  }
0x6c: {  	_ =	swait.ge [sflag:s12], $0x4000  }
0x6d: {  	s26 =	simm.s32 $0x80;
	s29 =	simm.s32 $0x100;
	[sflag:s12] =	ssyncset.done $0x0  }
.LBB2_6:
0x6e: {  	s30 =	sadd.s32 s26, s9  }
0x6f: {  	[sflag:s12] =	ssyncadd.s32 $0xFFFFC000;
	s26 =	smov.u32 s29;
	s28 =	sadd.s32 $0x80, s29  }
0x70: {  	[tilespmem:s3], [sflag:$0x1] =	stream.linear.gather [hbm4b:s30+s3], $0x400, $0x38;
	[tilespmem:$0x18400] =	vst v63  }
0x71: {  	p0 =	sne.s32 s29, $0x480;
	_ =	swait.ge [sflag:s12], $0x400  }
0x72: {  	[sflag:s12] =	ssyncset.done $0x0  }
0x73: {  	[sflag:s12] =	ssyncadd.s32 $0xFFFFFC00  }
0x74: {  	[spmem:s2] =	stream.indirect.scatter.add.f32 [tilespmem:s11], [sflag:$0x1], $0x80, s3, s13, $0xb8;
	[tilespmem:$0x18400] =	vst v63  }
0x75: {  	_ =	swait.ge [sflag:s12], $0x4000  }
0x76: {  	[sflag:s12] =	ssyncset.done $0x0  }
0x77: {  	[sflag:s12] =	ssyncadd.s32 $0xFFFFC000  }
0x78: {  	[spmem:s2] =	stream.indirect.scatter.add.f32 [tilespmem:s11], [sflag:$0x1], $0x80, s13, s13, $0xb8;
	[tilespmem:$0x18400] =	vst v63  }
0x79: {  	_ =	swait.ge [sflag:s12], $0x4000  }
0x7a: {  	[sflag:s12] =	ssyncset.done $0x0  }
0x7b: {  	[sflag:s12] =	ssyncadd.s32 $0xFFFFC000  }
0x7c: {  	[spmem:s2] =	stream.indirect.scatter.add.f32 [tilespmem:s11], [sflag:$0x1], $0x80, s14, s13, $0xb8;
	[tilespmem:$0x18400] =	vst v63  }
0x7d: {  	_ =	swait.ge [sflag:s12], $0x4000  }
0x7e: {  	[sflag:s12] =	ssyncset.done $0x0  }
0x7f: {  	[sflag:s12] =	ssyncadd.s32 $0xFFFFC000  }
0x80: {  	[spmem:s2] =	stream.indirect.scatter.add.f32 [tilespmem:s11], [sflag:$0x1], $0x80, s15, s13, $0xb8;
	[tilespmem:$0x18400] =	vst v63  }
0x81: {  	_ =	swait.ge [sflag:s12], $0x4000  }
0x82: {  	[sflag:s12] =	ssyncset.done $0x0  }
0x83: {  	[sflag:s12] =	ssyncadd.s32 $0xFFFFC000  }
0x84: {  	[spmem:s2] =	stream.indirect.scatter.add.f32 [tilespmem:s11], [sflag:$0x1], $0x80, s16, s13, $0xb8;
	[tilespmem:$0x18400] =	vst v63  }
0x85: {  	_ =	swait.ge [sflag:s12], $0x4000  }
0x86: {  	[sflag:s12] =	ssyncset.done $0x0  }
0x87: {  	[sflag:s12] =	ssyncadd.s32 $0xFFFFC000  }
0x88: {  	[spmem:s2] =	stream.indirect.scatter.add.f32 [tilespmem:s11], [sflag:$0x1], $0x80, s17, s13, $0xb8;
	[tilespmem:$0x18400] =	vst v63  }
0x89: {  	_ =	swait.ge [sflag:s12], $0x4000  }
0x8a: {  	[sflag:s12] =	ssyncset.done $0x0  }
0x8b: {  	[sflag:s12] =	ssyncadd.s32 $0xFFFFC000  }
0x8c: {  	[spmem:s2] =	stream.indirect.scatter.add.f32 [tilespmem:s11], [sflag:$0x1], $0x80, s18, s13, $0xb8;
	[tilespmem:$0x18400] =	vst v63  }
0x8d: {  	_ =	swait.ge [sflag:s12], $0x4000  }
.Ltmp2:
0x8e: {  	[sflag:s12] =	ssyncset.done $0x0;
	(pc) =	sbr.rel @p0 .LBB2_6-.Ltmp2, $4  }
0x8f: {  	[sflag:s12] =	ssyncadd.s32 $0xFFFFC000  }
0x90: {  	[spmem:s2] =	stream.indirect.scatter.add.f32 [tilespmem:s11], [sflag:$0x1], $0x80, s19, s13, $0xb8;
	[tilespmem:$0x18400] =	vst v63  }
0x91: {  	_ =	swait.ge [sflag:s12], $0x4000  }
0x92: {  	s29 =	smov.u32 s28;
	[sflag:s12] =	ssyncset.done $0x0  }
0x93: {  	s26 =	sadd.s32 s26, s9;
	[sflag:s12] =	ssyncadd.s32 $0xFFFFC000  }
0x94: {  	[tilespmem:s3], [sflag:$0x1] =	stream.linear.gather [hbm4b:s26+s3], $0x400, $0x38;
	[tilespmem:$0x18400] =	vst v63  }
0x95: {  	_ =	swait.ge [sflag:s12], $0x400  }
0x96: {  	[sflag:s12] =	ssyncset.done $0x0  }
0x97: {  	[sflag:s12] =	ssyncadd.s32 $0xFFFFFC00  }
0x98: {  	[spmem:s2] =	stream.indirect.scatter.add.f32 [tilespmem:s11], [sflag:$0x1], $0x80, s3, s13, $0xb8;
	[tilespmem:$0x18400] =	vst v63  }
0x99: {  	_ =	swait.ge [sflag:s12], $0x4000  }
0x9a: {  	[sflag:s12] =	ssyncset.done $0x0  }
0x9b: {  	[sflag:s12] =	ssyncadd.s32 $0xFFFFC000  }
0x9c: {  	[spmem:s2] =	stream.indirect.scatter.add.f32 [tilespmem:s11], [sflag:$0x1], $0x80, s13, s13, $0xb8;
	[tilespmem:$0x18400] =	vst v63  }
0x9d: {  	_ =	swait.ge [sflag:s12], $0x4000  }
0x9e: {  	[sflag:s12] =	ssyncset.done $0x0  }
0x9f: {  	[sflag:s12] =	ssyncadd.s32 $0xFFFFC000  }
0xa0: {  	[spmem:s2] =	stream.indirect.scatter.add.f32 [tilespmem:s11], [sflag:$0x1], $0x80, s14, s13, $0xb8;
	[tilespmem:$0x18400] =	vst v63  }
0xa1: {  	_ =	swait.ge [sflag:s12], $0x4000  }
0xa2: {  	[sflag:s12] =	ssyncset.done $0x0  }
0xa3: {  	[sflag:s12] =	ssyncadd.s32 $0xFFFFC000  }
0xa4: {  	[spmem:s2] =	stream.indirect.scatter.add.f32 [tilespmem:s11], [sflag:$0x1], $0x80, s15, s13, $0xb8;
	[tilespmem:$0x18400] =	vst v63  }
0xa5: {  	_ =	swait.ge [sflag:s12], $0x4000  }
0xa6: {  	[sflag:s12] =	ssyncset.done $0x0  }
0xa7: {  	[sflag:s12] =	ssyncadd.s32 $0xFFFFC000  }
0xa8: {  	[spmem:s2] =	stream.indirect.scatter.add.f32 [tilespmem:s11], [sflag:$0x1], $0x80, s16, s13, $0xb8;
	[tilespmem:$0x18400] =	vst v63  }
0xa9: {  	_ =	swait.ge [sflag:s12], $0x4000  }
0xaa: {  	[sflag:s12] =	ssyncset.done $0x0  }
0xab: {  	[sflag:s12] =	ssyncadd.s32 $0xFFFFC000  }
0xac: {  	[spmem:s2] =	stream.indirect.scatter.add.f32 [tilespmem:s11], [sflag:$0x1], $0x80, s17, s13, $0xb8;
	[tilespmem:$0x18400] =	vst v63  }
0xad: {  	_ =	swait.ge [sflag:s12], $0x4000  }
0xae: {  	[sflag:s12] =	ssyncset.done $0x0  }
0xaf: {  	[sflag:s12] =	ssyncadd.s32 $0xFFFFC000  }
0xb0: {  	[spmem:s2] =	stream.indirect.scatter.add.f32 [tilespmem:s11], [sflag:$0x1], $0x80, s18, s13, $0xb8;
	[tilespmem:$0x18400] =	vst v63  }
0xb1: {  	_ =	swait.ge [sflag:s12], $0x4000  }
0xb2: {  	[sflag:s12] =	ssyncset.done $0x0  }
0xb3: {  	[sflag:s12] =	ssyncadd.s32 $0xFFFFC000  }
0xb4: {  	[spmem:s2] =	stream.indirect.scatter.add.f32 [tilespmem:s11], [sflag:$0x1], $0x80, s19, s13, $0xb8;
	[tilespmem:$0x18400] =	vst v63  }
0xb5: {  	_ =	swait.ge [sflag:s12], $0x4000  }
0xb6: {  	[sflag:s12] =	ssyncset.done $0x0  }
0xb7: {  	[sflag:s12] =	ssyncadd.s32 $0xFFFFC000  }
0xb8: {  	[bflag:$0x0] =	sbarrier.arrive $0xFFFF  }
0xb9: {  	[tilespmem:s11], [sflag:$0x1] =	stream.linear.gather [spmem:s4], $0x4000, $0x38;
	[tilespmem:$0x18400] =	vst v63  }
0xba: {  	_ =	swait.ge [sflag:s12], $0x4000  }
0xbb: {  	[sflag:s12] =	ssyncset.done $0x0  }
0xbc: {  	[sflag:s12] =	ssyncadd.s32 $0xFFFFC000  }
0xbd: {  	[hbm4b:s20+s3] =	stream.linear.scatter [tilespmem:s11], [sflag:$0x1], $0x4000, $0x38;
	[tilespmem:$0x18400] =	vst v63  }
0xbe: {  	_ =	swait.ge [sflag:s12], $0x4000  }
0xbf: {  	[sflag:s12] =	ssyncset.done $0x0  }
0xc0: {  	[sflag:s12] =	ssyncadd.s32 $0xFFFFC000  }
0xc1: {  	[tilespmem:s11], [sflag:$0x1] =	stream.linear.gather [spmem:s5], $0x4000, $0x38;
	[tilespmem:$0x18400] =	vst v63  }
0xc2: {  	_ =	swait.ge [sflag:s12], $0x4000  }
0xc3: {  	[sflag:s12] =	ssyncset.done $0x0  }
0xc4: {  	[sflag:s12] =	ssyncadd.s32 $0xFFFFC000  }
0xc5: {  	[hbm4b:s21+s3] =	stream.linear.scatter [tilespmem:s11], [sflag:$0x1], $0x4000, $0x38;
	[tilespmem:$0x18400] =	vst v63  }
0xc6: {  	_ =	swait.ge [sflag:s12], $0x4000  }
0xc7: {  	[sflag:s12] =	ssyncset.done $0x0  }
0xc8: {  	[sflag:s12] =	ssyncadd.s32 $0xFFFFC000  }
0xc9: {  	[tilespmem:s11], [sflag:$0x1] =	stream.linear.gather [spmem:s6], $0x4000, $0x38;
	[tilespmem:$0x18400] =	vst v63  }
0xca: {  	_ =	swait.ge [sflag:s12], $0x4000  }
0xcb: {  	[sflag:s12] =	ssyncset.done $0x0  }
0xcc: {  	[sflag:s12] =	ssyncadd.s32 $0xFFFFC000  }
0xcd: {  	[hbm4b:s22+s3] =	stream.linear.scatter [tilespmem:s11], [sflag:$0x1], $0x4000, $0x38;
	[tilespmem:$0x18400] =	vst v63  }
0xce: {  	_ =	swait.ge [sflag:s12], $0x4000  }
0xcf: {  	[sflag:s12] =	ssyncset.done $0x0  }
0xd0: {  	[sflag:s12] =	ssyncadd.s32 $0xFFFFC000  }
0xd1: {  	[tilespmem:s11], [sflag:$0x1] =	stream.linear.gather [spmem:s7], $0x4000, $0x38;
	[tilespmem:$0x18400] =	vst v63  }
0xd2: {  	_ =	swait.ge [sflag:s12], $0x4000  }
0xd3: {  	[sflag:s12] =	ssyncset.done $0x0  }
0xd4: {  	[sflag:s12] =	ssyncadd.s32 $0xFFFFC000  }
0xd5: {  	[hbm4b:s23+s3] =	stream.linear.scatter [tilespmem:s11], [sflag:$0x1], $0x4000, $0x38;
	[tilespmem:$0x18400] =	vst v63  }
0xd6: {  	_ =	swait.ge [sflag:s12], $0x4000  }
0xd7: {  	[sflag:s12] =	ssyncset.done $0x0  }
0xd8: {  	[sflag:s12] =	ssyncadd.s32 $0xFFFFC000  }
0xd9: {  	[tilespmem:s11], [sflag:$0x1] =	stream.linear.gather [spmem:s8], $0x4000, $0x38;
	[tilespmem:$0x18400] =	vst v63  }
0xda: {  	s25 =	sadd.s32 $0x1, s25;
	_ =	swait.ge [sflag:s12], $0x4000  }
0xdb: {  	p0 =	sne.s32 s25, s10;
	[sflag:s12] =	ssyncset.done $0x0  }
.Ltmp3:
0xdc: {  	[sflag:s12] =	ssyncadd.s32 $0xFFFFC000;
	(pc) =	sbr.rel @p0 .LBB2_1-.Ltmp3, $4  }
0xdd: {  	[hbm4b:s24+s3] =	stream.linear.scatter [tilespmem:s11], [sflag:$0x1], $0x4000, $0x38;
	[tilespmem:$0x18400] =	vst v63  }
0xde: {  	_ =	swait.ge [sflag:s12], $0x4000  }
0xdf: {  	[sflag:s12] =	ssyncset.done $0x0  }
0xe0: {  	[sflag:s12] =	ssyncadd.s32 $0xFFFFC000  }
0xe1: {  	_ =	sfence.sel $0x180000  }
0xe2: {  	[bflag:$0x0] =	sbarrier.arrive $0xFFFF  }
0xe3: {  	p0 =	sne.s32 s0, $0x0;
	_ =	strace $0x9000004A  }
0xe4: {  	s0 =	sadd.s32 @!p0 $0x100000, s1;
	[bflag:$0x2] =	sbarrier.arrive $0xFFFF  }
0xe5: {  	[sflag:s0] =	ssyncadd.tile.s32 @!p0 $0x1;
	_ =	shalt  }
.Lfunc_end2:
_tile_overlayer_lowered:
.L_overlay_start_2:
0xe6: {  	(tag) =	ssettag $0x2  }
0xe7: {  	s0 =	rddreg [dreg:$0x0];
	s2 =	stileid.u32  }
0xe8: {  	s1 =	rddreg [dreg:$0x1];
	p0 =	sne.s32 s2, $0x0  }
0xe9: {  	s3 =	rddreg [dreg:$0x2];
	[bflag:$0x3] =	sbarrier.arrive $0xFFFF;
	s2 =	simm.s32 @!p0 $0x1C01  }
0xea: {  	[timem:s3], [sflag:s2] =	dma.local @!p0 [hbm:s0], s1  }
0xeb: {  	s0 =	simm.s32 @!p0 $0x1  }
0xec: {  	_ =	swait.ge @!p0 [sflag:s0], s1  }
0xed: {  	s1 =	ssub.s32 @!p0 $0x0, s1;
	[sflag:s0] =	ssyncset.done @!p0 $0x0  }
0xee: {  	[sflag:s0] =	ssyncadd.s32 @!p0 s1  }
0xef: {  	[bflag:$0x3] =	sbarrier.arrive $0xFFFF  }
0xf0: {  	_ =	shalt  }

</sc_bundles>
